<compile_context>
chip_gen: v7x
topology: tpu7x:2x2x1
jax: 0.10.2.dev20260603
libtpu: 0.0.44.dev20260713+nightly
codegen_flags: <defaults>
</compile_context>

<pallas_src>
import functools

import jax
import jax.numpy as jnp
from jax import lax
from jax.experimental import pallas as pl
from jax.experimental.pallas import tpu as pltpu
from jax.experimental.pallas import tpu_sc as plsc

_KS = (1832780943, 270669613)
_KU = (64467757, 2916123636)
_NEG_INF = -1.0e9
_TINY = 1.1754943508222875e-38
_INT_MAX = 2147483647


def _threefry2x32(k0, k1, x0, x1):
    ks0 = jnp.uint32(k0)
    ks1 = jnp.uint32(k1)
    ks2 = jnp.uint32(k0 ^ k1 ^ 0x1BD11BDA)
    ks = (ks0, ks1, ks2)
    rot = ((13, 15, 26, 6), (17, 29, 16, 24))
    x0 = x0 + ks0
    x1 = x1 + ks1
    for g in range(5):
        for r in rot[g % 2]:
            x0 = x0 + x1
            x1 = (x1 << r) | (x1 >> (32 - r))
            x1 = x1 ^ x0
        x0 = x0 + ks[(g + 1) % 3]
        x1 = x1 + ks[(g + 2) % 3] + jnp.uint32(g + 1)
    return x0, x1


def _random_u01(key, flat_idx_u32):
    b0, b1 = _threefry2x32(key[0], key[1], jnp.zeros_like(flat_idx_u32), flat_idx_u32)
    bits = b0 ^ b1
    fbits = (bits >> 9) | jnp.uint32(0x3F800000)
    return jax.lax.bitcast_convert_type(fbits, jnp.float32) - jnp.float32(1.0)


def _lane_shuffle(x, perm):
    dnums = lax.GatherDimensionNumbers(
        offset_dims=(), collapsed_slice_dims=(0,), start_index_map=(0,))
    return lax.gather(x, perm[:, None], dnums, (1,),
                      mode=lax.GatherScatterMode.PROMISE_IN_BOUNDS)


def _gumbel(flat_idx_u32):
    f = _random_u01(_KS, flat_idx_u32)
    u = jnp.maximum(jnp.float32(_TINY),
                    f * jnp.float32(1.0 - _TINY) + jnp.float32(_TINY))
    return -jnp.log(-jnp.log(u))



def _tc_body(step_ref, tgt_ref, x_ref,
             m_ref, s_ref, bv_ref, bi_ref, xt_ref, tc_ref,
             cb_ref, *, B, L, V, BV, NV):
    j = pl.program_id(0)

    @pl.when(j == 0)
    def _init():
        m_ref[...] = jnp.full((B, 1), -jnp.inf, jnp.float32)
        s_ref[...] = jnp.zeros((B, 1), jnp.float32)
        bv_ref[...] = jnp.full((B, 1), -jnp.inf, jnp.float32)
        bi_ref[...] = jnp.zeros((B, 1), jnp.int32)
        xt_ref[...] = jnp.zeros((B, 1), jnp.float32)
        colL = jax.lax.broadcasted_iota(jnp.int32, (B, L), 1)
        tc_ref[...] = jnp.sum(jnp.where(colL == step_ref[0], tgt_ref[...], 0),
                              axis=1, keepdims=True)
        row = jax.lax.broadcasted_iota(jnp.int32, (B, BV), 0)
        colb = jax.lax.broadcasted_iota(jnp.int32, (B, BV), 1)
        cb_ref[...] = row * V + colb

    def sweep(masked):
        x = x_ref[...]
        col0 = j * BV
        cnt = (cb_ref[...] + col0).astype(jnp.uint32)
        g = _gumbel(cnt)
        val = x + g
        if masked:
            col = jax.lax.broadcasted_iota(jnp.int32, (B, BV), 1) + col0
            valid = col < V
            val = jnp.where(valid, val, -jnp.inf)
        lm = jnp.max(val, axis=1, keepdims=True)
        eqcol = jax.lax.broadcasted_iota(jnp.int32, (B, BV), 1)
        li = col0 + jnp.min(jnp.where(val == lm, eqcol, _INT_MAX),
                            axis=1, keepdims=True)
        upd = lm > bv_ref[...]
        bi_ref[...] = jnp.where(upd, li, bi_ref[...])
        bv_ref[...] = jnp.where(upd, lm, bv_ref[...])

        xm = jnp.where(valid, x, -jnp.inf) if masked else x
        bm = jnp.max(xm, axis=1, keepdims=True)
        m_old = m_ref[...]
        m_new = jnp.maximum(m_old, bm)
        e = jnp.exp(x - m_new)
        if masked:
            e = jnp.where(valid, e, jnp.float32(0.0))
        s_ref[...] = (s_ref[...] * jnp.exp(m_old - m_new)
                      + jnp.sum(e, axis=1, keepdims=True))
        m_ref[...] = m_new

        xt_ref[...] += jnp.sum(
            jnp.where(eqcol == tc_ref[...] - col0, x, jnp.float32(0.0)),
            axis=1, keepdims=True)

    @pl.when(j < NV - 1)
    def _main():
        sweep(masked=False)

    @pl.when(j == NV - 1)
    def _last():
        sweep(masked=True)


def _tc_sweep(target, logits, stepi):
    B, L = target.shape
    _, V = logits.shape
    BV = 2048
    NV = pl.cdiv(V, BV)
    body = functools.partial(_tc_body, B=B, L=L, V=V, BV=BV, NV=NV)
    acc = lambda: pl.BlockSpec((B, 1), lambda j: (0, 0))
    return pl.pallas_call(
        body,
        grid=(NV,),
        in_specs=[
            pl.BlockSpec(memory_space=pltpu.SMEM),
            pl.BlockSpec((B, L), lambda j: (0, 0)),
            pl.BlockSpec((B, BV), lambda j: (0, j)),
        ],
        out_specs=[acc(), acc(), acc(), acc(), acc(), acc()],
        out_shape=[
            jax.ShapeDtypeStruct((B, 1), jnp.float32),
            jax.ShapeDtypeStruct((B, 1), jnp.float32),
            jax.ShapeDtypeStruct((B, 1), jnp.float32),
            jax.ShapeDtypeStruct((B, 1), jnp.int32),
            jax.ShapeDtypeStruct((B, 1), jnp.float32),
            jax.ShapeDtypeStruct((B, 1), jnp.int32),
        ],
        scratch_shapes=[pltpu.VMEM((B, BV), jnp.int32)],
        compiler_params=pltpu.CompilerParams(
            dimension_semantics=("arbitrary",),
        ),
    )(stepi, target, logits)



def _sc_rand_tgt(target):
    B, L = target.shape
    NC, NS = 2, 16
    NW = NC * NS
    RW = B // NW
    NITER = L // 16

    mesh = plsc.VectorSubcoreMesh(core_axis_name="c", subcore_axis_name="s",
                                  num_cores=NC, num_subcores=NS)

    @functools.partial(
        pl.kernel,
        out_type=jax.ShapeDtypeStruct((NW, 16), jnp.int32),
        mesh=mesh,
        scratch_types=[
            pltpu.VMEM((RW, L), jnp.int32),
            pltpu.VMEM((16,), jnp.int32),
        ],
    )
    def k(tgt_hbm, out_hbm, tv, ov):
        wid = lax.axis_index("c") * NS + lax.axis_index("s")
        base = wid * RW
        pltpu.sync_copy(tgt_hbm.at[pl.ds(base, RW)], tv)
        lane = lax.broadcasted_iota(jnp.int32, (16,), 0)
        acc = jnp.zeros((16,), jnp.int32)
        for r in range(RW):
            rowbase = (base + r) * L

            def it(c, carry):
                bval, bidx, btok = carry
                idx = lane + c * 16
                t16 = tv[r, pl.ds(c * 16, 16)]
                u = _random_u01(_KU, (rowbase + idx).astype(jnp.uint32))
                rv = jnp.where(t16 > 0, u, u + jnp.float32(_NEG_INF))
                upd = rv > bval
                return (jnp.where(upd, rv, bval), jnp.where(upd, idx, bidx),
                        jnp.where(upd, t16, btok))

            bval, bidx, btok = lax.fori_loop(
                0, NITER, it,
                (jnp.full((16,), -jnp.inf, jnp.float32),
                 jnp.zeros((16,), jnp.int32),
                 jnp.zeros((16,), jnp.int32)))
            for k in (1, 2, 4, 8):
                perm = lane ^ k
                pv = _lane_shuffle(bval, perm)
                pi = _lane_shuffle(bidx, perm)
                pt = _lane_shuffle(btok, perm)
                gt = pv > bval
                swap = gt | ((pv == bval) & (pi < bidx))
                bidx = jnp.where(swap, pi, bidx)
                btok = jnp.where(swap, pt, btok)
                bval = jnp.maximum(bval, pv)
            acc = jnp.where(lane == r, btok, acc)
        ov[...] = acc
        pltpu.sync_copy(ov, out_hbm.at[wid])

    return k(target)



def _combine_body(thr_ref, m_ref, s_ref, bv_ref, bi_ref, xt_ref, tc_ref,
                  rt_ref, out_ref):
    conf = jnp.exp(xt_ref[...] - m_ref[...]) / s_ref[...]
    sel = jnp.where(conf < thr_ref[0], tc_ref[...],
                    jnp.where(conf < thr_ref[1], bi_ref[...], rt_ref[...]))
    out_ref[...] = sel
    del bv_ref


def _combine(thr, m, s, bv, bi, xt, tc, rt):
    B = m.shape[0]
    full = lambda: pl.BlockSpec((B, 1), lambda: (0, 0))
    return pl.pallas_call(
        _combine_body,
        in_specs=[pl.BlockSpec(memory_space=pltpu.SMEM)] + [full()] * 7,
        out_specs=full(),
        out_shape=jax.ShapeDtypeStruct((B, 1), jnp.int32),
    )(thr, m, s, bv, bi, xt, tc, rt)


def kernel(target, logits, step, summary_step):
    del summary_step
    B, L = target.shape

    stepi = jnp.asarray(step, jnp.int32).reshape((1,))
    gold = jnp.float32(0.9) * jnp.exp(-jnp.asarray(step, jnp.float32) / 20000.0)
    randp = gold + jnp.float32(0.5) * (jnp.float32(1.0) - gold)
    thr = jnp.stack([gold, randp]).astype(jnp.float32)

    m, s, bv, bi, xt, tc = _tc_sweep(target, logits, stepi)
    rt_rows = _sc_rand_tgt(target)

    NW = rt_rows.shape[0]
    RW = B // NW
    rt = rt_rows[:, :RW].reshape(B, 1)

    out = _combine(thr, m, s, bv, bi, xt, tc, rt)
    return out.astype(target.dtype)

# --- scband reference (transcript-rebuilt; emitter-appended) ---
"""Pipeline reference for scband-confidence-scheduled-sampling-73778948210975 (READ-ONLY COPY).

The authoritative reference and input builder live on the scoring server;
editing this copy changes nothing except your own understanding.
"""

import jax, jax.numpy as jnp
import numpy as np

_NEG_INF = -1.0e9

# --- init_kwargs callables, realized as concrete functions ---

def gold_prob_thr_func(step):
    # exponentially decaying probability of feeding the gold token
    return 0.9 * jnp.exp(-jnp.asarray(step, jnp.float32) / 20000.0)


def rand_prob_thr_func(step):
    g = gold_prob_thr_func(step)
    return g + 0.5 * (1.0 - g)


def confidence_func(probs, tgt):
    # model confidence = probability assigned to the gold token at `step`
    return jnp.take_along_axis(probs, tgt, axis=-1)


def setup_inputs(seed: int = 0) -> dict:
    key = jax.random.key(seed)
    k1, k2 = jax.random.split(key)
    B, L, V = 128, 2048, 100000
    target = jax.random.randint(k1, (B, L), 0, V, dtype=jnp.int32)
    logits = jax.random.normal(k2, (B, V), dtype=jnp.float32)
    return {"target": target, "logits": logits, "step": 1024, "summary_step": 100}


def reference(target, logits, step, summary_step):
    key = jax.random.key(42)
    ks, ku = jax.random.split(key)
    # log_prob_fn = log_softmax (default)
    log_probs = jax.nn.log_softmax(logits, axis=-1)
    # tf.random.categorical(log_probs, 1)
    samples = jax.random.categorical(ks, log_probs, axis=-1)[:, None].astype(target.dtype)
    # ground truth token at current decode step
    ground_truth = target[:, step][:, None]
    # random non-pad token from each target sequence
    rand_num = jax.random.uniform(ku, target.shape, dtype=jnp.float32)
    target_mask = (target > 0).astype(rand_num.dtype)
    rand_num = rand_num + (1.0 - target_mask) * _NEG_INF
    _, rand_indices = jax.lax.top_k(rand_num, 1)
    rand_tgt = jnp.take_along_axis(target, rand_indices, axis=1).astype(target.dtype)
    # schedules
    gold_prob = gold_prob_thr_func(step)
    rand_prob = rand_prob_thr_func(step)
    # prob_fn = softmax (default)
    tgt = jax.lax.dynamic_slice_in_dim(target, step, 1, axis=1)
    probs = jax.nn.softmax(logits, axis=-1)
    confidence = confidence_func(probs, tgt)
    gold_prob = gold_prob.astype(confidence.dtype)
    rand_prob = rand_prob.astype(confidence.dtype)
    selected = jnp.where(confidence < gold_prob, ground_truth,
                         jnp.where(confidence < rand_prob, samples, rand_tgt))
    return selected.astype(target.dtype)


if False:  # reference __main__ guard neutralized (emitter)
    out = reference(**setup_inputs())
    print(out.shape, out.dtype)

if __name__ == "__main__":
    import jax
    _d = setup_inputs()
    print(jax.jit(kernel)(*tuple(_d.values())))

</pallas_src>

<mosaic_0001>
#map = affine_map<(d0, d1) -> (0, 0)>
module attributes {stable_mosaic.version = 14 : i64} {
  func.func @k(%arg0: i32, %arg1: i32, %arg2: memref<128x2048xi32, #tpu.memory_space<hbm>>, %arg3: memref<32x16xi32, #tpu.memory_space<hbm>>, %arg4: memref<4x2048xi32, #tpu.memory_space<vmem>>, %arg5: memref<16xi32, #tpu.memory_space<vmem>>) attributes {dimension_semantics = [#tpu.dimension_semantics<core_parallel>, #tpu.dimension_semantics<subcore_parallel>], iteration_bounds = array<i64: 2, 16>, scalar_prefetch = 0 : i64, scratch_operands = 2 : i64, tpu.core_type = #tpu.core_type<sc_vector_subcore>, window_params = [{transform_indices = #map}, {transform_indices = #map}]} {
    %mul3A = arith.constant 16 : i32
    %mul3A_0 = arith.muli %arg0, %mul3A : i32
    %add3A = arith.addi %mul3A_0, %arg1 : i32
    %mul3A_1 = arith.constant 4 : i32
    %mul3A_2 = arith.muli %add3A, %mul3A_1 : i32
    "tpu.region"() ({
      %run_scoped3A = tpu.sem_alloc : memref<!tpu.dma_semaphore, #tpu.memory_space<semaphore_mem>>
      %dma_start3A = arith.constant 0 : i32
      %dma_start3A_397 = tpu.memref_slice %arg2[%mul3A_2, %dma_start3A] : memref<128x2048xi32, #tpu.memory_space<hbm>> -> memref<4x2048xi32, #tpu.memory_space<hbm>>
      %dma_start3A_398 = arith.constant 0 : i32
      %dma_start3A_399 = tpu.memref_slice %arg2[%mul3A_2, %dma_start3A_398] : memref<128x2048xi32, #tpu.memory_space<hbm>> -> memref<4x2048xi32, #tpu.memory_space<hbm>>
      tpu.enqueue_dma source(%dma_start3A_399 : memref<4x2048xi32, #tpu.memory_space<hbm>>) target(%arg4 : memref<4x2048xi32, #tpu.memory_space<vmem>>) target_semaphore(%run_scoped3A : memref<!tpu.dma_semaphore, #tpu.memory_space<semaphore_mem>>)
      %dma_wait3A = arith.constant 0 : i32
      %dma_wait3A_400 = tpu.memref_slice %arg2[%mul3A_2, %dma_wait3A] : memref<128x2048xi32, #tpu.memory_space<hbm>> -> memref<4x2048xi32, #tpu.memory_space<hbm>>
      %dma_wait3A_401 = arith.constant 0 : i32
      %dma_wait3A_402 = tpu.memref_slice %arg2[%mul3A_2, %dma_wait3A_401] : memref<128x2048xi32, #tpu.memory_space<hbm>> -> memref<4x2048xi32, #tpu.memory_space<hbm>>
      tpu.wait_dma2 semaphore(%run_scoped3A : memref<!tpu.dma_semaphore, #tpu.memory_space<semaphore_mem>>) src(%dma_wait3A_402 : memref<4x2048xi32, #tpu.memory_space<hbm>>) dst(%arg4 : memref<4x2048xi32, #tpu.memory_space<vmem>>)
      tpu.yield
    }) : () -> ()
    %iota3A = tpu.iota {dimensions = array<i32: 0>} : vector<16xi32>
    %broadcast_in_dim3A = arith.constant 0 : i32
    %broadcast_in_dim3A_3 = vector.broadcast %broadcast_in_dim3A : i32 to vector<16xi32>
    %add3A_4 = arith.constant 0 : i32
    %add3A_5 = arith.addi %mul3A_2, %add3A_4 : i32
    %mul3A_6 = arith.constant 2048 : i32
    %mul3A_7 = arith.muli %add3A_5, %mul3A_6 : i32
    %broadcast_in_dim3A_8 = arith.constant 0xFF800000 : f32
    %broadcast_in_dim3A_9 = vector.broadcast %broadcast_in_dim3A_8 : f32 to vector<16xf32>
    %broadcast_in_dim3A_10 = arith.constant 0 : i32
    %broadcast_in_dim3A_11 = vector.broadcast %broadcast_in_dim3A_10 : i32 to vector<16xi32>
    %broadcast_in_dim3A_12 = arith.constant 0 : i32
    %broadcast_in_dim3A_13 = vector.broadcast %broadcast_in_dim3A_12 : i32 to vector<16xi32>
    %scan3A = arith.constant 0 : i32
    %scan3A_14 = arith.constant 128 : i32
    %scan3A_15 = arith.addi %scan3A, %scan3A_14 : i32
    %scan3A_16 = arith.constant 1 : i32
    %scan3A_17:3 = scf.for %scan3A_397 = %scan3A to %scan3A_15 step %scan3A_16 iter_args(%scan3A_398 = %broadcast_in_dim3A_9, %scan3A_399 = %broadcast_in_dim3A_11, %scan3A_400 = %broadcast_in_dim3A_13) -> (vector<16xf32>, vector<16xi32>, vector<16xi32>)  : i32 {
      %mul3A_401 = arith.constant 16 : i32
      %mul3A_402 = arith.muli %scan3A_397, %mul3A_401 : i32
      %add3A_403 = vector.broadcast %mul3A_402 : i32 to vector<16xi32>
      %add3A_404 = arith.addi %iota3A, %add3A_403 : vector<16xi32>
      %mul3A_405 = arith.constant 16 : i32
      %mul3A_406 = arith.muli %scan3A_397, %mul3A_405 : i32
      %get3A = arith.constant 0 : i32
      %get3A_407 = arith.index_cast %get3A : i32 to index
      %get3A_408 = arith.index_cast %mul3A_406 : i32 to index
      %get3A_409 = tpu.vector_load %arg4[%get3A_407, %get3A_408] {strides = array<i32>} : memref<4x2048xi32, #tpu.memory_space<vmem>>, vector<1x16xi32>,
      %get3A_410 = vector.shape_cast %get3A_409 : vector<1x16xi32> to vector<16xi32>
      %add3A_411 = vector.broadcast %mul3A_7 : i32 to vector<16xi32>
      %add3A_412 = arith.addi %add3A_411, %add3A_404 : vector<16xi32>
      %broadcast_in_dim3A_413 = arith.constant 0 : i32
      %broadcast_in_dim3A_414 = vector.broadcast %broadcast_in_dim3A_413 : i32 to vector<16xi32>
      %add3A_415 = arith.constant 64467757 : i32
      %add3A_416 = vector.broadcast %add3A_415 : i32 to vector<16xi32>
      %add3A_417 = arith.addi %broadcast_in_dim3A_414, %add3A_416 : vector<16xi32>
      %add3A_418 = arith.constant -1378843660 : i32
      %add3A_419 = vector.broadcast %add3A_418 : i32 to vector<16xi32>
      %add3A_420 = arith.addi %add3A_412, %add3A_419 : vector<16xi32>
      %add3A_421 = arith.addi %add3A_417, %add3A_420 : vector<16xi32>
      %shift_left3A = arith.constant 13 : i32
      %shift_left3A_422 = vector.broadcast %shift_left3A : i32 to vector<16xi32>
      %shift_left3A_423 = arith.shli %add3A_420, %shift_left3A_422 : vector<16xi32>
      %shift_right_logical3A = arith.constant 19 : i32
      %shift_right_logical3A_424 = vector.broadcast %shift_right_logical3A : i32 to vector<16xi32>
      %shift_right_logical3A_425 = arith.shrui %add3A_420, %shift_right_logical3A_424 : vector<16xi32>
      %or3A_426 = arith.ori %shift_left3A_423, %shift_right_logical3A_425 : vector<16xi32>
      %xor3A_427 = arith.xori %or3A_426, %add3A_421 : vector<16xi32>
      %add3A_428 = arith.addi %add3A_421, %xor3A_427 : vector<16xi32>
      %shift_left3A_429 = arith.constant 15 : i32
      %shift_left3A_430 = vector.broadcast %shift_left3A_429 : i32 to vector<16xi32>
      %shift_left3A_431 = arith.shli %xor3A_427, %shift_left3A_430 : vector<16xi32>
      %shift_right_logical3A_432 = arith.constant 17 : i32
      %shift_right_logical3A_433 = vector.broadcast %shift_right_logical3A_432 : i32 to vector<16xi32>
      %shift_right_logical3A_434 = arith.shrui %xor3A_427, %shift_right_logical3A_433 : vector<16xi32>
      %or3A_435 = arith.ori %shift_left3A_431, %shift_right_logical3A_434 : vector<16xi32>
      %xor3A_436 = arith.xori %or3A_435, %add3A_428 : vector<16xi32>
      %add3A_437 = arith.addi %add3A_428, %xor3A_436 : vector<16xi32>
      %shift_left3A_438 = arith.constant 26 : i32
      %shift_left3A_439 = vector.broadcast %shift_left3A_438 : i32 to vector<16xi32>
      %shift_left3A_440 = arith.shli %xor3A_436, %shift_left3A_439 : vector<16xi32>
      %shift_right_logical3A_441 = arith.constant 6 : i32
      %shift_right_logical3A_442 = vector.broadcast %shift_right_logical3A_441 : i32 to vector<16xi32>
      %shift_right_logical3A_443 = arith.shrui %xor3A_436, %shift_right_logical3A_442 : vector<16xi32>
      %or3A_444 = arith.ori %shift_left3A_440, %shift_right_logical3A_443 : vector<16xi32>
      %xor3A_445 = arith.xori %or3A_444, %add3A_437 : vector<16xi32>
      %add3A_446 = arith.addi %add3A_437, %xor3A_445 : vector<16xi32>
      %shift_left3A_447 = arith.constant 6 : i32
      %shift_left3A_448 = vector.broadcast %shift_left3A_447 : i32 to vector<16xi32>
      %shift_left3A_449 = arith.shli %xor3A_445, %shift_left3A_448 : vector<16xi32>
      %shift_right_logical3A_450 = arith.constant 26 : i32
      %shift_right_logical3A_451 = vector.broadcast %shift_right_logical3A_450 : i32 to vector<16xi32>
      %shift_right_logical3A_452 = arith.shrui %xor3A_445, %shift_right_logical3A_451 : vector<16xi32>
      %or3A_453 = arith.ori %shift_left3A_449, %shift_right_logical3A_452 : vector<16xi32>
      %xor3A_454 = arith.xori %or3A_453, %add3A_446 : vector<16xi32>
      %add3A_455 = arith.constant -1378843660 : i32
      %add3A_456 = vector.broadcast %add3A_455 : i32 to vector<16xi32>
      %add3A_457 = arith.addi %add3A_446, %add3A_456 : vector<16xi32>
      %add3A_458 = arith.constant -1244255485 : i32
      %add3A_459 = vector.broadcast %add3A_458 : i32 to vector<16xi32>
      %add3A_460 = arith.addi %xor3A_454, %add3A_459 : vector<16xi32>
      %add3A_461 = arith.constant 1 : i32
      %add3A_462 = vector.broadcast %add3A_461 : i32 to vector<16xi32>
      %add3A_463 = arith.addi %add3A_460, %add3A_462 : vector<16xi32>
      %add3A_464 = arith.addi %add3A_457, %add3A_463 : vector<16xi32>
      %shift_left3A_465 = arith.constant 17 : i32
      %shift_left3A_466 = vector.broadcast %shift_left3A_465 : i32 to vector<16xi32>
      %shift_left3A_467 = arith.shli %add3A_463, %shift_left3A_466 : vector<16xi32>
      %shift_right_logical3A_468 = arith.constant 15 : i32
      %shift_right_logical3A_469 = vector.broadcast %shift_right_logical3A_468 : i32 to vector<16xi32>
      %shift_right_logical3A_470 = arith.shrui %add3A_463, %shift_right_logical3A_469 : vector<16xi32>
      %or3A_471 = arith.ori %shift_left3A_467, %shift_right_logical3A_470 : vector<16xi32>
      %xor3A_472 = arith.xori %or3A_471, %add3A_464 : vector<16xi32>
      %add3A_473 = arith.addi %add3A_464, %xor3A_472 : vector<16xi32>
      %shift_left3A_474 = arith.constant 29 : i32
      %shift_left3A_475 = vector.broadcast %shift_left3A_474 : i32 to vector<16xi32>
      %shift_left3A_476 = arith.shli %xor3A_472, %shift_left3A_475 : vector<16xi32>
      %shift_right_logical3A_477 = arith.constant 3 : i32
      %shift_right_logical3A_478 = vector.broadcast %shift_right_logical3A_477 : i32 to vector<16xi32>
      %shift_right_logical3A_479 = arith.shrui %xor3A_472, %shift_right_logical3A_478 : vector<16xi32>
      %or3A_480 = arith.ori %shift_left3A_476, %shift_right_logical3A_479 : vector<16xi32>
      %xor3A_481 = arith.xori %or3A_480, %add3A_473 : vector<16xi32>
      %add3A_482 = arith.addi %add3A_473, %xor3A_481 : vector<16xi32>
      %shift_left3A_483 = arith.constant 16 : i32
      %shift_left3A_484 = vector.broadcast %shift_left3A_483 : i32 to vector<16xi32>
      %shift_left3A_485 = arith.shli %xor3A_481, %shift_left3A_484 : vector<16xi32>
      %shift_right_logical3A_486 = arith.constant 16 : i32
      %shift_right_logical3A_487 = vector.broadcast %shift_right_logical3A_486 : i32 to vector<16xi32>
      %shift_right_logical3A_488 = arith.shrui %xor3A_481, %shift_right_logical3A_487 : vector<16xi32>
      %or3A_489 = arith.ori %shift_left3A_485, %shift_right_logical3A_488 : vector<16xi32>
      %xor3A_490 = arith.xori %or3A_489, %add3A_482 : vector<16xi32>
      %add3A_491 = arith.addi %add3A_482, %xor3A_490 : vector<16xi32>
      %shift_left3A_492 = arith.constant 24 : i32
      %shift_left3A_493 = vector.broadcast %shift_left3A_492 : i32 to vector<16xi32>
      %shift_left3A_494 = arith.shli %xor3A_490, %shift_left3A_493 : vector<16xi32>
      %shift_right_logical3A_495 = arith.constant 8 : i32
      %shift_right_logical3A_496 = vector.broadcast %shift_right_logical3A_495 : i32 to vector<16xi32>
      %shift_right_logical3A_497 = arith.shrui %xor3A_490, %shift_right_logical3A_496 : vector<16xi32>
      %or3A_498 = arith.ori %shift_left3A_494, %shift_right_logical3A_497 : vector<16xi32>
      %xor3A_499 = arith.xori %or3A_498, %add3A_491 : vector<16xi32>
      %add3A_500 = arith.constant -1244255485 : i32
      %add3A_501 = vector.broadcast %add3A_500 : i32 to vector<16xi32>
      %add3A_502 = arith.addi %add3A_491, %add3A_501 : vector<16xi32>
      %add3A_503 = arith.constant 64467757 : i32
      %add3A_504 = vector.broadcast %add3A_503 : i32 to vector<16xi32>
      %add3A_505 = arith.addi %xor3A_499, %add3A_504 : vector<16xi32>
      %add3A_506 = arith.constant 2 : i32
      %add3A_507 = vector.broadcast %add3A_506 : i32 to vector<16xi32>
      %add3A_508 = arith.addi %add3A_505, %add3A_507 : vector<16xi32>
      %add3A_509 = arith.addi %add3A_502, %add3A_508 : vector<16xi32>
      %shift_left3A_510 = arith.constant 13 : i32
      %shift_left3A_511 = vector.broadcast %shift_left3A_510 : i32 to vector<16xi32>
      %shift_left3A_512 = arith.shli %add3A_508, %shift_left3A_511 : vector<16xi32>
      %shift_right_logical3A_513 = arith.constant 19 : i32
      %shift_right_logical3A_514 = vector.broadcast %shift_right_logical3A_513 : i32 to vector<16xi32>
      %shift_right_logical3A_515 = arith.shrui %add3A_508, %shift_right_logical3A_514 : vector<16xi32>
      %or3A_516 = arith.ori %shift_left3A_512, %shift_right_logical3A_515 : vector<16xi32>
      %xor3A_517 = arith.xori %or3A_516, %add3A_509 : vector<16xi32>
      %add3A_518 = arith.addi %add3A_509, %xor3A_517 : vector<16xi32>
      %shift_left3A_519 = arith.constant 15 : i32
      %shift_left3A_520 = vector.broadcast %shift_left3A_519 : i32 to vector<16xi32>
      %shift_left3A_521 = arith.shli %xor3A_517, %shift_left3A_520 : vector<16xi32>
      %shift_right_logical3A_522 = arith.constant 17 : i32
      %shift_right_logical3A_523 = vector.broadcast %shift_right_logical3A_522 : i32 to vector<16xi32>
      %shift_right_logical3A_524 = arith.shrui %xor3A_517, %shift_right_logical3A_523 : vector<16xi32>
      %or3A_525 = arith.ori %shift_left3A_521, %shift_right_logical3A_524 : vector<16xi32>
      %xor3A_526 = arith.xori %or3A_525, %add3A_518 : vector<16xi32>
      %add3A_527 = arith.addi %add3A_518, %xor3A_526 : vector<16xi32>
      %shift_left3A_528 = arith.constant 26 : i32
      %shift_left3A_529 = vector.broadcast %shift_left3A_528 : i32 to vector<16xi32>
      %shift_left3A_530 = arith.shli %xor3A_526, %shift_left3A_529 : vector<16xi32>
      %shift_right_logical3A_531 = arith.constant 6 : i32
      %shift_right_logical3A_532 = vector.broadcast %shift_right_logical3A_531 : i32 to vector<16xi32>
      %shift_right_logical3A_533 = arith.shrui %xor3A_526, %shift_right_logical3A_532 : vector<16xi32>
      %or3A_534 = arith.ori %shift_left3A_530, %shift_right_logical3A_533 : vector<16xi32>
      %xor3A_535 = arith.xori %or3A_534, %add3A_527 : vector<16xi32>
      %add3A_536 = arith.addi %add3A_527, %xor3A_535 : vector<16xi32>
      %shift_left3A_537 = arith.constant 6 : i32
      %shift_left3A_538 = vector.broadcast %shift_left3A_537 : i32 to vector<16xi32>
      %shift_left3A_539 = arith.shli %xor3A_535, %shift_left3A_538 : vector<16xi32>
      %shift_right_logical3A_540 = arith.constant 26 : i32
      %shift_right_logical3A_541 = vector.broadcast %shift_right_logical3A_540 : i32 to vector<16xi32>
      %shift_right_logical3A_542 = arith.shrui %xor3A_535, %shift_right_logical3A_541 : vector<16xi32>
      %or3A_543 = arith.ori %shift_left3A_539, %shift_right_logical3A_542 : vector<16xi32>
      %xor3A_544 = arith.xori %or3A_543, %add3A_536 : vector<16xi32>
      %add3A_545 = arith.constant 64467757 : i32
      %add3A_546 = vector.broadcast %add3A_545 : i32 to vector<16xi32>
      %add3A_547 = arith.addi %add3A_536, %add3A_546 : vector<16xi32>
      %add3A_548 = arith.constant -1378843660 : i32
      %add3A_549 = vector.broadcast %add3A_548 : i32 to vector<16xi32>
      %add3A_550 = arith.addi %xor3A_544, %add3A_549 : vector<16xi32>
      %add3A_551 = arith.constant 3 : i32
      %add3A_552 = vector.broadcast %add3A_551 : i32 to vector<16xi32>
      %add3A_553 = arith.addi %add3A_550, %add3A_552 : vector<16xi32>
      %add3A_554 = arith.addi %add3A_547, %add3A_553 : vector<16xi32>
      %shift_left3A_555 = arith.constant 17 : i32
      %shift_left3A_556 = vector.broadcast %shift_left3A_555 : i32 to vector<16xi32>
      %shift_left3A_557 = arith.shli %add3A_553, %shift_left3A_556 : vector<16xi32>
      %shift_right_logical3A_558 = arith.constant 15 : i32
      %shift_right_logical3A_559 = vector.broadcast %shift_right_logical3A_558 : i32 to vector<16xi32>
      %shift_right_logical3A_560 = arith.shrui %add3A_553, %shift_right_logical3A_559 : vector<16xi32>
      %or3A_561 = arith.ori %shift_left3A_557, %shift_right_logical3A_560 : vector<16xi32>
      %xor3A_562 = arith.xori %or3A_561, %add3A_554 : vector<16xi32>
      %add3A_563 = arith.addi %add3A_554, %xor3A_562 : vector<16xi32>
      %shift_left3A_564 = arith.constant 29 : i32
      %shift_left3A_565 = vector.broadcast %shift_left3A_564 : i32 to vector<16xi32>
      %shift_left3A_566 = arith.shli %xor3A_562, %shift_left3A_565 : vector<16xi32>
      %shift_right_logical3A_567 = arith.constant 3 : i32
      %shift_right_logical3A_568 = vector.broadcast %shift_right_logical3A_567 : i32 to vector<16xi32>
      %shift_right_logical3A_569 = arith.shrui %xor3A_562, %shift_right_logical3A_568 : vector<16xi32>
      %or3A_570 = arith.ori %shift_left3A_566, %shift_right_logical3A_569 : vector<16xi32>
      %xor3A_571 = arith.xori %or3A_570, %add3A_563 : vector<16xi32>
      %add3A_572 = arith.addi %add3A_563, %xor3A_571 : vector<16xi32>
      %shift_left3A_573 = arith.constant 16 : i32
      %shift_left3A_574 = vector.broadcast %shift_left3A_573 : i32 to vector<16xi32>
      %shift_left3A_575 = arith.shli %xor3A_571, %shift_left3A_574 : vector<16xi32>
      %shift_right_logical3A_576 = arith.constant 16 : i32
      %shift_right_logical3A_577 = vector.broadcast %shift_right_logical3A_576 : i32 to vector<16xi32>
      %shift_right_logical3A_578 = arith.shrui %xor3A_571, %shift_right_logical3A_577 : vector<16xi32>
      %or3A_579 = arith.ori %shift_left3A_575, %shift_right_logical3A_578 : vector<16xi32>
      %xor3A_580 = arith.xori %or3A_579, %add3A_572 : vector<16xi32>
      %add3A_581 = arith.addi %add3A_572, %xor3A_580 : vector<16xi32>
      %shift_left3A_582 = arith.constant 24 : i32
      %shift_left3A_583 = vector.broadcast %shift_left3A_582 : i32 to vector<16xi32>
      %shift_left3A_584 = arith.shli %xor3A_580, %shift_left3A_583 : vector<16xi32>
      %shift_right_logical3A_585 = arith.constant 8 : i32
      %shift_right_logical3A_586 = vector.broadcast %shift_right_logical3A_585 : i32 to vector<16xi32>
      %shift_right_logical3A_587 = arith.shrui %xor3A_580, %shift_right_logical3A_586 : vector<16xi32>
      %or3A_588 = arith.ori %shift_left3A_584, %shift_right_logical3A_587 : vector<16xi32>
      %xor3A_589 = arith.xori %or3A_588, %add3A_581 : vector<16xi32>
      %add3A_590 = arith.constant -1378843660 : i32
      %add3A_591 = vector.broadcast %add3A_590 : i32 to vector<16xi32>
      %add3A_592 = arith.addi %add3A_581, %add3A_591 : vector<16xi32>
      %add3A_593 = arith.constant -1244255485 : i32
      %add3A_594 = vector.broadcast %add3A_593 : i32 to vector<16xi32>
      %add3A_595 = arith.addi %xor3A_589, %add3A_594 : vector<16xi32>
      %add3A_596 = arith.constant 4 : i32
      %add3A_597 = vector.broadcast %add3A_596 : i32 to vector<16xi32>
      %add3A_598 = arith.addi %add3A_595, %add3A_597 : vector<16xi32>
      %add3A_599 = arith.addi %add3A_592, %add3A_598 : vector<16xi32>
      %shift_left3A_600 = arith.constant 13 : i32
      %shift_left3A_601 = vector.broadcast %shift_left3A_600 : i32 to vector<16xi32>
      %shift_left3A_602 = arith.shli %add3A_598, %shift_left3A_601 : vector<16xi32>
      %shift_right_logical3A_603 = arith.constant 19 : i32
      %shift_right_logical3A_604 = vector.broadcast %shift_right_logical3A_603 : i32 to vector<16xi32>
      %shift_right_logical3A_605 = arith.shrui %add3A_598, %shift_right_logical3A_604 : vector<16xi32>
      %or3A_606 = arith.ori %shift_left3A_602, %shift_right_logical3A_605 : vector<16xi32>
      %xor3A_607 = arith.xori %or3A_606, %add3A_599 : vector<16xi32>
      %add3A_608 = arith.addi %add3A_599, %xor3A_607 : vector<16xi32>
      %shift_left3A_609 = arith.constant 15 : i32
      %shift_left3A_610 = vector.broadcast %shift_left3A_609 : i32 to vector<16xi32>
      %shift_left3A_611 = arith.shli %xor3A_607, %shift_left3A_610 : vector<16xi32>
      %shift_right_logical3A_612 = arith.constant 17 : i32
      %shift_right_logical3A_613 = vector.broadcast %shift_right_logical3A_612 : i32 to vector<16xi32>
      %shift_right_logical3A_614 = arith.shrui %xor3A_607, %shift_right_logical3A_613 : vector<16xi32>
      %or3A_615 = arith.ori %shift_left3A_611, %shift_right_logical3A_614 : vector<16xi32>
      %xor3A_616 = arith.xori %or3A_615, %add3A_608 : vector<16xi32>
      %add3A_617 = arith.addi %add3A_608, %xor3A_616 : vector<16xi32>
      %shift_left3A_618 = arith.constant 26 : i32
      %shift_left3A_619 = vector.broadcast %shift_left3A_618 : i32 to vector<16xi32>
      %shift_left3A_620 = arith.shli %xor3A_616, %shift_left3A_619 : vector<16xi32>
      %shift_right_logical3A_621 = arith.constant 6 : i32
      %shift_right_logical3A_622 = vector.broadcast %shift_right_logical3A_621 : i32 to vector<16xi32>
      %shift_right_logical3A_623 = arith.shrui %xor3A_616, %shift_right_logical3A_622 : vector<16xi32>
      %or3A_624 = arith.ori %shift_left3A_620, %shift_right_logical3A_623 : vector<16xi32>
      %xor3A_625 = arith.xori %or3A_624, %add3A_617 : vector<16xi32>
      %add3A_626 = arith.addi %add3A_617, %xor3A_625 : vector<16xi32>
      %shift_left3A_627 = arith.constant 6 : i32
      %shift_left3A_628 = vector.broadcast %shift_left3A_627 : i32 to vector<16xi32>
      %shift_left3A_629 = arith.shli %xor3A_625, %shift_left3A_628 : vector<16xi32>
      %shift_right_logical3A_630 = arith.constant 26 : i32
      %shift_right_logical3A_631 = vector.broadcast %shift_right_logical3A_630 : i32 to vector<16xi32>
      %shift_right_logical3A_632 = arith.shrui %xor3A_625, %shift_right_logical3A_631 : vector<16xi32>
      %or3A_633 = arith.ori %shift_left3A_629, %shift_right_logical3A_632 : vector<16xi32>
      %xor3A_634 = arith.xori %or3A_633, %add3A_626 : vector<16xi32>
      %add3A_635 = arith.constant -1244255485 : i32
      %add3A_636 = vector.broadcast %add3A_635 : i32 to vector<16xi32>
      %add3A_637 = arith.addi %add3A_626, %add3A_636 : vector<16xi32>
      %add3A_638 = arith.constant 64467757 : i32
      %add3A_639 = vector.broadcast %add3A_638 : i32 to vector<16xi32>
      %add3A_640 = arith.addi %xor3A_634, %add3A_639 : vector<16xi32>
      %add3A_641 = arith.constant 5 : i32
      %add3A_642 = vector.broadcast %add3A_641 : i32 to vector<16xi32>
      %add3A_643 = arith.addi %add3A_640, %add3A_642 : vector<16xi32>
      %xor3A_644 = arith.xori %add3A_637, %add3A_643 : vector<16xi32>
      %shift_right_logical3A_645 = arith.constant 9 : i32
      %shift_right_logical3A_646 = vector.broadcast %shift_right_logical3A_645 : i32 to vector<16xi32>
      %shift_right_logical3A_647 = arith.shrui %xor3A_644, %shift_right_logical3A_646 : vector<16xi32>
      %or3A_648 = arith.constant 1065353216 : i32
      %or3A_649 = vector.broadcast %or3A_648 : i32 to vector<16xi32>
      %or3A_650 = arith.ori %shift_right_logical3A_647, %or3A_649 : vector<16xi32>
      %bitcast_convert_type3A = tpu.bitcast %or3A_650 : vector<16xi32> -> vector<16xf32>
      %sub3A = arith.constant 1.000000e+00 : f32
      %sub3A_651 = vector.broadcast %sub3A : f32 to vector<16xf32>
      %sub3A_652 = arith.subf %bitcast_convert_type3A, %sub3A_651 : vector<16xf32>
      %gt3A_653 = arith.constant 0 : i32
      %gt3A_654 = vector.broadcast %gt3A_653 : i32 to vector<16xi32>
      %gt3A_655 = arith.cmpi sgt, %get3A_410, %gt3A_654 : vector<16xi32>
      %add3A_656 = arith.constant -1.000000e+09 : f32
      %add3A_657 = vector.broadcast %add3A_656 : f32 to vector<16xf32>
      %add3A_658 = arith.addf %sub3A_652, %add3A_657 : vector<16xf32>
      %select_n3A_659 = arith.select %gt3A_655, %sub3A_652, %add3A_658 : vector<16xi1>, vector<16xf32>
      %gt3A_660 = arith.cmpf ogt, %select_n3A_659, %scan3A_398 : vector<16xf32>
      %select_n3A_661 = arith.select %gt3A_660, %select_n3A_659, %scan3A_398 : vector<16xi1>, vector<16xf32>
      %select_n3A_662 = arith.select %gt3A_660, %add3A_404, %scan3A_399 : vector<16xi1>, vector<16xi32>
      %select_n3A_663 = arith.select %gt3A_660, %get3A_410, %scan3A_400 : vector<16xi1>, vector<16xi32>
      scf.yield %select_n3A_661, %select_n3A_662, %select_n3A_663 : vector<16xf32>, vector<16xi32>, vector<16xi32>
    }
    %scan3A_18 = arith.constant 128 : i32
    %xor3A = arith.constant 1 : i32
    %xor3A_19 = vector.broadcast %xor3A : i32 to vector<16xi32>
    %xor3A_20 = arith.xori %iota3A, %xor3A_19 : vector<16xi32>
    %broadcast_in_dim3A_21 = vector.shape_cast %xor3A_20 : vector<16xi32> to vector<16x1xi32>
    %gather3A = vector.shape_cast %broadcast_in_dim3A_21 : vector<16x1xi32> to vector<16xi32>
    %gather3A_22 = tpu.dynamic_gather %scan3A_17#0[%gather3A] in [0] : vector<16xf32>, vector<16xi32> -> vector<16xf32>
    %broadcast_in_dim3A_23 = vector.shape_cast %xor3A_20 : vector<16xi32> to vector<16x1xi32>
    %gather3A_24 = vector.shape_cast %broadcast_in_dim3A_23 : vector<16x1xi32> to vector<16xi32>
    %gather3A_25 = tpu.dynamic_gather %scan3A_17#1[%gather3A_24] in [0] : vector<16xi32>, vector<16xi32> -> vector<16xi32>
    %broadcast_in_dim3A_26 = vector.shape_cast %xor3A_20 : vector<16xi32> to vector<16x1xi32>
    %gather3A_27 = vector.shape_cast %broadcast_in_dim3A_26 : vector<16x1xi32> to vector<16xi32>
    %gather3A_28 = tpu.dynamic_gather %scan3A_17#2[%gather3A_27] in [0] : vector<16xi32>, vector<16xi32> -> vector<16xi32>
    %gt3A = arith.cmpf ogt, %gather3A_22, %scan3A_17#0 : vector<16xf32>
    %eq3A = arith.cmpf oeq, %gather3A_22, %scan3A_17#0 : vector<16xf32>
    %lt3A = arith.cmpi slt, %gather3A_25, %scan3A_17#1 : vector<16xi32>
    %and3A = arith.andi %eq3A, %lt3A : vector<16xi1>
    %or3A = arith.ori %gt3A, %and3A : vector<16xi1>
    %select_n3A = arith.select %or3A, %gather3A_25, %scan3A_17#1 : vector<16xi1>, vector<16xi32>
    %select_n3A_29 = arith.select %or3A, %gather3A_28, %scan3A_17#2 : vector<16xi1>, vector<16xi32>
    %max3A = arith.maximumf %scan3A_17#0, %gather3A_22 : vector<16xf32>
    %xor3A_30 = arith.constant 2 : i32
    %xor3A_31 = vector.broadcast %xor3A_30 : i32 to vector<16xi32>
    %xor3A_32 = arith.xori %iota3A, %xor3A_31 : vector<16xi32>
    %broadcast_in_dim3A_33 = vector.shape_cast %xor3A_32 : vector<16xi32> to vector<16x1xi32>
    %gather3A_34 = vector.shape_cast %broadcast_in_dim3A_33 : vector<16x1xi32> to vector<16xi32>
    %gather3A_35 = tpu.dynamic_gather %max3A[%gather3A_34] in [0] : vector<16xf32>, vector<16xi32> -> vector<16xf32>
    %broadcast_in_dim3A_36 = vector.shape_cast %xor3A_32 : vector<16xi32> to vector<16x1xi32>
    %gather3A_37 = vector.shape_cast %broadcast_in_dim3A_36 : vector<16x1xi32> to vector<16xi32>
    %gather3A_38 = tpu.dynamic_gather %select_n3A[%gather3A_37] in [0] : vector<16xi32>, vector<16xi32> -> vector<16xi32>
    %broadcast_in_dim3A_39 = vector.shape_cast %xor3A_32 : vector<16xi32> to vector<16x1xi32>
    %gather3A_40 = vector.shape_cast %broadcast_in_dim3A_39 : vector<16x1xi32> to vector<16xi32>
    %gather3A_41 = tpu.dynamic_gather %select_n3A_29[%gather3A_40] in [0] : vector<16xi32>, vector<16xi32> -> vector<16xi32>
    %gt3A_42 = arith.cmpf ogt, %gather3A_35, %max3A : vector<16xf32>
    %eq3A_43 = arith.cmpf oeq, %gather3A_35, %max3A : vector<16xf32>
    %lt3A_44 = arith.cmpi slt, %gather3A_38, %select_n3A : vector<16xi32>
    %and3A_45 = arith.andi %eq3A_43, %lt3A_44 : vector<16xi1>
    %or3A_46 = arith.ori %gt3A_42, %and3A_45 : vector<16xi1>
    %select_n3A_47 = arith.select %or3A_46, %gather3A_38, %select_n3A : vector<16xi1>, vector<16xi32>
    %select_n3A_48 = arith.select %or3A_46, %gather3A_41, %select_n3A_29 : vector<16xi1>, vector<16xi32>
    %max3A_49 = arith.maximumf %max3A, %gather3A_35 : vector<16xf32>
    %xor3A_50 = arith.constant 4 : i32
    %xor3A_51 = vector.broadcast %xor3A_50 : i32 to vector<16xi32>
    %xor3A_52 = arith.xori %iota3A, %xor3A_51 : vector<16xi32>
    %broadcast_in_dim3A_53 = vector.shape_cast %xor3A_52 : vector<16xi32> to vector<16x1xi32>
    %gather3A_54 = vector.shape_cast %broadcast_in_dim3A_53 : vector<16x1xi32> to vector<16xi32>
    %gather3A_55 = tpu.dynamic_gather %max3A_49[%gather3A_54] in [0] : vector<16xf32>, vector<16xi32> -> vector<16xf32>
    %broadcast_in_dim3A_56 = vector.shape_cast %xor3A_52 : vector<16xi32> to vector<16x1xi32>
    %gather3A_57 = vector.shape_cast %broadcast_in_dim3A_56 : vector<16x1xi32> to vector<16xi32>
    %gather3A_58 = tpu.dynamic_gather %select_n3A_47[%gather3A_57] in [0] : vector<16xi32>, vector<16xi32> -> vector<16xi32>
    %broadcast_in_dim3A_59 = vector.shape_cast %xor3A_52 : vector<16xi32> to vector<16x1xi32>
    %gather3A_60 = vector.shape_cast %broadcast_in_dim3A_59 : vector<16x1xi32> to vector<16xi32>
    %gather3A_61 = tpu.dynamic_gather %select_n3A_48[%gather3A_60] in [0] : vector<16xi32>, vector<16xi32> -> vector<16xi32>
    %gt3A_62 = arith.cmpf ogt, %gather3A_55, %max3A_49 : vector<16xf32>
    %eq3A_63 = arith.cmpf oeq, %gather3A_55, %max3A_49 : vector<16xf32>
    %lt3A_64 = arith.cmpi slt, %gather3A_58, %select_n3A_47 : vector<16xi32>
    %and3A_65 = arith.andi %eq3A_63, %lt3A_64 : vector<16xi1>
    %or3A_66 = arith.ori %gt3A_62, %and3A_65 : vector<16xi1>
    %select_n3A_67 = arith.select %or3A_66, %gather3A_58, %select_n3A_47 : vector<16xi1>, vector<16xi32>
    %select_n3A_68 = arith.select %or3A_66, %gather3A_61, %select_n3A_48 : vector<16xi1>, vector<16xi32>
    %max3A_69 = arith.maximumf %max3A_49, %gather3A_55 : vector<16xf32>
    %xor3A_70 = arith.constant 8 : i32
    %xor3A_71 = vector.broadcast %xor3A_70 : i32 to vector<16xi32>
    %xor3A_72 = arith.xori %iota3A, %xor3A_71 : vector<16xi32>
    %broadcast_in_dim3A_73 = vector.shape_cast %xor3A_72 : vector<16xi32> to vector<16x1xi32>
    %gather3A_74 = vector.shape_cast %broadcast_in_dim3A_73 : vector<16x1xi32> to vector<16xi32>
    %gather3A_75 = tpu.dynamic_gather %max3A_69[%gather3A_74] in [0] : vector<16xf32>, vector<16xi32> -> vector<16xf32>
    %broadcast_in_dim3A_76 = vector.shape_cast %xor3A_72 : vector<16xi32> to vector<16x1xi32>
    %gather3A_77 = vector.shape_cast %broadcast_in_dim3A_76 : vector<16x1xi32> to vector<16xi32>
    %gather3A_78 = tpu.dynamic_gather %select_n3A_67[%gather3A_77] in [0] : vector<16xi32>, vector<16xi32> -> vector<16xi32>
    %broadcast_in_dim3A_79 = vector.shape_cast %xor3A_72 : vector<16xi32> to vector<16x1xi32>
    %gather3A_80 = vector.shape_cast %broadcast_in_dim3A_79 : vector<16x1xi32> to vector<16xi32>
    %gather3A_81 = tpu.dynamic_gather %select_n3A_68[%gather3A_80] in [0] : vector<16xi32>, vector<16xi32> -> vector<16xi32>
    %gt3A_82 = arith.cmpf ogt, %gather3A_75, %max3A_69 : vector<16xf32>
    %eq3A_83 = arith.cmpf oeq, %gather3A_75, %max3A_69 : vector<16xf32>
    %lt3A_84 = arith.cmpi slt, %gather3A_78, %select_n3A_67 : vector<16xi32>
    %and3A_85 = arith.andi %eq3A_83, %lt3A_84 : vector<16xi1>
    %or3A_86 = arith.ori %gt3A_82, %and3A_85 : vector<16xi1>
    %select_n3A_87 = arith.select %or3A_86, %gather3A_78, %select_n3A_67 : vector<16xi1>, vector<16xi32>
    %select_n3A_88 = arith.select %or3A_86, %gather3A_81, %select_n3A_68 : vector<16xi1>, vector<16xi32>
    %max3A_89 = arith.maximumf %max3A_69, %gather3A_75 : vector<16xf32>
    %eq3A_90 = arith.constant 0 : i32
    %eq3A_91 = vector.broadcast %eq3A_90 : i32 to vector<16xi32>
    %eq3A_92 = arith.cmpi eq, %iota3A, %eq3A_91 : vector<16xi32>
    %select_n3A_93 = arith.select %eq3A_92, %select_n3A_88, %broadcast_in_dim3A_3 : vector<16xi1>, vector<16xi32>
    %add3A_94 = arith.constant 1 : i32
    %add3A_95 = arith.addi %mul3A_2, %add3A_94 : i32
    %mul3A_96 = arith.constant 2048 : i32
    %mul3A_97 = arith.muli %add3A_95, %mul3A_96 : i32
    %broadcast_in_dim3A_98 = arith.constant 0xFF800000 : f32
    %broadcast_in_dim3A_99 = vector.broadcast %broadcast_in_dim3A_98 : f32 to vector<16xf32>
    %broadcast_in_dim3A_100 = arith.constant 0 : i32
    %broadcast_in_dim3A_101 = vector.broadcast %broadcast_in_dim3A_100 : i32 to vector<16xi32>
    %broadcast_in_dim3A_102 = arith.constant 0 : i32
    %broadcast_in_dim3A_103 = vector.broadcast %broadcast_in_dim3A_102 : i32 to vector<16xi32>
    %scan3A_104 = arith.constant 0 : i32
    %scan3A_105 = arith.constant 128 : i32
    %scan3A_106 = arith.addi %scan3A_104, %scan3A_105 : i32
    %scan3A_107 = arith.constant 1 : i32
    %scan3A_108:3 = scf.for %scan3A_397 = %scan3A_104 to %scan3A_106 step %scan3A_107 iter_args(%scan3A_398 = %broadcast_in_dim3A_99, %scan3A_399 = %broadcast_in_dim3A_101, %scan3A_400 = %broadcast_in_dim3A_103) -> (vector<16xf32>, vector<16xi32>, vector<16xi32>)  : i32 {
      %mul3A_401 = arith.constant 16 : i32
      %mul3A_402 = arith.muli %scan3A_397, %mul3A_401 : i32
      %add3A_403 = vector.broadcast %mul3A_402 : i32 to vector<16xi32>
      %add3A_404 = arith.addi %iota3A, %add3A_403 : vector<16xi32>
      %mul3A_405 = arith.constant 16 : i32
      %mul3A_406 = arith.muli %scan3A_397, %mul3A_405 : i32
      %get3A = arith.constant 1 : i32
      %get3A_407 = arith.index_cast %get3A : i32 to index
      %get3A_408 = arith.index_cast %mul3A_406 : i32 to index
      %get3A_409 = tpu.vector_load %arg4[%get3A_407, %get3A_408] {strides = array<i32>} : memref<4x2048xi32, #tpu.memory_space<vmem>>, vector<1x16xi32>,
      %get3A_410 = vector.shape_cast %get3A_409 : vector<1x16xi32> to vector<16xi32>
      %add3A_411 = vector.broadcast %mul3A_97 : i32 to vector<16xi32>
      %add3A_412 = arith.addi %add3A_411, %add3A_404 : vector<16xi32>
      %broadcast_in_dim3A_413 = arith.constant 0 : i32
      %broadcast_in_dim3A_414 = vector.broadcast %broadcast_in_dim3A_413 : i32 to vector<16xi32>
      %add3A_415 = arith.constant 64467757 : i32
      %add3A_416 = vector.broadcast %add3A_415 : i32 to vector<16xi32>
      %add3A_417 = arith.addi %broadcast_in_dim3A_414, %add3A_416 : vector<16xi32>
      %add3A_418 = arith.constant -1378843660 : i32
      %add3A_419 = vector.broadcast %add3A_418 : i32 to vector<16xi32>
      %add3A_420 = arith.addi %add3A_412, %add3A_419 : vector<16xi32>
      %add3A_421 = arith.addi %add3A_417, %add3A_420 : vector<16xi32>
      %shift_left3A = arith.constant 13 : i32
      %shift_left3A_422 = vector.broadcast %shift_left3A : i32 to vector<16xi32>
      %shift_left3A_423 = arith.shli %add3A_420, %shift_left3A_422 : vector<16xi32>
      %shift_right_logical3A = arith.constant 19 : i32
      %shift_right_logical3A_424 = vector.broadcast %shift_right_logical3A : i32 to vector<16xi32>
      %shift_right_logical3A_425 = arith.shrui %add3A_420, %shift_right_logical3A_424 : vector<16xi32>
      %or3A_426 = arith.ori %shift_left3A_423, %shift_right_logical3A_425 : vector<16xi32>
      %xor3A_427 = arith.xori %or3A_426, %add3A_421 : vector<16xi32>
      %add3A_428 = arith.addi %add3A_421, %xor3A_427 : vector<16xi32>
      %shift_left3A_429 = arith.constant 15 : i32
      %shift_left3A_430 = vector.broadcast %shift_left3A_429 : i32 to vector<16xi32>
      %shift_left3A_431 = arith.shli %xor3A_427, %shift_left3A_430 : vector<16xi32>
      %shift_right_logical3A_432 = arith.constant 17 : i32
      %shift_right_logical3A_433 = vector.broadcast %shift_right_logical3A_432 : i32 to vector<16xi32>
      %shift_right_logical3A_434 = arith.shrui %xor3A_427, %shift_right_logical3A_433 : vector<16xi32>
      %or3A_435 = arith.ori %shift_left3A_431, %shift_right_logical3A_434 : vector<16xi32>
      %xor3A_436 = arith.xori %or3A_435, %add3A_428 : vector<16xi32>
      %add3A_437 = arith.addi %add3A_428, %xor3A_436 : vector<16xi32>
      %shift_left3A_438 = arith.constant 26 : i32
      %shift_left3A_439 = vector.broadcast %shift_left3A_438 : i32 to vector<16xi32>
      %shift_left3A_440 = arith.shli %xor3A_436, %shift_left3A_439 : vector<16xi32>
      %shift_right_logical3A_441 = arith.constant 6 : i32
      %shift_right_logical3A_442 = vector.broadcast %shift_right_logical3A_441 : i32 to vector<16xi32>
      %shift_right_logical3A_443 = arith.shrui %xor3A_436, %shift_right_logical3A_442 : vector<16xi32>
      %or3A_444 = arith.ori %shift_left3A_440, %shift_right_logical3A_443 : vector<16xi32>
      %xor3A_445 = arith.xori %or3A_444, %add3A_437 : vector<16xi32>
      %add3A_446 = arith.addi %add3A_437, %xor3A_445 : vector<16xi32>
      %shift_left3A_447 = arith.constant 6 : i32
      %shift_left3A_448 = vector.broadcast %shift_left3A_447 : i32 to vector<16xi32>
      %shift_left3A_449 = arith.shli %xor3A_445, %shift_left3A_448 : vector<16xi32>
      %shift_right_logical3A_450 = arith.constant 26 : i32
      %shift_right_logical3A_451 = vector.broadcast %shift_right_logical3A_450 : i32 to vector<16xi32>
      %shift_right_logical3A_452 = arith.shrui %xor3A_445, %shift_right_logical3A_451 : vector<16xi32>
      %or3A_453 = arith.ori %shift_left3A_449, %shift_right_logical3A_452 : vector<16xi32>
      %xor3A_454 = arith.xori %or3A_453, %add3A_446 : vector<16xi32>
      %add3A_455 = arith.constant -1378843660 : i32
      %add3A_456 = vector.broadcast %add3A_455 : i32 to vector<16xi32>
      %add3A_457 = arith.addi %add3A_446, %add3A_456 : vector<16xi32>
      %add3A_458 = arith.constant -1244255485 : i32
      %add3A_459 = vector.broadcast %add3A_458 : i32 to vector<16xi32>
      %add3A_460 = arith.addi %xor3A_454, %add3A_459 : vector<16xi32>
      %add3A_461 = arith.constant 1 : i32
      %add3A_462 = vector.broadcast %add3A_461 : i32 to vector<16xi32>
      %add3A_463 = arith.addi %add3A_460, %add3A_462 : vector<16xi32>
      %add3A_464 = arith.addi %add3A_457, %add3A_463 : vector<16xi32>
      %shift_left3A_465 = arith.constant 17 : i32
      %shift_left3A_466 = vector.broadcast %shift_left3A_465 : i32 to vector<16xi32>
      %shift_left3A_467 = arith.shli %add3A_463, %shift_left3A_466 : vector<16xi32>
      %shift_right_logical3A_468 = arith.constant 15 : i32
      %shift_right_logical3A_469 = vector.broadcast %shift_right_logical3A_468 : i32 to vector<16xi32>
      %shift_right_logical3A_470 = arith.shrui %add3A_463, %shift_right_logical3A_469 : vector<16xi32>
      %or3A_471 = arith.ori %shift_left3A_467, %shift_right_logical3A_470 : vector<16xi32>
      %xor3A_472 = arith.xori %or3A_471, %add3A_464 : vector<16xi32>
      %add3A_473 = arith.addi %add3A_464, %xor3A_472 : vector<16xi32>
      %shift_left3A_474 = arith.constant 29 : i32
      %shift_left3A_475 = vector.broadcast %shift_left3A_474 : i32 to vector<16xi32>
      %shift_left3A_476 = arith.shli %xor3A_472, %shift_left3A_475 : vector<16xi32>
      %shift_right_logical3A_477 = arith.constant 3 : i32
      %shift_right_logical3A_478 = vector.broadcast %shift_right_logical3A_477 : i32 to vector<16xi32>
      %shift_right_logical3A_479 = arith.shrui %xor3A_472, %shift_right_logical3A_478 : vector<16xi32>
      %or3A_480 = arith.ori %shift_left3A_476, %shift_right_logical3A_479 : vector<16xi32>
      %xor3A_481 = arith.xori %or3A_480, %add3A_473 : vector<16xi32>
      %add3A_482 = arith.addi %add3A_473, %xor3A_481 : vector<16xi32>
      %shift_left3A_483 = arith.constant 16 : i32
      %shift_left3A_484 = vector.broadcast %shift_left3A_483 : i32 to vector<16xi32>
      %shift_left3A_485 = arith.shli %xor3A_481, %shift_left3A_484 : vector<16xi32>
      %shift_right_logical3A_486 = arith.constant 16 : i32
      %shift_right_logical3A_487 = vector.broadcast %shift_right_logical3A_486 : i32 to vector<16xi32>
      %shift_right_logical3A_488 = arith.shrui %xor3A_481, %shift_right_logical3A_487 : vector<16xi32>
      %or3A_489 = arith.ori %shift_left3A_485, %shift_right_logical3A_488 : vector<16xi32>
      %xor3A_490 = arith.xori %or3A_489, %add3A_482 : vector<16xi32>
      %add3A_491 = arith.addi %add3A_482, %xor3A_490 : vector<16xi32>
      %shift_left3A_492 = arith.constant 24 : i32
      %shift_left3A_493 = vector.broadcast %shift_left3A_492 : i32 to vector<16xi32>
      %shift_left3A_494 = arith.shli %xor3A_490, %shift_left3A_493 : vector<16xi32>
      %shift_right_logical3A_495 = arith.constant 8 : i32
      %shift_right_logical3A_496 = vector.broadcast %shift_right_logical3A_495 : i32 to vector<16xi32>
      %shift_right_logical3A_497 = arith.shrui %xor3A_490, %shift_right_logical3A_496 : vector<16xi32>
      %or3A_498 = arith.ori %shift_left3A_494, %shift_right_logical3A_497 : vector<16xi32>
      %xor3A_499 = arith.xori %or3A_498, %add3A_491 : vector<16xi32>
      %add3A_500 = arith.constant -1244255485 : i32
      %add3A_501 = vector.broadcast %add3A_500 : i32 to vector<16xi32>
      %add3A_502 = arith.addi %add3A_491, %add3A_501 : vector<16xi32>
      %add3A_503 = arith.constant 64467757 : i32
      %add3A_504 = vector.broadcast %add3A_503 : i32 to vector<16xi32>
      %add3A_505 = arith.addi %xor3A_499, %add3A_504 : vector<16xi32>
      %add3A_506 = arith.constant 2 : i32
      %add3A_507 = vector.broadcast %add3A_506 : i32 to vector<16xi32>
      %add3A_508 = arith.addi %add3A_505, %add3A_507 : vector<16xi32>
      %add3A_509 = arith.addi %add3A_502, %add3A_508 : vector<16xi32>
      %shift_left3A_510 = arith.constant 13 : i32
      %shift_left3A_511 = vector.broadcast %shift_left3A_510 : i32 to vector<16xi32>
      %shift_left3A_512 = arith.shli %add3A_508, %shift_left3A_511 : vector<16xi32>
      %shift_right_logical3A_513 = arith.constant 19 : i32
      %shift_right_logical3A_514 = vector.broadcast %shift_right_logical3A_513 : i32 to vector<16xi32>
      %shift_right_logical3A_515 = arith.shrui %add3A_508, %shift_right_logical3A_514 : vector<16xi32>
      %or3A_516 = arith.ori %shift_left3A_512, %shift_right_logical3A_515 : vector<16xi32>
      %xor3A_517 = arith.xori %or3A_516, %add3A_509 : vector<16xi32>
      %add3A_518 = arith.addi %add3A_509, %xor3A_517 : vector<16xi32>
      %shift_left3A_519 = arith.constant 15 : i32
      %shift_left3A_520 = vector.broadcast %shift_left3A_519 : i32 to vector<16xi32>
      %shift_left3A_521 = arith.shli %xor3A_517, %shift_left3A_520 : vector<16xi32>
      %shift_right_logical3A_522 = arith.constant 17 : i32
      %shift_right_logical3A_523 = vector.broadcast %shift_right_logical3A_522 : i32 to vector<16xi32>
      %shift_right_logical3A_524 = arith.shrui %xor3A_517, %shift_right_logical3A_523 : vector<16xi32>
      %or3A_525 = arith.ori %shift_left3A_521, %shift_right_logical3A_524 : vector<16xi32>
      %xor3A_526 = arith.xori %or3A_525, %add3A_518 : vector<16xi32>
      %add3A_527 = arith.addi %add3A_518, %xor3A_526 : vector<16xi32>
      %shift_left3A_528 = arith.constant 26 : i32
      %shift_left3A_529 = vector.broadcast %shift_left3A_528 : i32 to vector<16xi32>
      %shift_left3A_530 = arith.shli %xor3A_526, %shift_left3A_529 : vector<16xi32>
      %shift_right_logical3A_531 = arith.constant 6 : i32
      %shift_right_logical3A_532 = vector.broadcast %shift_right_logical3A_531 : i32 to vector<16xi32>
      %shift_right_logical3A_533 = arith.shrui %xor3A_526, %shift_right_logical3A_532 : vector<16xi32>
      %or3A_534 = arith.ori %shift_left3A_530, %shift_right_logical3A_533 : vector<16xi32>
      %xor3A_535 = arith.xori %or3A_534, %add3A_527 : vector<16xi32>
      %add3A_536 = arith.addi %add3A_527, %xor3A_535 : vector<16xi32>
      %shift_left3A_537 = arith.constant 6 : i32
      %shift_left3A_538 = vector.broadcast %shift_left3A_537 : i32 to vector<16xi32>
      %shift_left3A_539 = arith.shli %xor3A_535, %shift_left3A_538 : vector<16xi32>
      %shift_right_logical3A_540 = arith.constant 26 : i32
      %shift_right_logical3A_541 = vector.broadcast %shift_right_logical3A_540 : i32 to vector<16xi32>
      %shift_right_logical3A_542 = arith.shrui %xor3A_535, %shift_right_logical3A_541 : vector<16xi32>
      %or3A_543 = arith.ori %shift_left3A_539, %shift_right_logical3A_542 : vector<16xi32>
      %xor3A_544 = arith.xori %or3A_543, %add3A_536 : vector<16xi32>
      %add3A_545 = arith.constant 64467757 : i32
      %add3A_546 = vector.broadcast %add3A_545 : i32 to vector<16xi32>
      %add3A_547 = arith.addi %add3A_536, %add3A_546 : vector<16xi32>
      %add3A_548 = arith.constant -1378843660 : i32
      %add3A_549 = vector.broadcast %add3A_548 : i32 to vector<16xi32>
      %add3A_550 = arith.addi %xor3A_544, %add3A_549 : vector<16xi32>
      %add3A_551 = arith.constant 3 : i32
      %add3A_552 = vector.broadcast %add3A_551 : i32 to vector<16xi32>
      %add3A_553 = arith.addi %add3A_550, %add3A_552 : vector<16xi32>
      %add3A_554 = arith.addi %add3A_547, %add3A_553 : vector<16xi32>
      %shift_left3A_555 = arith.constant 17 : i32
      %shift_left3A_556 = vector.broadcast %shift_left3A_555 : i32 to vector<16xi32>
      %shift_left3A_557 = arith.shli %add3A_553, %shift_left3A_556 : vector<16xi32>
      %shift_right_logical3A_558 = arith.constant 15 : i32
      %shift_right_logical3A_559 = vector.broadcast %shift_right_logical3A_558 : i32 to vector<16xi32>
      %shift_right_logical3A_560 = arith.shrui %add3A_553, %shift_right_logical3A_559 : vector<16xi32>
      %or3A_561 = arith.ori %shift_left3A_557, %shift_right_logical3A_560 : vector<16xi32>
      %xor3A_562 = arith.xori %or3A_561, %add3A_554 : vector<16xi32>
      %add3A_563 = arith.addi %add3A_554, %xor3A_562 : vector<16xi32>
      %shift_left3A_564 = arith.constant 29 : i32
      %shift_left3A_565 = vector.broadcast %shift_left3A_564 : i32 to vector<16xi32>
      %shift_left3A_566 = arith.shli %xor3A_562, %shift_left3A_565 : vector<16xi32>
      %shift_right_logical3A_567 = arith.constant 3 : i32
      %shift_right_logical3A_568 = vector.broadcast %shift_right_logical3A_567 : i32 to vector<16xi32>
      %shift_right_logical3A_569 = arith.shrui %xor3A_562, %shift_right_logical3A_568 : vector<16xi32>
      %or3A_570 = arith.ori %shift_left3A_566, %shift_right_logical3A_569 : vector<16xi32>
      %xor3A_571 = arith.xori %or3A_570, %add3A_563 : vector<16xi32>
      %add3A_572 = arith.addi %add3A_563, %xor3A_571 : vector<16xi32>
      %shift_left3A_573 = arith.constant 16 : i32
      %shift_left3A_574 = vector.broadcast %shift_left3A_573 : i32 to vector<16xi32>
      %shift_left3A_575 = arith.shli %xor3A_571, %shift_left3A_574 : vector<16xi32>
      %shift_right_logical3A_576 = arith.constant 16 : i32
      %shift_right_logical3A_577 = vector.broadcast %shift_right_logical3A_576 : i32 to vector<16xi32>
      %shift_right_logical3A_578 = arith.shrui %xor3A_571, %shift_right_logical3A_577 : vector<16xi32>
      %or3A_579 = arith.ori %shift_left3A_575, %shift_right_logical3A_578 : vector<16xi32>
      %xor3A_580 = arith.xori %or3A_579, %add3A_572 : vector<16xi32>
      %add3A_581 = arith.addi %add3A_572, %xor3A_580 : vector<16xi32>
      %shift_left3A_582 = arith.constant 24 : i32
      %shift_left3A_583 = vector.broadcast %shift_left3A_582 : i32 to vector<16xi32>
      %shift_left3A_584 = arith.shli %xor3A_580, %shift_left3A_583 : vector<16xi32>
      %shift_right_logical3A_585 = arith.constant 8 : i32
      %shift_right_logical3A_586 = vector.broadcast %shift_right_logical3A_585 : i32 to vector<16xi32>
      %shift_right_logical3A_587 = arith.shrui %xor3A_580, %shift_right_logical3A_586 : vector<16xi32>
      %or3A_588 = arith.ori %shift_left3A_584, %shift_right_logical3A_587 : vector<16xi32>
      %xor3A_589 = arith.xori %or3A_588, %add3A_581 : vector<16xi32>
      %add3A_590 = arith.constant -1378843660 : i32
      %add3A_591 = vector.broadcast %add3A_590 : i32 to vector<16xi32>
      %add3A_592 = arith.addi %add3A_581, %add3A_591 : vector<16xi32>
      %add3A_593 = arith.constant -1244255485 : i32
      %add3A_594 = vector.broadcast %add3A_593 : i32 to vector<16xi32>
      %add3A_595 = arith.addi %xor3A_589, %add3A_594 : vector<16xi32>
      %add3A_596 = arith.constant 4 : i32
      %add3A_597 = vector.broadcast %add3A_596 : i32 to vector<16xi32>
      %add3A_598 = arith.addi %add3A_595, %add3A_597 : vector<16xi32>
      %add3A_599 = arith.addi %add3A_592, %add3A_598 : vector<16xi32>
      %shift_left3A_600 = arith.constant 13 : i32
      %shift_left3A_601 = vector.broadcast %shift_left3A_600 : i32 to vector<16xi32>
      %shift_left3A_602 = arith.shli %add3A_598, %shift_left3A_601 : vector<16xi32>
      %shift_right_logical3A_603 = arith.constant 19 : i32
      %shift_right_logical3A_604 = vector.broadcast %shift_right_logical3A_603 : i32 to vector<16xi32>
      %shift_right_logical3A_605 = arith.shrui %add3A_598, %shift_right_logical3A_604 : vector<16xi32>
      %or3A_606 = arith.ori %shift_left3A_602, %shift_right_logical3A_605 : vector<16xi32>
      %xor3A_607 = arith.xori %or3A_606, %add3A_599 : vector<16xi32>
      %add3A_608 = arith.addi %add3A_599, %xor3A_607 : vector<16xi32>
      %shift_left3A_609 = arith.constant 15 : i32
      %shift_left3A_610 = vector.broadcast %shift_left3A_609 : i32 to vector<16xi32>
      %shift_left3A_611 = arith.shli %xor3A_607, %shift_left3A_610 : vector<16xi32>
      %shift_right_logical3A_612 = arith.constant 17 : i32
      %shift_right_logical3A_613 = vector.broadcast %shift_right_logical3A_612 : i32 to vector<16xi32>
      %shift_right_logical3A_614 = arith.shrui %xor3A_607, %shift_right_logical3A_613 : vector<16xi32>
      %or3A_615 = arith.ori %shift_left3A_611, %shift_right_logical3A_614 : vector<16xi32>
      %xor3A_616 = arith.xori %or3A_615, %add3A_608 : vector<16xi32>
      %add3A_617 = arith.addi %add3A_608, %xor3A_616 : vector<16xi32>
      %shift_left3A_618 = arith.constant 26 : i32
      %shift_left3A_619 = vector.broadcast %shift_left3A_618 : i32 to vector<16xi32>
      %shift_left3A_620 = arith.shli %xor3A_616, %shift_left3A_619 : vector<16xi32>
      %shift_right_logical3A_621 = arith.constant 6 : i32
      %shift_right_logical3A_622 = vector.broadcast %shift_right_logical3A_621 : i32 to vector<16xi32>
      %shift_right_logical3A_623 = arith.shrui %xor3A_616, %shift_right_logical3A_622 : vector<16xi32>
      %or3A_624 = arith.ori %shift_left3A_620, %shift_right_logical3A_623 : vector<16xi32>
      %xor3A_625 = arith.xori %or3A_624, %add3A_617 : vector<16xi32>
      %add3A_626 = arith.addi %add3A_617, %xor3A_625 : vector<16xi32>
      %shift_left3A_627 = arith.constant 6 : i32
      %shift_left3A_628 = vector.broadcast %shift_left3A_627 : i32 to vector<16xi32>
      %shift_left3A_629 = arith.shli %xor3A_625, %shift_left3A_628 : vector<16xi32>
      %shift_right_logical3A_630 = arith.constant 26 : i32
      %shift_right_logical3A_631 = vector.broadcast %shift_right_logical3A_630 : i32 to vector<16xi32>
      %shift_right_logical3A_632 = arith.shrui %xor3A_625, %shift_right_logical3A_631 : vector<16xi32>
      %or3A_633 = arith.ori %shift_left3A_629, %shift_right_logical3A_632 : vector<16xi32>
      %xor3A_634 = arith.xori %or3A_633, %add3A_626 : vector<16xi32>
      %add3A_635 = arith.constant -1244255485 : i32
      %add3A_636 = vector.broadcast %add3A_635 : i32 to vector<16xi32>
      %add3A_637 = arith.addi %add3A_626, %add3A_636 : vector<16xi32>
      %add3A_638 = arith.constant 64467757 : i32
      %add3A_639 = vector.broadcast %add3A_638 : i32 to vector<16xi32>
      %add3A_640 = arith.addi %xor3A_634, %add3A_639 : vector<16xi32>
      %add3A_641 = arith.constant 5 : i32
      %add3A_642 = vector.broadcast %add3A_641 : i32 to vector<16xi32>
      %add3A_643 = arith.addi %add3A_640, %add3A_642 : vector<16xi32>
      %xor3A_644 = arith.xori %add3A_637, %add3A_643 : vector<16xi32>
      %shift_right_logical3A_645 = arith.constant 9 : i32
      %shift_right_logical3A_646 = vector.broadcast %shift_right_logical3A_645 : i32 to vector<16xi32>
      %shift_right_logical3A_647 = arith.shrui %xor3A_644, %shift_right_logical3A_646 : vector<16xi32>
      %or3A_648 = arith.constant 1065353216 : i32
      %or3A_649 = vector.broadcast %or3A_648 : i32 to vector<16xi32>
      %or3A_650 = arith.ori %shift_right_logical3A_647, %or3A_649 : vector<16xi32>
      %bitcast_convert_type3A = tpu.bitcast %or3A_650 : vector<16xi32> -> vector<16xf32>
      %sub3A = arith.constant 1.000000e+00 : f32
      %sub3A_651 = vector.broadcast %sub3A : f32 to vector<16xf32>
      %sub3A_652 = arith.subf %bitcast_convert_type3A, %sub3A_651 : vector<16xf32>
      %gt3A_653 = arith.constant 0 : i32
      %gt3A_654 = vector.broadcast %gt3A_653 : i32 to vector<16xi32>
      %gt3A_655 = arith.cmpi sgt, %get3A_410, %gt3A_654 : vector<16xi32>
      %add3A_656 = arith.constant -1.000000e+09 : f32
      %add3A_657 = vector.broadcast %add3A_656 : f32 to vector<16xf32>
      %add3A_658 = arith.addf %sub3A_652, %add3A_657 : vector<16xf32>
      %select_n3A_659 = arith.select %gt3A_655, %sub3A_652, %add3A_658 : vector<16xi1>, vector<16xf32>
      %gt3A_660 = arith.cmpf ogt, %select_n3A_659, %scan3A_398 : vector<16xf32>
      %select_n3A_661 = arith.select %gt3A_660, %select_n3A_659, %scan3A_398 : vector<16xi1>, vector<16xf32>
      %select_n3A_662 = arith.select %gt3A_660, %add3A_404, %scan3A_399 : vector<16xi1>, vector<16xi32>
      %select_n3A_663 = arith.select %gt3A_660, %get3A_410, %scan3A_400 : vector<16xi1>, vector<16xi32>
      scf.yield %select_n3A_661, %select_n3A_662, %select_n3A_663 : vector<16xf32>, vector<16xi32>, vector<16xi32>
    }
    %scan3A_109 = arith.constant 128 : i32
    %xor3A_110 = arith.constant 1 : i32
    %xor3A_111 = vector.broadcast %xor3A_110 : i32 to vector<16xi32>
    %xor3A_112 = arith.xori %iota3A, %xor3A_111 : vector<16xi32>
    %broadcast_in_dim3A_113 = vector.shape_cast %xor3A_112 : vector<16xi32> to vector<16x1xi32>
    %gather3A_114 = vector.shape_cast %broadcast_in_dim3A_113 : vector<16x1xi32> to vector<16xi32>
    %gather3A_115 = tpu.dynamic_gather %scan3A_108#0[%gather3A_114] in [0] : vector<16xf32>, vector<16xi32> -> vector<16xf32>
    %broadcast_in_dim3A_116 = vector.shape_cast %xor3A_112 : vector<16xi32> to vector<16x1xi32>
    %gather3A_117 = vector.shape_cast %broadcast_in_dim3A_116 : vector<16x1xi32> to vector<16xi32>
    %gather3A_118 = tpu.dynamic_gather %scan3A_108#1[%gather3A_117] in [0] : vector<16xi32>, vector<16xi32> -> vector<16xi32>
    %broadcast_in_dim3A_119 = vector.shape_cast %xor3A_112 : vector<16xi32> to vector<16x1xi32>
    %gather3A_120 = vector.shape_cast %broadcast_in_dim3A_119 : vector<16x1xi32> to vector<16xi32>
    %gather3A_121 = tpu.dynamic_gather %scan3A_108#2[%gather3A_120] in [0] : vector<16xi32>, vector<16xi32> -> vector<16xi32>
    %gt3A_122 = arith.cmpf ogt, %gather3A_115, %scan3A_108#0 : vector<16xf32>
    %eq3A_123 = arith.cmpf oeq, %gather3A_115, %scan3A_108#0 : vector<16xf32>
    %lt3A_124 = arith.cmpi slt, %gather3A_118, %scan3A_108#1 : vector<16xi32>
    %and3A_125 = arith.andi %eq3A_123, %lt3A_124 : vector<16xi1>
    %or3A_126 = arith.ori %gt3A_122, %and3A_125 : vector<16xi1>
    %select_n3A_127 = arith.select %or3A_126, %gather3A_118, %scan3A_108#1 : vector<16xi1>, vector<16xi32>
    %select_n3A_128 = arith.select %or3A_126, %gather3A_121, %scan3A_108#2 : vector<16xi1>, vector<16xi32>
    %max3A_129 = arith.maximumf %scan3A_108#0, %gather3A_115 : vector<16xf32>
    %xor3A_130 = arith.constant 2 : i32
    %xor3A_131 = vector.broadcast %xor3A_130 : i32 to vector<16xi32>
    %xor3A_132 = arith.xori %iota3A, %xor3A_131 : vector<16xi32>
    %broadcast_in_dim3A_133 = vector.shape_cast %xor3A_132 : vector<16xi32> to vector<16x1xi32>
    %gather3A_134 = vector.shape_cast %broadcast_in_dim3A_133 : vector<16x1xi32> to vector<16xi32>
    %gather3A_135 = tpu.dynamic_gather %max3A_129[%gather3A_134] in [0] : vector<16xf32>, vector<16xi32> -> vector<16xf32>
    %broadcast_in_dim3A_136 = vector.shape_cast %xor3A_132 : vector<16xi32> to vector<16x1xi32>
    %gather3A_137 = vector.shape_cast %broadcast_in_dim3A_136 : vector<16x1xi32> to vector<16xi32>
    %gather3A_138 = tpu.dynamic_gather %select_n3A_127[%gather3A_137] in [0] : vector<16xi32>, vector<16xi32> -> vector<16xi32>
    %broadcast_in_dim3A_139 = vector.shape_cast %xor3A_132 : vector<16xi32> to vector<16x1xi32>
    %gather3A_140 = vector.shape_cast %broadcast_in_dim3A_139 : vector<16x1xi32> to vector<16xi32>
    %gather3A_141 = tpu.dynamic_gather %select_n3A_128[%gather3A_140] in [0] : vector<16xi32>, vector<16xi32> -> vector<16xi32>
    %gt3A_142 = arith.cmpf ogt, %gather3A_135, %max3A_129 : vector<16xf32>
    %eq3A_143 = arith.cmpf oeq, %gather3A_135, %max3A_129 : vector<16xf32>
    %lt3A_144 = arith.cmpi slt, %gather3A_138, %select_n3A_127 : vector<16xi32>
    %and3A_145 = arith.andi %eq3A_143, %lt3A_144 : vector<16xi1>
    %or3A_146 = arith.ori %gt3A_142, %and3A_145 : vector<16xi1>
    %select_n3A_147 = arith.select %or3A_146, %gather3A_138, %select_n3A_127 : vector<16xi1>, vector<16xi32>
    %select_n3A_148 = arith.select %or3A_146, %gather3A_141, %select_n3A_128 : vector<16xi1>, vector<16xi32>
    %max3A_149 = arith.maximumf %max3A_129, %gather3A_135 : vector<16xf32>
    %xor3A_150 = arith.constant 4 : i32
    %xor3A_151 = vector.broadcast %xor3A_150 : i32 to vector<16xi32>
    %xor3A_152 = arith.xori %iota3A, %xor3A_151 : vector<16xi32>
    %broadcast_in_dim3A_153 = vector.shape_cast %xor3A_152 : vector<16xi32> to vector<16x1xi32>
    %gather3A_154 = vector.shape_cast %broadcast_in_dim3A_153 : vector<16x1xi32> to vector<16xi32>
    %gather3A_155 = tpu.dynamic_gather %max3A_149[%gather3A_154] in [0] : vector<16xf32>, vector<16xi32> -> vector<16xf32>
    %broadcast_in_dim3A_156 = vector.shape_cast %xor3A_152 : vector<16xi32> to vector<16x1xi32>
    %gather3A_157 = vector.shape_cast %broadcast_in_dim3A_156 : vector<16x1xi32> to vector<16xi32>
    %gather3A_158 = tpu.dynamic_gather %select_n3A_147[%gather3A_157] in [0] : vector<16xi32>, vector<16xi32> -> vector<16xi32>
    %broadcast_in_dim3A_159 = vector.shape_cast %xor3A_152 : vector<16xi32> to vector<16x1xi32>
    %gather3A_160 = vector.shape_cast %broadcast_in_dim3A_159 : vector<16x1xi32> to vector<16xi32>
    %gather3A_161 = tpu.dynamic_gather %select_n3A_148[%gather3A_160] in [0] : vector<16xi32>, vector<16xi32> -> vector<16xi32>
    %gt3A_162 = arith.cmpf ogt, %gather3A_155, %max3A_149 : vector<16xf32>
    %eq3A_163 = arith.cmpf oeq, %gather3A_155, %max3A_149 : vector<16xf32>
    %lt3A_164 = arith.cmpi slt, %gather3A_158, %select_n3A_147 : vector<16xi32>
    %and3A_165 = arith.andi %eq3A_163, %lt3A_164 : vector<16xi1>
    %or3A_166 = arith.ori %gt3A_162, %and3A_165 : vector<16xi1>
    %select_n3A_167 = arith.select %or3A_166, %gather3A_158, %select_n3A_147 : vector<16xi1>, vector<16xi32>
    %select_n3A_168 = arith.select %or3A_166, %gather3A_161, %select_n3A_148 : vector<16xi1>, vector<16xi32>
    %max3A_169 = arith.maximumf %max3A_149, %gather3A_155 : vector<16xf32>
    %xor3A_170 = arith.constant 8 : i32
    %xor3A_171 = vector.broadcast %xor3A_170 : i32 to vector<16xi32>
    %xor3A_172 = arith.xori %iota3A, %xor3A_171 : vector<16xi32>
    %broadcast_in_dim3A_173 = vector.shape_cast %xor3A_172 : vector<16xi32> to vector<16x1xi32>
    %gather3A_174 = vector.shape_cast %broadcast_in_dim3A_173 : vector<16x1xi32> to vector<16xi32>
    %gather3A_175 = tpu.dynamic_gather %max3A_169[%gather3A_174] in [0] : vector<16xf32>, vector<16xi32> -> vector<16xf32>
    %broadcast_in_dim3A_176 = vector.shape_cast %xor3A_172 : vector<16xi32> to vector<16x1xi32>
    %gather3A_177 = vector.shape_cast %broadcast_in_dim3A_176 : vector<16x1xi32> to vector<16xi32>
    %gather3A_178 = tpu.dynamic_gather %select_n3A_167[%gather3A_177] in [0] : vector<16xi32>, vector<16xi32> -> vector<16xi32>
    %broadcast_in_dim3A_179 = vector.shape_cast %xor3A_172 : vector<16xi32> to vector<16x1xi32>
    %gather3A_180 = vector.shape_cast %broadcast_in_dim3A_179 : vector<16x1xi32> to vector<16xi32>
    %gather3A_181 = tpu.dynamic_gather %select_n3A_168[%gather3A_180] in [0] : vector<16xi32>, vector<16xi32> -> vector<16xi32>
    %gt3A_182 = arith.cmpf ogt, %gather3A_175, %max3A_169 : vector<16xf32>
    %eq3A_183 = arith.cmpf oeq, %gather3A_175, %max3A_169 : vector<16xf32>
    %lt3A_184 = arith.cmpi slt, %gather3A_178, %select_n3A_167 : vector<16xi32>
    %and3A_185 = arith.andi %eq3A_183, %lt3A_184 : vector<16xi1>
    %or3A_186 = arith.ori %gt3A_182, %and3A_185 : vector<16xi1>
    %select_n3A_187 = arith.select %or3A_186, %gather3A_178, %select_n3A_167 : vector<16xi1>, vector<16xi32>
    %select_n3A_188 = arith.select %or3A_186, %gather3A_181, %select_n3A_168 : vector<16xi1>, vector<16xi32>
    %max3A_189 = arith.maximumf %max3A_169, %gather3A_175 : vector<16xf32>
    %eq3A_190 = arith.constant 1 : i32
    %eq3A_191 = vector.broadcast %eq3A_190 : i32 to vector<16xi32>
    %eq3A_192 = arith.cmpi eq, %iota3A, %eq3A_191 : vector<16xi32>
    %select_n3A_193 = arith.select %eq3A_192, %select_n3A_188, %select_n3A_93 : vector<16xi1>, vector<16xi32>
    %add3A_194 = arith.constant 2 : i32
    %add3A_195 = arith.addi %mul3A_2, %add3A_194 : i32
    %mul3A_196 = arith.constant 2048 : i32
    %mul3A_197 = arith.muli %add3A_195, %mul3A_196 : i32
    %broadcast_in_dim3A_198 = arith.constant 0xFF800000 : f32
    %broadcast_in_dim3A_199 = vector.broadcast %broadcast_in_dim3A_198 : f32 to vector<16xf32>
    %broadcast_in_dim3A_200 = arith.constant 0 : i32
    %broadcast_in_dim3A_201 = vector.broadcast %broadcast_in_dim3A_200 : i32 to vector<16xi32>
    %broadcast_in_dim3A_202 = arith.constant 0 : i32
    %broadcast_in_dim3A_203 = vector.broadcast %broadcast_in_dim3A_202 : i32 to vector<16xi32>
    %scan3A_204 = arith.constant 0 : i32
    %scan3A_205 = arith.constant 128 : i32
    %scan3A_206 = arith.addi %scan3A_204, %scan3A_205 : i32
    %scan3A_207 = arith.constant 1 : i32
    %scan3A_208:3 = scf.for %scan3A_397 = %scan3A_204 to %scan3A_206 step %scan3A_207 iter_args(%scan3A_398 = %broadcast_in_dim3A_199, %scan3A_399 = %broadcast_in_dim3A_201, %scan3A_400 = %broadcast_in_dim3A_203) -> (vector<16xf32>, vector<16xi32>, vector<16xi32>)  : i32 {
      %mul3A_401 = arith.constant 16 : i32
      %mul3A_402 = arith.muli %scan3A_397, %mul3A_401 : i32
      %add3A_403 = vector.broadcast %mul3A_402 : i32 to vector<16xi32>
      %add3A_404 = arith.addi %iota3A, %add3A_403 : vector<16xi32>
      %mul3A_405 = arith.constant 16 : i32
      %mul3A_406 = arith.muli %scan3A_397, %mul3A_405 : i32
      %get3A = arith.constant 2 : i32
      %get3A_407 = arith.index_cast %get3A : i32 to index
      %get3A_408 = arith.index_cast %mul3A_406 : i32 to index
      %get3A_409 = tpu.vector_load %arg4[%get3A_407, %get3A_408] {strides = array<i32>} : memref<4x2048xi32, #tpu.memory_space<vmem>>, vector<1x16xi32>,
      %get3A_410 = vector.shape_cast %get3A_409 : vector<1x16xi32> to vector<16xi32>
      %add3A_411 = vector.broadcast %mul3A_197 : i32 to vector<16xi32>
      %add3A_412 = arith.addi %add3A_411, %add3A_404 : vector<16xi32>
      %broadcast_in_dim3A_413 = arith.constant 0 : i32
      %broadcast_in_dim3A_414 = vector.broadcast %broadcast_in_dim3A_413 : i32 to vector<16xi32>
      %add3A_415 = arith.constant 64467757 : i32
      %add3A_416 = vector.broadcast %add3A_415 : i32 to vector<16xi32>
      %add3A_417 = arith.addi %broadcast_in_dim3A_414, %add3A_416 : vector<16xi32>
      %add3A_418 = arith.constant -1378843660 : i32
      %add3A_419 = vector.broadcast %add3A_418 : i32 to vector<16xi32>
      %add3A_420 = arith.addi %add3A_412, %add3A_419 : vector<16xi32>
      %add3A_421 = arith.addi %add3A_417, %add3A_420 : vector<16xi32>
      %shift_left3A = arith.constant 13 : i32
      %shift_left3A_422 = vector.broadcast %shift_left3A : i32 to vector<16xi32>
      %shift_left3A_423 = arith.shli %add3A_420, %shift_left3A_422 : vector<16xi32>
      %shift_right_logical3A = arith.constant 19 : i32
      %shift_right_logical3A_424 = vector.broadcast %shift_right_logical3A : i32 to vector<16xi32>
      %shift_right_logical3A_425 = arith.shrui %add3A_420, %shift_right_logical3A_424 : vector<16xi32>
      %or3A_426 = arith.ori %shift_left3A_423, %shift_right_logical3A_425 : vector<16xi32>
      %xor3A_427 = arith.xori %or3A_426, %add3A_421 : vector<16xi32>
      %add3A_428 = arith.addi %add3A_421, %xor3A_427 : vector<16xi32>
      %shift_left3A_429 = arith.constant 15 : i32
      %shift_left3A_430 = vector.broadcast %shift_left3A_429 : i32 to vector<16xi32>
      %shift_left3A_431 = arith.shli %xor3A_427, %shift_left3A_430 : vector<16xi32>
      %shift_right_logical3A_432 = arith.constant 17 : i32
      %shift_right_logical3A_433 = vector.broadcast %shift_right_logical3A_432 : i32 to vector<16xi32>
      %shift_right_logical3A_434 = arith.shrui %xor3A_427, %shift_right_logical3A_433 : vector<16xi32>
      %or3A_435 = arith.ori %shift_left3A_431, %shift_right_logical3A_434 : vector<16xi32>
      %xor3A_436 = arith.xori %or3A_435, %add3A_428 : vector<16xi32>
      %add3A_437 = arith.addi %add3A_428, %xor3A_436 : vector<16xi32>
      %shift_left3A_438 = arith.constant 26 : i32
      %shift_left3A_439 = vector.broadcast %shift_left3A_438 : i32 to vector<16xi32>
      %shift_left3A_440 = arith.shli %xor3A_436, %shift_left3A_439 : vector<16xi32>
      %shift_right_logical3A_441 = arith.constant 6 : i32
      %shift_right_logical3A_442 = vector.broadcast %shift_right_logical3A_441 : i32 to vector<16xi32>
      %shift_right_logical3A_443 = arith.shrui %xor3A_436, %shift_right_logical3A_442 : vector<16xi32>
      %or3A_444 = arith.ori %shift_left3A_440, %shift_right_logical3A_443 : vector<16xi32>
      %xor3A_445 = arith.xori %or3A_444, %add3A_437 : vector<16xi32>
      %add3A_446 = arith.addi %add3A_437, %xor3A_445 : vector<16xi32>
      %shift_left3A_447 = arith.constant 6 : i32
      %shift_left3A_448 = vector.broadcast %shift_left3A_447 : i32 to vector<16xi32>
      %shift_left3A_449 = arith.shli %xor3A_445, %shift_left3A_448 : vector<16xi32>
      %shift_right_logical3A_450 = arith.constant 26 : i32
      %shift_right_logical3A_451 = vector.broadcast %shift_right_logical3A_450 : i32 to vector<16xi32>
      %shift_right_logical3A_452 = arith.shrui %xor3A_445, %shift_right_logical3A_451 : vector<16xi32>
      %or3A_453 = arith.ori %shift_left3A_449, %shift_right_logical3A_452 : vector<16xi32>
      %xor3A_454 = arith.xori %or3A_453, %add3A_446 : vector<16xi32>
      %add3A_455 = arith.constant -1378843660 : i32
      %add3A_456 = vector.broadcast %add3A_455 : i32 to vector<16xi32>
      %add3A_457 = arith.addi %add3A_446, %add3A_456 : vector<16xi32>
      %add3A_458 = arith.constant -1244255485 : i32
      %add3A_459 = vector.broadcast %add3A_458 : i32 to vector<16xi32>
      %add3A_460 = arith.addi %xor3A_454, %add3A_459 : vector<16xi32>
      %add3A_461 = arith.constant 1 : i32
      %add3A_462 = vector.broadcast %add3A_461 : i32 to vector<16xi32>
      %add3A_463 = arith.addi %add3A_460, %add3A_462 : vector<16xi32>
      %add3A_464 = arith.addi %add3A_457, %add3A_463 : vector<16xi32>
      %shift_left3A_465 = arith.constant 17 : i32
      %shift_left3A_466 = vector.broadcast %shift_left3A_465 : i32 to vector<16xi32>
      %shift_left3A_467 = arith.shli %add3A_463, %shift_left3A_466 : vector<16xi32>
      %shift_right_logical3A_468 = arith.constant 15 : i32
      %shift_right_logical3A_469 = vector.broadcast %shift_right_logical3A_468 : i32 to vector<16xi32>
      %shift_right_logical3A_470 = arith.shrui %add3A_463, %shift_right_logical3A_469 : vector<16xi32>
      %or3A_471 = arith.ori %shift_left3A_467, %shift_right_logical3A_470 : vector<16xi32>
      %xor3A_472 = arith.xori %or3A_471, %add3A_464 : vector<16xi32>
      %add3A_473 = arith.addi %add3A_464, %xor3A_472 : vector<16xi32>
      %shift_left3A_474 = arith.constant 29 : i32
      %shift_left3A_475 = vector.broadcast %shift_left3A_474 : i32 to vector<16xi32>
      %shift_left3A_476 = arith.shli %xor3A_472, %shift_left3A_475 : vector<16xi32>
      %shift_right_logical3A_477 = arith.constant 3 : i32
      %shift_right_logical3A_478 = vector.broadcast %shift_right_logical3A_477 : i32 to vector<16xi32>
      %shift_right_logical3A_479 = arith.shrui %xor3A_472, %shift_right_logical3A_478 : vector<16xi32>
      %or3A_480 = arith.ori %shift_left3A_476, %shift_right_logical3A_479 : vector<16xi32>
      %xor3A_481 = arith.xori %or3A_480, %add3A_473 : vector<16xi32>
      %add3A_482 = arith.addi %add3A_473, %xor3A_481 : vector<16xi32>
      %shift_left3A_483 = arith.constant 16 : i32
      %shift_left3A_484 = vector.broadcast %shift_left3A_483 : i32 to vector<16xi32>
      %shift_left3A_485 = arith.shli %xor3A_481, %shift_left3A_484 : vector<16xi32>
      %shift_right_logical3A_486 = arith.constant 16 : i32
      %shift_right_logical3A_487 = vector.broadcast %shift_right_logical3A_486 : i32 to vector<16xi32>
      %shift_right_logical3A_488 = arith.shrui %xor3A_481, %shift_right_logical3A_487 : vector<16xi32>
      %or3A_489 = arith.ori %shift_left3A_485, %shift_right_logical3A_488 : vector<16xi32>
      %xor3A_490 = arith.xori %or3A_489, %add3A_482 : vector<16xi32>
      %add3A_491 = arith.addi %add3A_482, %xor3A_490 : vector<16xi32>
      %shift_left3A_492 = arith.constant 24 : i32
      %shift_left3A_493 = vector.broadcast %shift_left3A_492 : i32 to vector<16xi32>
      %shift_left3A_494 = arith.shli %xor3A_490, %shift_left3A_493 : vector<16xi32>
      %shift_right_logical3A_495 = arith.constant 8 : i32
      %shift_right_logical3A_496 = vector.broadcast %shift_right_logical3A_495 : i32 to vector<16xi32>
      %shift_right_logical3A_497 = arith.shrui %xor3A_490, %shift_right_logical3A_496 : vector<16xi32>
      %or3A_498 = arith.ori %shift_left3A_494, %shift_right_logical3A_497 : vector<16xi32>
      %xor3A_499 = arith.xori %or3A_498, %add3A_491 : vector<16xi32>
      %add3A_500 = arith.constant -1244255485 : i32
      %add3A_501 = vector.broadcast %add3A_500 : i32 to vector<16xi32>
      %add3A_502 = arith.addi %add3A_491, %add3A_501 : vector<16xi32>
      %add3A_503 = arith.constant 64467757 : i32
      %add3A_504 = vector.broadcast %add3A_503 : i32 to vector<16xi32>
      %add3A_505 = arith.addi %xor3A_499, %add3A_504 : vector<16xi32>
      %add3A_506 = arith.constant 2 : i32
      %add3A_507 = vector.broadcast %add3A_506 : i32 to vector<16xi32>
      %add3A_508 = arith.addi %add3A_505, %add3A_507 : vector<16xi32>
      %add3A_509 = arith.addi %add3A_502, %add3A_508 : vector<16xi32>
      %shift_left3A_510 = arith.constant 13 : i32
      %shift_left3A_511 = vector.broadcast %shift_left3A_510 : i32 to vector<16xi32>
      %shift_left3A_512 = arith.shli %add3A_508, %shift_left3A_511 : vector<16xi32>
      %shift_right_logical3A_513 = arith.constant 19 : i32
      %shift_right_logical3A_514 = vector.broadcast %shift_right_logical3A_513 : i32 to vector<16xi32>
      %shift_right_logical3A_515 = arith.shrui %add3A_508, %shift_right_logical3A_514 : vector<16xi32>
      %or3A_516 = arith.ori %shift_left3A_512, %shift_right_logical3A_515 : vector<16xi32>
      %xor3A_517 = arith.xori %or3A_516, %add3A_509 : vector<16xi32>
      %add3A_518 = arith.addi %add3A_509, %xor3A_517 : vector<16xi32>
      %shift_left3A_519 = arith.constant 15 : i32
      %shift_left3A_520 = vector.broadcast %shift_left3A_519 : i32 to vector<16xi32>
      %shift_left3A_521 = arith.shli %xor3A_517, %shift_left3A_520 : vector<16xi32>
      %shift_right_logical3A_522 = arith.constant 17 : i32
      %shift_right_logical3A_523 = vector.broadcast %shift_right_logical3A_522 : i32 to vector<16xi32>
      %shift_right_logical3A_524 = arith.shrui %xor3A_517, %shift_right_logical3A_523 : vector<16xi32>
      %or3A_525 = arith.ori %shift_left3A_521, %shift_right_logical3A_524 : vector<16xi32>
      %xor3A_526 = arith.xori %or3A_525, %add3A_518 : vector<16xi32>
      %add3A_527 = arith.addi %add3A_518, %xor3A_526 : vector<16xi32>
      %shift_left3A_528 = arith.constant 26 : i32
      %shift_left3A_529 = vector.broadcast %shift_left3A_528 : i32 to vector<16xi32>
      %shift_left3A_530 = arith.shli %xor3A_526, %shift_left3A_529 : vector<16xi32>
      %shift_right_logical3A_531 = arith.constant 6 : i32
      %shift_right_logical3A_532 = vector.broadcast %shift_right_logical3A_531 : i32 to vector<16xi32>
      %shift_right_logical3A_533 = arith.shrui %xor3A_526, %shift_right_logical3A_532 : vector<16xi32>
      %or3A_534 = arith.ori %shift_left3A_530, %shift_right_logical3A_533 : vector<16xi32>
      %xor3A_535 = arith.xori %or3A_534, %add3A_527 : vector<16xi32>
      %add3A_536 = arith.addi %add3A_527, %xor3A_535 : vector<16xi32>
      %shift_left3A_537 = arith.constant 6 : i32
      %shift_left3A_538 = vector.broadcast %shift_left3A_537 : i32 to vector<16xi32>
      %shift_left3A_539 = arith.shli %xor3A_535, %shift_left3A_538 : vector<16xi32>
      %shift_right_logical3A_540 = arith.constant 26 : i32
      %shift_right_logical3A_541 = vector.broadcast %shift_right_logical3A_540 : i32 to vector<16xi32>
      %shift_right_logical3A_542 = arith.shrui %xor3A_535, %shift_right_logical3A_541 : vector<16xi32>
      %or3A_543 = arith.ori %shift_left3A_539, %shift_right_logical3A_542 : vector<16xi32>
      %xor3A_544 = arith.xori %or3A_543, %add3A_536 : vector<16xi32>
      %add3A_545 = arith.constant 64467757 : i32
      %add3A_546 = vector.broadcast %add3A_545 : i32 to vector<16xi32>
      %add3A_547 = arith.addi %add3A_536, %add3A_546 : vector<16xi32>
      %add3A_548 = arith.constant -1378843660 : i32
      %add3A_549 = vector.broadcast %add3A_548 : i32 to vector<16xi32>
      %add3A_550 = arith.addi %xor3A_544, %add3A_549 : vector<16xi32>
      %add3A_551 = arith.constant 3 : i32
      %add3A_552 = vector.broadcast %add3A_551 : i32 to vector<16xi32>
      %add3A_553 = arith.addi %add3A_550, %add3A_552 : vector<16xi32>
      %add3A_554 = arith.addi %add3A_547, %add3A_553 : vector<16xi32>
      %shift_left3A_555 = arith.constant 17 : i32
      %shift_left3A_556 = vector.broadcast %shift_left3A_555 : i32 to vector<16xi32>
      %shift_left3A_557 = arith.shli %add3A_553, %shift_left3A_556 : vector<16xi32>
      %shift_right_logical3A_558 = arith.constant 15 : i32
      %shift_right_logical3A_559 = vector.broadcast %shift_right_logical3A_558 : i32 to vector<16xi32>
      %shift_right_logical3A_560 = arith.shrui %add3A_553, %shift_right_logical3A_559 : vector<16xi32>
      %or3A_561 = arith.ori %shift_left3A_557, %shift_right_logical3A_560 : vector<16xi32>
      %xor3A_562 = arith.xori %or3A_561, %add3A_554 : vector<16xi32>
      %add3A_563 = arith.addi %add3A_554, %xor3A_562 : vector<16xi32>
      %shift_left3A_564 = arith.constant 29 : i32
      %shift_left3A_565 = vector.broadcast %shift_left3A_564 : i32 to vector<16xi32>
      %shift_left3A_566 = arith.shli %xor3A_562, %shift_left3A_565 : vector<16xi32>
      %shift_right_logical3A_567 = arith.constant 3 : i32
      %shift_right_logical3A_568 = vector.broadcast %shift_right_logical3A_567 : i32 to vector<16xi32>
      %shift_right_logical3A_569 = arith.shrui %xor3A_562, %shift_right_logical3A_568 : vector<16xi32>
      %or3A_570 = arith.ori %shift_left3A_566, %shift_right_logical3A_569 : vector<16xi32>
      %xor3A_571 = arith.xori %or3A_570, %add3A_563 : vector<16xi32>
      %add3A_572 = arith.addi %add3A_563, %xor3A_571 : vector<16xi32>
      %shift_left3A_573 = arith.constant 16 : i32
      %shift_left3A_574 = vector.broadcast %shift_left3A_573 : i32 to vector<16xi32>
      %shift_left3A_575 = arith.shli %xor3A_571, %shift_left3A_574 : vector<16xi32>
      %shift_right_logical3A_576 = arith.constant 16 : i32
      %shift_right_logical3A_577 = vector.broadcast %shift_right_logical3A_576 : i32 to vector<16xi32>
      %shift_right_logical3A_578 = arith.shrui %xor3A_571, %shift_right_logical3A_577 : vector<16xi32>
      %or3A_579 = arith.ori %shift_left3A_575, %shift_right_logical3A_578 : vector<16xi32>
      %xor3A_580 = arith.xori %or3A_579, %add3A_572 : vector<16xi32>
      %add3A_581 = arith.addi %add3A_572, %xor3A_580 : vector<16xi32>
      %shift_left3A_582 = arith.constant 24 : i32
      %shift_left3A_583 = vector.broadcast %shift_left3A_582 : i32 to vector<16xi32>
      %shift_left3A_584 = arith.shli %xor3A_580, %shift_left3A_583 : vector<16xi32>
      %shift_right_logical3A_585 = arith.constant 8 : i32
      %shift_right_logical3A_586 = vector.broadcast %shift_right_logical3A_585 : i32 to vector<16xi32>
      %shift_right_logical3A_587 = arith.shrui %xor3A_580, %shift_right_logical3A_586 : vector<16xi32>
      %or3A_588 = arith.ori %shift_left3A_584, %shift_right_logical3A_587 : vector<16xi32>
      %xor3A_589 = arith.xori %or3A_588, %add3A_581 : vector<16xi32>
      %add3A_590 = arith.constant -1378843660 : i32
      %add3A_591 = vector.broadcast %add3A_590 : i32 to vector<16xi32>
      %add3A_592 = arith.addi %add3A_581, %add3A_591 : vector<16xi32>
      %add3A_593 = arith.constant -1244255485 : i32
      %add3A_594 = vector.broadcast %add3A_593 : i32 to vector<16xi32>
      %add3A_595 = arith.addi %xor3A_589, %add3A_594 : vector<16xi32>
      %add3A_596 = arith.constant 4 : i32
      %add3A_597 = vector.broadcast %add3A_596 : i32 to vector<16xi32>
      %add3A_598 = arith.addi %add3A_595, %add3A_597 : vector<16xi32>
      %add3A_599 = arith.addi %add3A_592, %add3A_598 : vector<16xi32>
      %shift_left3A_600 = arith.constant 13 : i32
      %shift_left3A_601 = vector.broadcast %shift_left3A_600 : i32 to vector<16xi32>
      %shift_left3A_602 = arith.shli %add3A_598, %shift_left3A_601 : vector<16xi32>
      %shift_right_logical3A_603 = arith.constant 19 : i32
      %shift_right_logical3A_604 = vector.broadcast %shift_right_logical3A_603 : i32 to vector<16xi32>
      %shift_right_logical3A_605 = arith.shrui %add3A_598, %shift_right_logical3A_604 : vector<16xi32>
      %or3A_606 = arith.ori %shift_left3A_602, %shift_right_logical3A_605 : vector<16xi32>
      %xor3A_607 = arith.xori %or3A_606, %add3A_599 : vector<16xi32>
      %add3A_608 = arith.addi %add3A_599, %xor3A_607 : vector<16xi32>
      %shift_left3A_609 = arith.constant 15 : i32
      %shift_left3A_610 = vector.broadcast %shift_left3A_609 : i32 to vector<16xi32>
      %shift_left3A_611 = arith.shli %xor3A_607, %shift_left3A_610 : vector<16xi32>
      %shift_right_logical3A_612 = arith.constant 17 : i32
      %shift_right_logical3A_613 = vector.broadcast %shift_right_logical3A_612 : i32 to vector<16xi32>
      %shift_right_logical3A_614 = arith.shrui %xor3A_607, %shift_right_logical3A_613 : vector<16xi32>
      %or3A_615 = arith.ori %shift_left3A_611, %shift_right_logical3A_614 : vector<16xi32>
      %xor3A_616 = arith.xori %or3A_615, %add3A_608 : vector<16xi32>
      %add3A_617 = arith.addi %add3A_608, %xor3A_616 : vector<16xi32>
      %shift_left3A_618 = arith.constant 26 : i32
      %shift_left3A_619 = vector.broadcast %shift_left3A_618 : i32 to vector<16xi32>
      %shift_left3A_620 = arith.shli %xor3A_616, %shift_left3A_619 : vector<16xi32>
      %shift_right_logical3A_621 = arith.constant 6 : i32
      %shift_right_logical3A_622 = vector.broadcast %shift_right_logical3A_621 : i32 to vector<16xi32>
      %shift_right_logical3A_623 = arith.shrui %xor3A_616, %shift_right_logical3A_622 : vector<16xi32>
      %or3A_624 = arith.ori %shift_left3A_620, %shift_right_logical3A_623 : vector<16xi32>
      %xor3A_625 = arith.xori %or3A_624, %add3A_617 : vector<16xi32>
      %add3A_626 = arith.addi %add3A_617, %xor3A_625 : vector<16xi32>
      %shift_left3A_627 = arith.constant 6 : i32
      %shift_left3A_628 = vector.broadcast %shift_left3A_627 : i32 to vector<16xi32>
      %shift_left3A_629 = arith.shli %xor3A_625, %shift_left3A_628 : vector<16xi32>
      %shift_right_logical3A_630 = arith.constant 26 : i32
      %shift_right_logical3A_631 = vector.broadcast %shift_right_logical3A_630 : i32 to vector<16xi32>
      %shift_right_logical3A_632 = arith.shrui %xor3A_625, %shift_right_logical3A_631 : vector<16xi32>
      %or3A_633 = arith.ori %shift_left3A_629, %shift_right_logical3A_632 : vector<16xi32>
      %xor3A_634 = arith.xori %or3A_633, %add3A_626 : vector<16xi32>
      %add3A_635 = arith.constant -1244255485 : i32
      %add3A_636 = vector.broadcast %add3A_635 : i32 to vector<16xi32>
      %add3A_637 = arith.addi %add3A_626, %add3A_636 : vector<16xi32>
      %add3A_638 = arith.constant 64467757 : i32
      %add3A_639 = vector.broadcast %add3A_638 : i32 to vector<16xi32>
      %add3A_640 = arith.addi %xor3A_634, %add3A_639 : vector<16xi32>
      %add3A_641 = arith.constant 5 : i32
      %add3A_642 = vector.broadcast %add3A_641 : i32 to vector<16xi32>
      %add3A_643 = arith.addi %add3A_640, %add3A_642 : vector<16xi32>
      %xor3A_644 = arith.xori %add3A_637, %add3A_643 : vector<16xi32>
      %shift_right_logical3A_645 = arith.constant 9 : i32
      %shift_right_logical3A_646 = vector.broadcast %shift_right_logical3A_645 : i32 to vector<16xi32>
      %shift_right_logical3A_647 = arith.shrui %xor3A_644, %shift_right_logical3A_646 : vector<16xi32>
      %or3A_648 = arith.constant 1065353216 : i32
      %or3A_649 = vector.broadcast %or3A_648 : i32 to vector<16xi32>
      %or3A_650 = arith.ori %shift_right_logical3A_647, %or3A_649 : vector<16xi32>
      %bitcast_convert_type3A = tpu.bitcast %or3A_650 : vector<16xi32> -> vector<16xf32>
      %sub3A = arith.constant 1.000000e+00 : f32
      %sub3A_651 = vector.broadcast %sub3A : f32 to vector<16xf32>
      %sub3A_652 = arith.subf %bitcast_convert_type3A, %sub3A_651 : vector<16xf32>
      %gt3A_653 = arith.constant 0 : i32
      %gt3A_654 = vector.broadcast %gt3A_653 : i32 to vector<16xi32>
      %gt3A_655 = arith.cmpi sgt, %get3A_410, %gt3A_654 : vector<16xi32>
      %add3A_656 = arith.constant -1.000000e+09 : f32
      %add3A_657 = vector.broadcast %add3A_656 : f32 to vector<16xf32>
      %add3A_658 = arith.addf %sub3A_652, %add3A_657 : vector<16xf32>
      %select_n3A_659 = arith.select %gt3A_655, %sub3A_652, %add3A_658 : vector<16xi1>, vector<16xf32>
      %gt3A_660 = arith.cmpf ogt, %select_n3A_659, %scan3A_398 : vector<16xf32>
      %select_n3A_661 = arith.select %gt3A_660, %select_n3A_659, %scan3A_398 : vector<16xi1>, vector<16xf32>
      %select_n3A_662 = arith.select %gt3A_660, %add3A_404, %scan3A_399 : vector<16xi1>, vector<16xi32>
      %select_n3A_663 = arith.select %gt3A_660, %get3A_410, %scan3A_400 : vector<16xi1>, vector<16xi32>
      scf.yield %select_n3A_661, %select_n3A_662, %select_n3A_663 : vector<16xf32>, vector<16xi32>, vector<16xi32>
    }
    %scan3A_209 = arith.constant 128 : i32
    %xor3A_210 = arith.constant 1 : i32
    %xor3A_211 = vector.broadcast %xor3A_210 : i32 to vector<16xi32>
    %xor3A_212 = arith.xori %iota3A, %xor3A_211 : vector<16xi32>
    %broadcast_in_dim3A_213 = vector.shape_cast %xor3A_212 : vector<16xi32> to vector<16x1xi32>
    %gather3A_214 = vector.shape_cast %broadcast_in_dim3A_213 : vector<16x1xi32> to vector<16xi32>
    %gather3A_215 = tpu.dynamic_gather %scan3A_208#0[%gather3A_214] in [0] : vector<16xf32>, vector<16xi32> -> vector<16xf32>
    %broadcast_in_dim3A_216 = vector.shape_cast %xor3A_212 : vector<16xi32> to vector<16x1xi32>
    %gather3A_217 = vector.shape_cast %broadcast_in_dim3A_216 : vector<16x1xi32> to vector<16xi32>
    %gather3A_218 = tpu.dynamic_gather %scan3A_208#1[%gather3A_217] in [0] : vector<16xi32>, vector<16xi32> -> vector<16xi32>
    %broadcast_in_dim3A_219 = vector.shape_cast %xor3A_212 : vector<16xi32> to vector<16x1xi32>
    %gather3A_220 = vector.shape_cast %broadcast_in_dim3A_219 : vector<16x1xi32> to vector<16xi32>
    %gather3A_221 = tpu.dynamic_gather %scan3A_208#2[%gather3A_220] in [0] : vector<16xi32>, vector<16xi32> -> vector<16xi32>
    %gt3A_222 = arith.cmpf ogt, %gather3A_215, %scan3A_208#0 : vector<16xf32>
    %eq3A_223 = arith.cmpf oeq, %gather3A_215, %scan3A_208#0 : vector<16xf32>
    %lt3A_224 = arith.cmpi slt, %gather3A_218, %scan3A_208#1 : vector<16xi32>
    %and3A_225 = arith.andi %eq3A_223, %lt3A_224 : vector<16xi1>
    %or3A_226 = arith.ori %gt3A_222, %and3A_225 : vector<16xi1>
    %select_n3A_227 = arith.select %or3A_226, %gather3A_218, %scan3A_208#1 : vector<16xi1>, vector<16xi32>
    %select_n3A_228 = arith.select %or3A_226, %gather3A_221, %scan3A_208#2 : vector<16xi1>, vector<16xi32>
    %max3A_229 = arith.maximumf %scan3A_208#0, %gather3A_215 : vector<16xf32>
    %xor3A_230 = arith.constant 2 : i32
    %xor3A_231 = vector.broadcast %xor3A_230 : i32 to vector<16xi32>
    %xor3A_232 = arith.xori %iota3A, %xor3A_231 : vector<16xi32>
    %broadcast_in_dim3A_233 = vector.shape_cast %xor3A_232 : vector<16xi32> to vector<16x1xi32>
    %gather3A_234 = vector.shape_cast %broadcast_in_dim3A_233 : vector<16x1xi32> to vector<16xi32>
    %gather3A_235 = tpu.dynamic_gather %max3A_229[%gather3A_234] in [0] : vector<16xf32>, vector<16xi32> -> vector<16xf32>
    %broadcast_in_dim3A_236 = vector.shape_cast %xor3A_232 : vector<16xi32> to vector<16x1xi32>
    %gather3A_237 = vector.shape_cast %broadcast_in_dim3A_236 : vector<16x1xi32> to vector<16xi32>
    %gather3A_238 = tpu.dynamic_gather %select_n3A_227[%gather3A_237] in [0] : vector<16xi32>, vector<16xi32> -> vector<16xi32>
    %broadcast_in_dim3A_239 = vector.shape_cast %xor3A_232 : vector<16xi32> to vector<16x1xi32>
    %gather3A_240 = vector.shape_cast %broadcast_in_dim3A_239 : vector<16x1xi32> to vector<16xi32>
    %gather3A_241 = tpu.dynamic_gather %select_n3A_228[%gather3A_240] in [0] : vector<16xi32>, vector<16xi32> -> vector<16xi32>
    %gt3A_242 = arith.cmpf ogt, %gather3A_235, %max3A_229 : vector<16xf32>
    %eq3A_243 = arith.cmpf oeq, %gather3A_235, %max3A_229 : vector<16xf32>
    %lt3A_244 = arith.cmpi slt, %gather3A_238, %select_n3A_227 : vector<16xi32>
    %and3A_245 = arith.andi %eq3A_243, %lt3A_244 : vector<16xi1>
    %or3A_246 = arith.ori %gt3A_242, %and3A_245 : vector<16xi1>
    %select_n3A_247 = arith.select %or3A_246, %gather3A_238, %select_n3A_227 : vector<16xi1>, vector<16xi32>
    %select_n3A_248 = arith.select %or3A_246, %gather3A_241, %select_n3A_228 : vector<16xi1>, vector<16xi32>
    %max3A_249 = arith.maximumf %max3A_229, %gather3A_235 : vector<16xf32>
    %xor3A_250 = arith.constant 4 : i32
    %xor3A_251 = vector.broadcast %xor3A_250 : i32 to vector<16xi32>
    %xor3A_252 = arith.xori %iota3A, %xor3A_251 : vector<16xi32>
    %broadcast_in_dim3A_253 = vector.shape_cast %xor3A_252 : vector<16xi32> to vector<16x1xi32>
    %gather3A_254 = vector.shape_cast %broadcast_in_dim3A_253 : vector<16x1xi32> to vector<16xi32>
    %gather3A_255 = tpu.dynamic_gather %max3A_249[%gather3A_254] in [0] : vector<16xf32>, vector<16xi32> -> vector<16xf32>
    %broadcast_in_dim3A_256 = vector.shape_cast %xor3A_252 : vector<16xi32> to vector<16x1xi32>
    %gather3A_257 = vector.shape_cast %broadcast_in_dim3A_256 : vector<16x1xi32> to vector<16xi32>
    %gather3A_258 = tpu.dynamic_gather %select_n3A_247[%gather3A_257] in [0] : vector<16xi32>, vector<16xi32> -> vector<16xi32>
    %broadcast_in_dim3A_259 = vector.shape_cast %xor3A_252 : vector<16xi32> to vector<16x1xi32>
    %gather3A_260 = vector.shape_cast %broadcast_in_dim3A_259 : vector<16x1xi32> to vector<16xi32>
    %gather3A_261 = tpu.dynamic_gather %select_n3A_248[%gather3A_260] in [0] : vector<16xi32>, vector<16xi32> -> vector<16xi32>
    %gt3A_262 = arith.cmpf ogt, %gather3A_255, %max3A_249 : vector<16xf32>
    %eq3A_263 = arith.cmpf oeq, %gather3A_255, %max3A_249 : vector<16xf32>
    %lt3A_264 = arith.cmpi slt, %gather3A_258, %select_n3A_247 : vector<16xi32>
    %and3A_265 = arith.andi %eq3A_263, %lt3A_264 : vector<16xi1>
    %or3A_266 = arith.ori %gt3A_262, %and3A_265 : vector<16xi1>
    %select_n3A_267 = arith.select %or3A_266, %gather3A_258, %select_n3A_247 : vector<16xi1>, vector<16xi32>
    %select_n3A_268 = arith.select %or3A_266, %gather3A_261, %select_n3A_248 : vector<16xi1>, vector<16xi32>
    %max3A_269 = arith.maximumf %max3A_249, %gather3A_255 : vector<16xf32>
    %xor3A_270 = arith.constant 8 : i32
    %xor3A_271 = vector.broadcast %xor3A_270 : i32 to vector<16xi32>
    %xor3A_272 = arith.xori %iota3A, %xor3A_271 : vector<16xi32>
    %broadcast_in_dim3A_273 = vector.shape_cast %xor3A_272 : vector<16xi32> to vector<16x1xi32>
    %gather3A_274 = vector.shape_cast %broadcast_in_dim3A_273 : vector<16x1xi32> to vector<16xi32>
    %gather3A_275 = tpu.dynamic_gather %max3A_269[%gather3A_274] in [0] : vector<16xf32>, vector<16xi32> -> vector<16xf32>
    %broadcast_in_dim3A_276 = vector.shape_cast %xor3A_272 : vector<16xi32> to vector<16x1xi32>
    %gather3A_277 = vector.shape_cast %broadcast_in_dim3A_276 : vector<16x1xi32> to vector<16xi32>
    %gather3A_278 = tpu.dynamic_gather %select_n3A_267[%gather3A_277] in [0] : vector<16xi32>, vector<16xi32> -> vector<16xi32>
    %broadcast_in_dim3A_279 = vector.shape_cast %xor3A_272 : vector<16xi32> to vector<16x1xi32>
    %gather3A_280 = vector.shape_cast %broadcast_in_dim3A_279 : vector<16x1xi32> to vector<16xi32>
    %gather3A_281 = tpu.dynamic_gather %select_n3A_268[%gather3A_280] in [0] : vector<16xi32>, vector<16xi32> -> vector<16xi32>
    %gt3A_282 = arith.cmpf ogt, %gather3A_275, %max3A_269 : vector<16xf32>
    %eq3A_283 = arith.cmpf oeq, %gather3A_275, %max3A_269 : vector<16xf32>
    %lt3A_284 = arith.cmpi slt, %gather3A_278, %select_n3A_267 : vector<16xi32>
    %and3A_285 = arith.andi %eq3A_283, %lt3A_284 : vector<16xi1>
    %or3A_286 = arith.ori %gt3A_282, %and3A_285 : vector<16xi1>
    %select_n3A_287 = arith.select %or3A_286, %gather3A_278, %select_n3A_267 : vector<16xi1>, vector<16xi32>
    %select_n3A_288 = arith.select %or3A_286, %gather3A_281, %select_n3A_268 : vector<16xi1>, vector<16xi32>
    %max3A_289 = arith.maximumf %max3A_269, %gather3A_275 : vector<16xf32>
    %eq3A_290 = arith.constant 2 : i32
    %eq3A_291 = vector.broadcast %eq3A_290 : i32 to vector<16xi32>
    %eq3A_292 = arith.cmpi eq, %iota3A, %eq3A_291 : vector<16xi32>
    %select_n3A_293 = arith.select %eq3A_292, %select_n3A_288, %select_n3A_193 : vector<16xi1>, vector<16xi32>
    %add3A_294 = arith.constant 3 : i32
    %add3A_295 = arith.addi %mul3A_2, %add3A_294 : i32
    %mul3A_296 = arith.constant 2048 : i32
    %mul3A_297 = arith.muli %add3A_295, %mul3A_296 : i32
    %broadcast_in_dim3A_298 = arith.constant 0xFF800000 : f32
    %broadcast_in_dim3A_299 = vector.broadcast %broadcast_in_dim3A_298 : f32 to vector<16xf32>
    %broadcast_in_dim3A_300 = arith.constant 0 : i32
    %broadcast_in_dim3A_301 = vector.broadcast %broadcast_in_dim3A_300 : i32 to vector<16xi32>
    %broadcast_in_dim3A_302 = arith.constant 0 : i32
    %broadcast_in_dim3A_303 = vector.broadcast %broadcast_in_dim3A_302 : i32 to vector<16xi32>
    %scan3A_304 = arith.constant 0 : i32
    %scan3A_305 = arith.constant 128 : i32
    %scan3A_306 = arith.addi %scan3A_304, %scan3A_305 : i32
    %scan3A_307 = arith.constant 1 : i32
    %scan3A_308:3 = scf.for %scan3A_397 = %scan3A_304 to %scan3A_306 step %scan3A_307 iter_args(%scan3A_398 = %broadcast_in_dim3A_299, %scan3A_399 = %broadcast_in_dim3A_301, %scan3A_400 = %broadcast_in_dim3A_303) -> (vector<16xf32>, vector<16xi32>, vector<16xi32>)  : i32 {
      %mul3A_401 = arith.constant 16 : i32
      %mul3A_402 = arith.muli %scan3A_397, %mul3A_401 : i32
      %add3A_403 = vector.broadcast %mul3A_402 : i32 to vector<16xi32>
      %add3A_404 = arith.addi %iota3A, %add3A_403 : vector<16xi32>
      %mul3A_405 = arith.constant 16 : i32
      %mul3A_406 = arith.muli %scan3A_397, %mul3A_405 : i32
      %get3A = arith.constant 3 : i32
      %get3A_407 = arith.index_cast %get3A : i32 to index
      %get3A_408 = arith.index_cast %mul3A_406 : i32 to index
      %get3A_409 = tpu.vector_load %arg4[%get3A_407, %get3A_408] {strides = array<i32>} : memref<4x2048xi32, #tpu.memory_space<vmem>>, vector<1x16xi32>,
      %get3A_410 = vector.shape_cast %get3A_409 : vector<1x16xi32> to vector<16xi32>
      %add3A_411 = vector.broadcast %mul3A_297 : i32 to vector<16xi32>
      %add3A_412 = arith.addi %add3A_411, %add3A_404 : vector<16xi32>
      %broadcast_in_dim3A_413 = arith.constant 0 : i32
      %broadcast_in_dim3A_414 = vector.broadcast %broadcast_in_dim3A_413 : i32 to vector<16xi32>
      %add3A_415 = arith.constant 64467757 : i32
      %add3A_416 = vector.broadcast %add3A_415 : i32 to vector<16xi32>
      %add3A_417 = arith.addi %broadcast_in_dim3A_414, %add3A_416 : vector<16xi32>
      %add3A_418 = arith.constant -1378843660 : i32
      %add3A_419 = vector.broadcast %add3A_418 : i32 to vector<16xi32>
      %add3A_420 = arith.addi %add3A_412, %add3A_419 : vector<16xi32>
      %add3A_421 = arith.addi %add3A_417, %add3A_420 : vector<16xi32>
      %shift_left3A = arith.constant 13 : i32
      %shift_left3A_422 = vector.broadcast %shift_left3A : i32 to vector<16xi32>
      %shift_left3A_423 = arith.shli %add3A_420, %shift_left3A_422 : vector<16xi32>
      %shift_right_logical3A = arith.constant 19 : i32
      %shift_right_logical3A_424 = vector.broadcast %shift_right_logical3A : i32 to vector<16xi32>
      %shift_right_logical3A_425 = arith.shrui %add3A_420, %shift_right_logical3A_424 : vector<16xi32>
      %or3A_426 = arith.ori %shift_left3A_423, %shift_right_logical3A_425 : vector<16xi32>
      %xor3A_427 = arith.xori %or3A_426, %add3A_421 : vector<16xi32>
      %add3A_428 = arith.addi %add3A_421, %xor3A_427 : vector<16xi32>
      %shift_left3A_429 = arith.constant 15 : i32
      %shift_left3A_430 = vector.broadcast %shift_left3A_429 : i32 to vector<16xi32>
      %shift_left3A_431 = arith.shli %xor3A_427, %shift_left3A_430 : vector<16xi32>
      %shift_right_logical3A_432 = arith.constant 17 : i32
      %shift_right_logical3A_433 = vector.broadcast %shift_right_logical3A_432 : i32 to vector<16xi32>
      %shift_right_logical3A_434 = arith.shrui %xor3A_427, %shift_right_logical3A_433 : vector<16xi32>
      %or3A_435 = arith.ori %shift_left3A_431, %shift_right_logical3A_434 : vector<16xi32>
      %xor3A_436 = arith.xori %or3A_435, %add3A_428 : vector<16xi32>
      %add3A_437 = arith.addi %add3A_428, %xor3A_436 : vector<16xi32>
      %shift_left3A_438 = arith.constant 26 : i32
      %shift_left3A_439 = vector.broadcast %shift_left3A_438 : i32 to vector<16xi32>
      %shift_left3A_440 = arith.shli %xor3A_436, %shift_left3A_439 : vector<16xi32>
      %shift_right_logical3A_441 = arith.constant 6 : i32
      %shift_right_logical3A_442 = vector.broadcast %shift_right_logical3A_441 : i32 to vector<16xi32>
      %shift_right_logical3A_443 = arith.shrui %xor3A_436, %shift_right_logical3A_442 : vector<16xi32>
      %or3A_444 = arith.ori %shift_left3A_440, %shift_right_logical3A_443 : vector<16xi32>
      %xor3A_445 = arith.xori %or3A_444, %add3A_437 : vector<16xi32>
      %add3A_446 = arith.addi %add3A_437, %xor3A_445 : vector<16xi32>
      %shift_left3A_447 = arith.constant 6 : i32
      %shift_left3A_448 = vector.broadcast %shift_left3A_447 : i32 to vector<16xi32>
      %shift_left3A_449 = arith.shli %xor3A_445, %shift_left3A_448 : vector<16xi32>
      %shift_right_logical3A_450 = arith.constant 26 : i32
      %shift_right_logical3A_451 = vector.broadcast %shift_right_logical3A_450 : i32 to vector<16xi32>
      %shift_right_logical3A_452 = arith.shrui %xor3A_445, %shift_right_logical3A_451 : vector<16xi32>
      %or3A_453 = arith.ori %shift_left3A_449, %shift_right_logical3A_452 : vector<16xi32>
      %xor3A_454 = arith.xori %or3A_453, %add3A_446 : vector<16xi32>
      %add3A_455 = arith.constant -1378843660 : i32
      %add3A_456 = vector.broadcast %add3A_455 : i32 to vector<16xi32>
      %add3A_457 = arith.addi %add3A_446, %add3A_456 : vector<16xi32>
      %add3A_458 = arith.constant -1244255485 : i32
      %add3A_459 = vector.broadcast %add3A_458 : i32 to vector<16xi32>
      %add3A_460 = arith.addi %xor3A_454, %add3A_459 : vector<16xi32>
      %add3A_461 = arith.constant 1 : i32
      %add3A_462 = vector.broadcast %add3A_461 : i32 to vector<16xi32>
      %add3A_463 = arith.addi %add3A_460, %add3A_462 : vector<16xi32>
      %add3A_464 = arith.addi %add3A_457, %add3A_463 : vector<16xi32>
      %shift_left3A_465 = arith.constant 17 : i32
      %shift_left3A_466 = vector.broadcast %shift_left3A_465 : i32 to vector<16xi32>
      %shift_left3A_467 = arith.shli %add3A_463, %shift_left3A_466 : vector<16xi32>
      %shift_right_logical3A_468 = arith.constant 15 : i32
      %shift_right_logical3A_469 = vector.broadcast %shift_right_logical3A_468 : i32 to vector<16xi32>
      %shift_right_logical3A_470 = arith.shrui %add3A_463, %shift_right_logical3A_469 : vector<16xi32>
      %or3A_471 = arith.ori %shift_left3A_467, %shift_right_logical3A_470 : vector<16xi32>
      %xor3A_472 = arith.xori %or3A_471, %add3A_464 : vector<16xi32>
      %add3A_473 = arith.addi %add3A_464, %xor3A_472 : vector<16xi32>
      %shift_left3A_474 = arith.constant 29 : i32
      %shift_left3A_475 = vector.broadcast %shift_left3A_474 : i32 to vector<16xi32>
      %shift_left3A_476 = arith.shli %xor3A_472, %shift_left3A_475 : vector<16xi32>
      %shift_right_logical3A_477 = arith.constant 3 : i32
      %shift_right_logical3A_478 = vector.broadcast %shift_right_logical3A_477 : i32 to vector<16xi32>
      %shift_right_logical3A_479 = arith.shrui %xor3A_472, %shift_right_logical3A_478 : vector<16xi32>
      %or3A_480 = arith.ori %shift_left3A_476, %shift_right_logical3A_479 : vector<16xi32>
      %xor3A_481 = arith.xori %or3A_480, %add3A_473 : vector<16xi32>
      %add3A_482 = arith.addi %add3A_473, %xor3A_481 : vector<16xi32>
      %shift_left3A_483 = arith.constant 16 : i32
      %shift_left3A_484 = vector.broadcast %shift_left3A_483 : i32 to vector<16xi32>
      %shift_left3A_485 = arith.shli %xor3A_481, %shift_left3A_484 : vector<16xi32>
      %shift_right_logical3A_486 = arith.constant 16 : i32
      %shift_right_logical3A_487 = vector.broadcast %shift_right_logical3A_486 : i32 to vector<16xi32>
      %shift_right_logical3A_488 = arith.shrui %xor3A_481, %shift_right_logical3A_487 : vector<16xi32>
      %or3A_489 = arith.ori %shift_left3A_485, %shift_right_logical3A_488 : vector<16xi32>
      %xor3A_490 = arith.xori %or3A_489, %add3A_482 : vector<16xi32>
      %add3A_491 = arith.addi %add3A_482, %xor3A_490 : vector<16xi32>
      %shift_left3A_492 = arith.constant 24 : i32
      %shift_left3A_493 = vector.broadcast %shift_left3A_492 : i32 to vector<16xi32>
      %shift_left3A_494 = arith.shli %xor3A_490, %shift_left3A_493 : vector<16xi32>
      %shift_right_logical3A_495 = arith.constant 8 : i32
      %shift_right_logical3A_496 = vector.broadcast %shift_right_logical3A_495 : i32 to vector<16xi32>
      %shift_right_logical3A_497 = arith.shrui %xor3A_490, %shift_right_logical3A_496 : vector<16xi32>
      %or3A_498 = arith.ori %shift_left3A_494, %shift_right_logical3A_497 : vector<16xi32>
      %xor3A_499 = arith.xori %or3A_498, %add3A_491 : vector<16xi32>
      %add3A_500 = arith.constant -1244255485 : i32
      %add3A_501 = vector.broadcast %add3A_500 : i32 to vector<16xi32>
      %add3A_502 = arith.addi %add3A_491, %add3A_501 : vector<16xi32>
      %add3A_503 = arith.constant 64467757 : i32
      %add3A_504 = vector.broadcast %add3A_503 : i32 to vector<16xi32>
      %add3A_505 = arith.addi %xor3A_499, %add3A_504 : vector<16xi32>
      %add3A_506 = arith.constant 2 : i32
      %add3A_507 = vector.broadcast %add3A_506 : i32 to vector<16xi32>
      %add3A_508 = arith.addi %add3A_505, %add3A_507 : vector<16xi32>
      %add3A_509 = arith.addi %add3A_502, %add3A_508 : vector<16xi32>
      %shift_left3A_510 = arith.constant 13 : i32
      %shift_left3A_511 = vector.broadcast %shift_left3A_510 : i32 to vector<16xi32>
      %shift_left3A_512 = arith.shli %add3A_508, %shift_left3A_511 : vector<16xi32>
      %shift_right_logical3A_513 = arith.constant 19 : i32
      %shift_right_logical3A_514 = vector.broadcast %shift_right_logical3A_513 : i32 to vector<16xi32>
      %shift_right_logical3A_515 = arith.shrui %add3A_508, %shift_right_logical3A_514 : vector<16xi32>
      %or3A_516 = arith.ori %shift_left3A_512, %shift_right_logical3A_515 : vector<16xi32>
      %xor3A_517 = arith.xori %or3A_516, %add3A_509 : vector<16xi32>
      %add3A_518 = arith.addi %add3A_509, %xor3A_517 : vector<16xi32>
      %shift_left3A_519 = arith.constant 15 : i32
      %shift_left3A_520 = vector.broadcast %shift_left3A_519 : i32 to vector<16xi32>
      %shift_left3A_521 = arith.shli %xor3A_517, %shift_left3A_520 : vector<16xi32>
      %shift_right_logical3A_522 = arith.constant 17 : i32
      %shift_right_logical3A_523 = vector.broadcast %shift_right_logical3A_522 : i32 to vector<16xi32>
      %shift_right_logical3A_524 = arith.shrui %xor3A_517, %shift_right_logical3A_523 : vector<16xi32>
      %or3A_525 = arith.ori %shift_left3A_521, %shift_right_logical3A_524 : vector<16xi32>
      %xor3A_526 = arith.xori %or3A_525, %add3A_518 : vector<16xi32>
      %add3A_527 = arith.addi %add3A_518, %xor3A_526 : vector<16xi32>
      %shift_left3A_528 = arith.constant 26 : i32
      %shift_left3A_529 = vector.broadcast %shift_left3A_528 : i32 to vector<16xi32>
      %shift_left3A_530 = arith.shli %xor3A_526, %shift_left3A_529 : vector<16xi32>
      %shift_right_logical3A_531 = arith.constant 6 : i32
      %shift_right_logical3A_532 = vector.broadcast %shift_right_logical3A_531 : i32 to vector<16xi32>
      %shift_right_logical3A_533 = arith.shrui %xor3A_526, %shift_right_logical3A_532 : vector<16xi32>
      %or3A_534 = arith.ori %shift_left3A_530, %shift_right_logical3A_533 : vector<16xi32>
      %xor3A_535 = arith.xori %or3A_534, %add3A_527 : vector<16xi32>
      %add3A_536 = arith.addi %add3A_527, %xor3A_535 : vector<16xi32>
      %shift_left3A_537 = arith.constant 6 : i32
      %shift_left3A_538 = vector.broadcast %shift_left3A_537 : i32 to vector<16xi32>
      %shift_left3A_539 = arith.shli %xor3A_535, %shift_left3A_538 : vector<16xi32>
      %shift_right_logical3A_540 = arith.constant 26 : i32
      %shift_right_logical3A_541 = vector.broadcast %shift_right_logical3A_540 : i32 to vector<16xi32>
      %shift_right_logical3A_542 = arith.shrui %xor3A_535, %shift_right_logical3A_541 : vector<16xi32>
      %or3A_543 = arith.ori %shift_left3A_539, %shift_right_logical3A_542 : vector<16xi32>
      %xor3A_544 = arith.xori %or3A_543, %add3A_536 : vector<16xi32>
      %add3A_545 = arith.constant 64467757 : i32
      %add3A_546 = vector.broadcast %add3A_545 : i32 to vector<16xi32>
      %add3A_547 = arith.addi %add3A_536, %add3A_546 : vector<16xi32>
      %add3A_548 = arith.constant -1378843660 : i32
      %add3A_549 = vector.broadcast %add3A_548 : i32 to vector<16xi32>
      %add3A_550 = arith.addi %xor3A_544, %add3A_549 : vector<16xi32>
      %add3A_551 = arith.constant 3 : i32
      %add3A_552 = vector.broadcast %add3A_551 : i32 to vector<16xi32>
      %add3A_553 = arith.addi %add3A_550, %add3A_552 : vector<16xi32>
      %add3A_554 = arith.addi %add3A_547, %add3A_553 : vector<16xi32>
      %shift_left3A_555 = arith.constant 17 : i32
      %shift_left3A_556 = vector.broadcast %shift_left3A_555 : i32 to vector<16xi32>
      %shift_left3A_557 = arith.shli %add3A_553, %shift_left3A_556 : vector<16xi32>
      %shift_right_logical3A_558 = arith.constant 15 : i32
      %shift_right_logical3A_559 = vector.broadcast %shift_right_logical3A_558 : i32 to vector<16xi32>
      %shift_right_logical3A_560 = arith.shrui %add3A_553, %shift_right_logical3A_559 : vector<16xi32>
      %or3A_561 = arith.ori %shift_left3A_557, %shift_right_logical3A_560 : vector<16xi32>
      %xor3A_562 = arith.xori %or3A_561, %add3A_554 : vector<16xi32>
      %add3A_563 = arith.addi %add3A_554, %xor3A_562 : vector<16xi32>
      %shift_left3A_564 = arith.constant 29 : i32
      %shift_left3A_565 = vector.broadcast %shift_left3A_564 : i32 to vector<16xi32>
      %shift_left3A_566 = arith.shli %xor3A_562, %shift_left3A_565 : vector<16xi32>
      %shift_right_logical3A_567 = arith.constant 3 : i32
      %shift_right_logical3A_568 = vector.broadcast %shift_right_logical3A_567 : i32 to vector<16xi32>
      %shift_right_logical3A_569 = arith.shrui %xor3A_562, %shift_right_logical3A_568 : vector<16xi32>
      %or3A_570 = arith.ori %shift_left3A_566, %shift_right_logical3A_569 : vector<16xi32>
      %xor3A_571 = arith.xori %or3A_570, %add3A_563 : vector<16xi32>
      %add3A_572 = arith.addi %add3A_563, %xor3A_571 : vector<16xi32>
      %shift_left3A_573 = arith.constant 16 : i32
      %shift_left3A_574 = vector.broadcast %shift_left3A_573 : i32 to vector<16xi32>
      %shift_left3A_575 = arith.shli %xor3A_571, %shift_left3A_574 : vector<16xi32>
      %shift_right_logical3A_576 = arith.constant 16 : i32
      %shift_right_logical3A_577 = vector.broadcast %shift_right_logical3A_576 : i32 to vector<16xi32>
      %shift_right_logical3A_578 = arith.shrui %xor3A_571, %shift_right_logical3A_577 : vector<16xi32>
      %or3A_579 = arith.ori %shift_left3A_575, %shift_right_logical3A_578 : vector<16xi32>
      %xor3A_580 = arith.xori %or3A_579, %add3A_572 : vector<16xi32>
      %add3A_581 = arith.addi %add3A_572, %xor3A_580 : vector<16xi32>
      %shift_left3A_582 = arith.constant 24 : i32
      %shift_left3A_583 = vector.broadcast %shift_left3A_582 : i32 to vector<16xi32>
      %shift_left3A_584 = arith.shli %xor3A_580, %shift_left3A_583 : vector<16xi32>
      %shift_right_logical3A_585 = arith.constant 8 : i32
      %shift_right_logical3A_586 = vector.broadcast %shift_right_logical3A_585 : i32 to vector<16xi32>
      %shift_right_logical3A_587 = arith.shrui %xor3A_580, %shift_right_logical3A_586 : vector<16xi32>
      %or3A_588 = arith.ori %shift_left3A_584, %shift_right_logical3A_587 : vector<16xi32>
      %xor3A_589 = arith.xori %or3A_588, %add3A_581 : vector<16xi32>
      %add3A_590 = arith.constant -1378843660 : i32
      %add3A_591 = vector.broadcast %add3A_590 : i32 to vector<16xi32>
      %add3A_592 = arith.addi %add3A_581, %add3A_591 : vector<16xi32>
      %add3A_593 = arith.constant -1244255485 : i32
      %add3A_594 = vector.broadcast %add3A_593 : i32 to vector<16xi32>
      %add3A_595 = arith.addi %xor3A_589, %add3A_594 : vector<16xi32>
      %add3A_596 = arith.constant 4 : i32
      %add3A_597 = vector.broadcast %add3A_596 : i32 to vector<16xi32>
      %add3A_598 = arith.addi %add3A_595, %add3A_597 : vector<16xi32>
      %add3A_599 = arith.addi %add3A_592, %add3A_598 : vector<16xi32>
      %shift_left3A_600 = arith.constant 13 : i32
      %shift_left3A_601 = vector.broadcast %shift_left3A_600 : i32 to vector<16xi32>
      %shift_left3A_602 = arith.shli %add3A_598, %shift_left3A_601 : vector<16xi32>
      %shift_right_logical3A_603 = arith.constant 19 : i32
      %shift_right_logical3A_604 = vector.broadcast %shift_right_logical3A_603 : i32 to vector<16xi32>
      %shift_right_logical3A_605 = arith.shrui %add3A_598, %shift_right_logical3A_604 : vector<16xi32>
      %or3A_606 = arith.ori %shift_left3A_602, %shift_right_logical3A_605 : vector<16xi32>
      %xor3A_607 = arith.xori %or3A_606, %add3A_599 : vector<16xi32>
      %add3A_608 = arith.addi %add3A_599, %xor3A_607 : vector<16xi32>
      %shift_left3A_609 = arith.constant 15 : i32
      %shift_left3A_610 = vector.broadcast %shift_left3A_609 : i32 to vector<16xi32>
      %shift_left3A_611 = arith.shli %xor3A_607, %shift_left3A_610 : vector<16xi32>
      %shift_right_logical3A_612 = arith.constant 17 : i32
      %shift_right_logical3A_613 = vector.broadcast %shift_right_logical3A_612 : i32 to vector<16xi32>
      %shift_right_logical3A_614 = arith.shrui %xor3A_607, %shift_right_logical3A_613 : vector<16xi32>
      %or3A_615 = arith.ori %shift_left3A_611, %shift_right_logical3A_614 : vector<16xi32>
      %xor3A_616 = arith.xori %or3A_615, %add3A_608 : vector<16xi32>
      %add3A_617 = arith.addi %add3A_608, %xor3A_616 : vector<16xi32>
      %shift_left3A_618 = arith.constant 26 : i32
      %shift_left3A_619 = vector.broadcast %shift_left3A_618 : i32 to vector<16xi32>
      %shift_left3A_620 = arith.shli %xor3A_616, %shift_left3A_619 : vector<16xi32>
      %shift_right_logical3A_621 = arith.constant 6 : i32
      %shift_right_logical3A_622 = vector.broadcast %shift_right_logical3A_621 : i32 to vector<16xi32>
      %shift_right_logical3A_623 = arith.shrui %xor3A_616, %shift_right_logical3A_622 : vector<16xi32>
      %or3A_624 = arith.ori %shift_left3A_620, %shift_right_logical3A_623 : vector<16xi32>
      %xor3A_625 = arith.xori %or3A_624, %add3A_617 : vector<16xi32>
      %add3A_626 = arith.addi %add3A_617, %xor3A_625 : vector<16xi32>
      %shift_left3A_627 = arith.constant 6 : i32
      %shift_left3A_628 = vector.broadcast %shift_left3A_627 : i32 to vector<16xi32>
      %shift_left3A_629 = arith.shli %xor3A_625, %shift_left3A_628 : vector<16xi32>
      %shift_right_logical3A_630 = arith.constant 26 : i32
      %shift_right_logical3A_631 = vector.broadcast %shift_right_logical3A_630 : i32 to vector<16xi32>
      %shift_right_logical3A_632 = arith.shrui %xor3A_625, %shift_right_logical3A_631 : vector<16xi32>
      %or3A_633 = arith.ori %shift_left3A_629, %shift_right_logical3A_632 : vector<16xi32>
      %xor3A_634 = arith.xori %or3A_633, %add3A_626 : vector<16xi32>
      %add3A_635 = arith.constant -1244255485 : i32
      %add3A_636 = vector.broadcast %add3A_635 : i32 to vector<16xi32>
      %add3A_637 = arith.addi %add3A_626, %add3A_636 : vector<16xi32>
      %add3A_638 = arith.constant 64467757 : i32
      %add3A_639 = vector.broadcast %add3A_638 : i32 to vector<16xi32>
      %add3A_640 = arith.addi %xor3A_634, %add3A_639 : vector<16xi32>
      %add3A_641 = arith.constant 5 : i32
      %add3A_642 = vector.broadcast %add3A_641 : i32 to vector<16xi32>
      %add3A_643 = arith.addi %add3A_640, %add3A_642 : vector<16xi32>
      %xor3A_644 = arith.xori %add3A_637, %add3A_643 : vector<16xi32>
      %shift_right_logical3A_645 = arith.constant 9 : i32
      %shift_right_logical3A_646 = vector.broadcast %shift_right_logical3A_645 : i32 to vector<16xi32>
      %shift_right_logical3A_647 = arith.shrui %xor3A_644, %shift_right_logical3A_646 : vector<16xi32>
      %or3A_648 = arith.constant 1065353216 : i32
      %or3A_649 = vector.broadcast %or3A_648 : i32 to vector<16xi32>
      %or3A_650 = arith.ori %shift_right_logical3A_647, %or3A_649 : vector<16xi32>
      %bitcast_convert_type3A = tpu.bitcast %or3A_650 : vector<16xi32> -> vector<16xf32>
      %sub3A = arith.constant 1.000000e+00 : f32
      %sub3A_651 = vector.broadcast %sub3A : f32 to vector<16xf32>
      %sub3A_652 = arith.subf %bitcast_convert_type3A, %sub3A_651 : vector<16xf32>
      %gt3A_653 = arith.constant 0 : i32
      %gt3A_654 = vector.broadcast %gt3A_653 : i32 to vector<16xi32>
      %gt3A_655 = arith.cmpi sgt, %get3A_410, %gt3A_654 : vector<16xi32>
      %add3A_656 = arith.constant -1.000000e+09 : f32
      %add3A_657 = vector.broadcast %add3A_656 : f32 to vector<16xf32>
      %add3A_658 = arith.addf %sub3A_652, %add3A_657 : vector<16xf32>
      %select_n3A_659 = arith.select %gt3A_655, %sub3A_652, %add3A_658 : vector<16xi1>, vector<16xf32>
      %gt3A_660 = arith.cmpf ogt, %select_n3A_659, %scan3A_398 : vector<16xf32>
      %select_n3A_661 = arith.select %gt3A_660, %select_n3A_659, %scan3A_398 : vector<16xi1>, vector<16xf32>
      %select_n3A_662 = arith.select %gt3A_660, %add3A_404, %scan3A_399 : vector<16xi1>, vector<16xi32>
      %select_n3A_663 = arith.select %gt3A_660, %get3A_410, %scan3A_400 : vector<16xi1>, vector<16xi32>
      scf.yield %select_n3A_661, %select_n3A_662, %select_n3A_663 : vector<16xf32>, vector<16xi32>, vector<16xi32>
    }
    %scan3A_309 = arith.constant 128 : i32
    %xor3A_310 = arith.constant 1 : i32
    %xor3A_311 = vector.broadcast %xor3A_310 : i32 to vector<16xi32>
    %xor3A_312 = arith.xori %iota3A, %xor3A_311 : vector<16xi32>
    %broadcast_in_dim3A_313 = vector.shape_cast %xor3A_312 : vector<16xi32> to vector<16x1xi32>
    %gather3A_314 = vector.shape_cast %broadcast_in_dim3A_313 : vector<16x1xi32> to vector<16xi32>
    %gather3A_315 = tpu.dynamic_gather %scan3A_308#0[%gather3A_314] in [0] : vector<16xf32>, vector<16xi32> -> vector<16xf32>
    %broadcast_in_dim3A_316 = vector.shape_cast %xor3A_312 : vector<16xi32> to vector<16x1xi32>
    %gather3A_317 = vector.shape_cast %broadcast_in_dim3A_316 : vector<16x1xi32> to vector<16xi32>
    %gather3A_318 = tpu.dynamic_gather %scan3A_308#1[%gather3A_317] in [0] : vector<16xi32>, vector<16xi32> -> vector<16xi32>
    %broadcast_in_dim3A_319 = vector.shape_cast %xor3A_312 : vector<16xi32> to vector<16x1xi32>
    %gather3A_320 = vector.shape_cast %broadcast_in_dim3A_319 : vector<16x1xi32> to vector<16xi32>
    %gather3A_321 = tpu.dynamic_gather %scan3A_308#2[%gather3A_320] in [0] : vector<16xi32>, vector<16xi32> -> vector<16xi32>
    %gt3A_322 = arith.cmpf ogt, %gather3A_315, %scan3A_308#0 : vector<16xf32>
    %eq3A_323 = arith.cmpf oeq, %gather3A_315, %scan3A_308#0 : vector<16xf32>
    %lt3A_324 = arith.cmpi slt, %gather3A_318, %scan3A_308#1 : vector<16xi32>
    %and3A_325 = arith.andi %eq3A_323, %lt3A_324 : vector<16xi1>
    %or3A_326 = arith.ori %gt3A_322, %and3A_325 : vector<16xi1>
    %select_n3A_327 = arith.select %or3A_326, %gather3A_318, %scan3A_308#1 : vector<16xi1>, vector<16xi32>
    %select_n3A_328 = arith.select %or3A_326, %gather3A_321, %scan3A_308#2 : vector<16xi1>, vector<16xi32>
    %max3A_329 = arith.maximumf %scan3A_308#0, %gather3A_315 : vector<16xf32>
    %xor3A_330 = arith.constant 2 : i32
    %xor3A_331 = vector.broadcast %xor3A_330 : i32 to vector<16xi32>
    %xor3A_332 = arith.xori %iota3A, %xor3A_331 : vector<16xi32>
    %broadcast_in_dim3A_333 = vector.shape_cast %xor3A_332 : vector<16xi32> to vector<16x1xi32>
    %gather3A_334 = vector.shape_cast %broadcast_in_dim3A_333 : vector<16x1xi32> to vector<16xi32>
    %gather3A_335 = tpu.dynamic_gather %max3A_329[%gather3A_334] in [0] : vector<16xf32>, vector<16xi32> -> vector<16xf32>
    %broadcast_in_dim3A_336 = vector.shape_cast %xor3A_332 : vector<16xi32> to vector<16x1xi32>
    %gather3A_337 = vector.shape_cast %broadcast_in_dim3A_336 : vector<16x1xi32> to vector<16xi32>
    %gather3A_338 = tpu.dynamic_gather %select_n3A_327[%gather3A_337] in [0] : vector<16xi32>, vector<16xi32> -> vector<16xi32>
    %broadcast_in_dim3A_339 = vector.shape_cast %xor3A_332 : vector<16xi32> to vector<16x1xi32>
    %gather3A_340 = vector.shape_cast %broadcast_in_dim3A_339 : vector<16x1xi32> to vector<16xi32>
    %gather3A_341 = tpu.dynamic_gather %select_n3A_328[%gather3A_340] in [0] : vector<16xi32>, vector<16xi32> -> vector<16xi32>
    %gt3A_342 = arith.cmpf ogt, %gather3A_335, %max3A_329 : vector<16xf32>
    %eq3A_343 = arith.cmpf oeq, %gather3A_335, %max3A_329 : vector<16xf32>
    %lt3A_344 = arith.cmpi slt, %gather3A_338, %select_n3A_327 : vector<16xi32>
    %and3A_345 = arith.andi %eq3A_343, %lt3A_344 : vector<16xi1>
    %or3A_346 = arith.ori %gt3A_342, %and3A_345 : vector<16xi1>
    %select_n3A_347 = arith.select %or3A_346, %gather3A_338, %select_n3A_327 : vector<16xi1>, vector<16xi32>
    %select_n3A_348 = arith.select %or3A_346, %gather3A_341, %select_n3A_328 : vector<16xi1>, vector<16xi32>
    %max3A_349 = arith.maximumf %max3A_329, %gather3A_335 : vector<16xf32>
    %xor3A_350 = arith.constant 4 : i32
    %xor3A_351 = vector.broadcast %xor3A_350 : i32 to vector<16xi32>
    %xor3A_352 = arith.xori %iota3A, %xor3A_351 : vector<16xi32>
    %broadcast_in_dim3A_353 = vector.shape_cast %xor3A_352 : vector<16xi32> to vector<16x1xi32>
    %gather3A_354 = vector.shape_cast %broadcast_in_dim3A_353 : vector<16x1xi32> to vector<16xi32>
    %gather3A_355 = tpu.dynamic_gather %max3A_349[%gather3A_354] in [0] : vector<16xf32>, vector<16xi32> -> vector<16xf32>
    %broadcast_in_dim3A_356 = vector.shape_cast %xor3A_352 : vector<16xi32> to vector<16x1xi32>
    %gather3A_357 = vector.shape_cast %broadcast_in_dim3A_356 : vector<16x1xi32> to vector<16xi32>
    %gather3A_358 = tpu.dynamic_gather %select_n3A_347[%gather3A_357] in [0] : vector<16xi32>, vector<16xi32> -> vector<16xi32>
    %broadcast_in_dim3A_359 = vector.shape_cast %xor3A_352 : vector<16xi32> to vector<16x1xi32>
    %gather3A_360 = vector.shape_cast %broadcast_in_dim3A_359 : vector<16x1xi32> to vector<16xi32>
    %gather3A_361 = tpu.dynamic_gather %select_n3A_348[%gather3A_360] in [0] : vector<16xi32>, vector<16xi32> -> vector<16xi32>
    %gt3A_362 = arith.cmpf ogt, %gather3A_355, %max3A_349 : vector<16xf32>
    %eq3A_363 = arith.cmpf oeq, %gather3A_355, %max3A_349 : vector<16xf32>
    %lt3A_364 = arith.cmpi slt, %gather3A_358, %select_n3A_347 : vector<16xi32>
    %and3A_365 = arith.andi %eq3A_363, %lt3A_364 : vector<16xi1>
    %or3A_366 = arith.ori %gt3A_362, %and3A_365 : vector<16xi1>
    %select_n3A_367 = arith.select %or3A_366, %gather3A_358, %select_n3A_347 : vector<16xi1>, vector<16xi32>
    %select_n3A_368 = arith.select %or3A_366, %gather3A_361, %select_n3A_348 : vector<16xi1>, vector<16xi32>
    %max3A_369 = arith.maximumf %max3A_349, %gather3A_355 : vector<16xf32>
    %xor3A_370 = arith.constant 8 : i32
    %xor3A_371 = vector.broadcast %xor3A_370 : i32 to vector<16xi32>
    %xor3A_372 = arith.xori %iota3A, %xor3A_371 : vector<16xi32>
    %broadcast_in_dim3A_373 = vector.shape_cast %xor3A_372 : vector<16xi32> to vector<16x1xi32>
    %gather3A_374 = vector.shape_cast %broadcast_in_dim3A_373 : vector<16x1xi32> to vector<16xi32>
    %gather3A_375 = tpu.dynamic_gather %max3A_369[%gather3A_374] in [0] : vector<16xf32>, vector<16xi32> -> vector<16xf32>
    %broadcast_in_dim3A_376 = vector.shape_cast %xor3A_372 : vector<16xi32> to vector<16x1xi32>
    %gather3A_377 = vector.shape_cast %broadcast_in_dim3A_376 : vector<16x1xi32> to vector<16xi32>
    %gather3A_378 = tpu.dynamic_gather %select_n3A_367[%gather3A_377] in [0] : vector<16xi32>, vector<16xi32> -> vector<16xi32>
    %broadcast_in_dim3A_379 = vector.shape_cast %xor3A_372 : vector<16xi32> to vector<16x1xi32>
    %gather3A_380 = vector.shape_cast %broadcast_in_dim3A_379 : vector<16x1xi32> to vector<16xi32>
    %gather3A_381 = tpu.dynamic_gather %select_n3A_368[%gather3A_380] in [0] : vector<16xi32>, vector<16xi32> -> vector<16xi32>
    %gt3A_382 = arith.cmpf ogt, %gather3A_375, %max3A_369 : vector<16xf32>
    %eq3A_383 = arith.cmpf oeq, %gather3A_375, %max3A_369 : vector<16xf32>
    %lt3A_384 = arith.cmpi slt, %gather3A_378, %select_n3A_367 : vector<16xi32>
    %and3A_385 = arith.andi %eq3A_383, %lt3A_384 : vector<16xi1>
    %or3A_386 = arith.ori %gt3A_382, %and3A_385 : vector<16xi1>
    %select_n3A_387 = arith.select %or3A_386, %gather3A_378, %select_n3A_367 : vector<16xi1>, vector<16xi32>
    %select_n3A_388 = arith.select %or3A_386, %gather3A_381, %select_n3A_368 : vector<16xi1>, vector<16xi32>
    %max3A_389 = arith.maximumf %max3A_369, %gather3A_375 : vector<16xf32>
    %eq3A_390 = arith.constant 3 : i32
    %eq3A_391 = vector.broadcast %eq3A_390 : i32 to vector<16xi32>
    %eq3A_392 = arith.cmpi eq, %iota3A, %eq3A_391 : vector<16xi32>
    %select_n3A_393 = arith.select %eq3A_392, %select_n3A_388, %select_n3A_293 : vector<16xi1>, vector<16xi32>
    %swap3A = arith.constant 0 : index
    %swap3A_394 = tpu.vector_load %arg5[%swap3A] {strides = array<i32>} : memref<16xi32, #tpu.memory_space<vmem>>, vector<16xi32>,
    %swap3A_395 = vector.shape_cast %swap3A_394 : vector<16xi32> to vector<16xi32>
    %swap3A_396 = vector.shape_cast %select_n3A_393 : vector<16xi32> to vector<16xi32>
    tpu.vector_store %arg5[%swap3A], %swap3A_396 {strides = array<i32>} : memref<16xi32, #tpu.memory_space<vmem>>, vector<16xi32>,
    "tpu.region"() ({
      %run_scoped3A = tpu.sem_alloc : memref<!tpu.dma_semaphore, #tpu.memory_space<semaphore_mem>>
      %dma_start3A = arith.constant 0 : i32
      %dma_start3A_397 = tpu.memref_slice %arg3[%add3A, %dma_start3A] : memref<32x16xi32, #tpu.memory_space<hbm>> -> memref<1x16xi32, #tpu.memory_space<hbm>>
      %dma_start3A_398 = tpu.memref_squeeze %dma_start3A_397 : memref<1x16xi32, #tpu.memory_space<hbm>> -> memref<16xi32, #tpu.memory_space<hbm>>
      %dma_start3A_399 = arith.constant 0 : i32
      %dma_start3A_400 = tpu.memref_slice %arg3[%add3A, %dma_start3A_399] : memref<32x16xi32, #tpu.memory_space<hbm>> -> memref<1x16xi32, #tpu.memory_space<hbm>>
      %dma_start3A_401 = tpu.memref_squeeze %dma_start3A_400 : memref<1x16xi32, #tpu.memory_space<hbm>> -> memref<16xi32, #tpu.memory_space<hbm>>
      tpu.enqueue_dma source(%arg5 : memref<16xi32, #tpu.memory_space<vmem>>) target(%dma_start3A_401 : memref<16xi32, #tpu.memory_space<hbm>>) target_semaphore(%run_scoped3A : memref<!tpu.dma_semaphore, #tpu.memory_space<semaphore_mem>>)
      %dma_wait3A = arith.constant 0 : i32
      %dma_wait3A_402 = tpu.memref_slice %arg3[%add3A, %dma_wait3A] : memref<32x16xi32, #tpu.memory_space<hbm>> -> memref<1x16xi32, #tpu.memory_space<hbm>>
      %dma_wait3A_403 = tpu.memref_squeeze %dma_wait3A_402 : memref<1x16xi32, #tpu.memory_space<hbm>> -> memref<16xi32, #tpu.memory_space<hbm>>
      %dma_wait3A_404 = arith.constant 0 : i32
      %dma_wait3A_405 = tpu.memref_slice %arg3[%add3A, %dma_wait3A_404] : memref<32x16xi32, #tpu.memory_space<hbm>> -> memref<1x16xi32, #tpu.memory_space<hbm>>
      %dma_wait3A_406 = tpu.memref_squeeze %dma_wait3A_405 : memref<1x16xi32, #tpu.memory_space<hbm>> -> memref<16xi32, #tpu.memory_space<hbm>>
      tpu.wait_dma2 semaphore(%run_scoped3A : memref<!tpu.dma_semaphore, #tpu.memory_space<semaphore_mem>>) src(%arg5 : memref<16xi32, #tpu.memory_space<vmem>>) dst(%dma_wait3A_406 : memref<16xi32, #tpu.memory_space<hbm>>)
      tpu.yield
    }) : () -> ()
    return
  }
}

module attributes {stable_mosaic.version = 14 : i64} {
  func.func @_combine_body(%arg0: memref<2xf32, #tpu.memory_space<smem>>, %arg1: memref<128x1xf32, #tpu.memory_space<vmem>>, %arg2: memref<128x1xf32, #tpu.memory_space<vmem>>, %arg3: memref<128x1xf32, #tpu.memory_space<vmem>>, %arg4: memref<128x1xi32, #tpu.memory_space<vmem>>, %arg5: memref<128x1xf32, #tpu.memory_space<vmem>>, %arg6: memref<128x1xi32, #tpu.memory_space<vmem>>, %arg7: memref<128x1xi32, #tpu.memory_space<vmem>>, %arg8: memref<128x1xi32, #tpu.memory_space<vmem>>) attributes {dimension_semantics = [], scalar_prefetch = 0 : i64, scratch_operands = 0 : i64, tpu.core_type = #tpu.core_type<tc>} {
    %get3A = arith.constant 0 : index
    %get3A_0 = arith.constant 0 : index
    %get3A_1 = vector.load %arg5[%get3A, %get3A_0] : memref<128x1xf32, #tpu.memory_space<vmem>>, vector<128x1xf32>
    %get3A_2 = arith.constant 0 : index
    %get3A_3 = arith.constant 0 : index
    %get3A_4 = vector.load %arg1[%get3A_2, %get3A_3] : memref<128x1xf32, #tpu.memory_space<vmem>>, vector<128x1xf32>
    %sub3A = arith.subf %get3A_1, %get3A_4 : vector<128x1xf32>
    %exp3A = math.exp %sub3A : vector<128x1xf32>
    %get3A_5 = arith.constant 0 : index
    %get3A_6 = arith.constant 0 : index
    %get3A_7 = vector.load %arg2[%get3A_5, %get3A_6] : memref<128x1xf32, #tpu.memory_space<vmem>>, vector<128x1xf32>
    %div3A = arith.divf %exp3A, %get3A_7 : vector<128x1xf32>
    %get3A_8 = arith.constant 0 : index
    %get3A_9 = memref.load %arg0[%get3A_8] : memref<2xf32, #tpu.memory_space<smem>>
    %lt3A = vector.broadcast %get3A_9 : f32 to vector<128x1xf32>
    %lt3A_10 = arith.cmpf olt, %div3A, %lt3A : vector<128x1xf32>
    %get3A_11 = arith.constant 0 : index
    %get3A_12 = arith.constant 0 : index
    %get3A_13 = vector.load %arg6[%get3A_11, %get3A_12] : memref<128x1xi32, #tpu.memory_space<vmem>>, vector<128x1xi32>
    %get3A_14 = arith.constant 1 : index
    %get3A_15 = memref.load %arg0[%get3A_14] : memref<2xf32, #tpu.memory_space<smem>>
    %lt3A_16 = vector.broadcast %get3A_15 : f32 to vector<128x1xf32>
    %lt3A_17 = arith.cmpf olt, %div3A, %lt3A_16 : vector<128x1xf32>
    %get3A_18 = arith.constant 0 : index
    %get3A_19 = arith.constant 0 : index
    %get3A_20 = vector.load %arg4[%get3A_18, %get3A_19] : memref<128x1xi32, #tpu.memory_space<vmem>>, vector<128x1xi32>
    %get3A_21 = arith.constant 0 : index
    %get3A_22 = arith.constant 0 : index
    %get3A_23 = vector.load %arg7[%get3A_21, %get3A_22] : memref<128x1xi32, #tpu.memory_space<vmem>>, vector<128x1xi32>
    %select_n3A = arith.select %lt3A_17, %get3A_20, %get3A_23 : vector<128x1xi1>, vector<128x1xi32>
    %select_n3A_24 = arith.select %lt3A_10, %get3A_13, %select_n3A : vector<128x1xi1>, vector<128x1xi32>
    %swap3A = arith.constant 0 : index
    %swap3A_25 = arith.constant 0 : index
    %swap3A_26 = vector.load %arg8[%swap3A, %swap3A_25] : memref<128x1xi32, #tpu.memory_space<vmem>>, vector<128x1xi32>
    tpu.vector_store %arg8[%swap3A, %swap3A_25], %select_n3A_24 {strides = array<i32>} : memref<128x1xi32, #tpu.memory_space<vmem>>, vector<128x1xi32>,
    return
  }
}

module attributes {stable_mosaic.version = 14 : i64} {
  func.func @_tc_body(%arg0: i32, %arg1: memref<1xi32, #tpu.memory_space<smem>>, %arg2: memref<128x2048xi32, #tpu.memory_space<vmem>>, %arg3: memref<128x2048xf32, #tpu.memory_space<vmem>>, %arg4: memref<128x1xf32, #tpu.memory_space<vmem>>, %arg5: memref<128x1xf32, #tpu.memory_space<vmem>>, %arg6: memref<128x1xf32, #tpu.memory_space<vmem>>, %arg7: memref<128x1xi32, #tpu.memory_space<vmem>>, %arg8: memref<128x1xf32, #tpu.memory_space<vmem>>, %arg9: memref<128x1xi32, #tpu.memory_space<vmem>>, %arg10: memref<128x2048xi32, #tpu.memory_space<vmem>>) attributes {dimension_semantics = [#tpu.dimension_semantics<arbitrary>], iteration_bounds = array<i64: 49>, scalar_prefetch = 0 : i64, scratch_operands = 1 : i64, tpu.core_type = #tpu.core_type<tc>, window_params = [{transform_indices = @transform_0, window_bounds = array<i64: 1>}, {pipeline_mode = #tpu.pipeline_mode<synchronous>, transform_indices = @transform_1, window_bounds = array<i64: 128, 2048>}, {transform_indices = @transform_2, window_bounds = array<i64: 128, 2048>}, {pipeline_mode = #tpu.pipeline_mode<synchronous>, transform_indices = @transform_3, window_bounds = array<i64: 128, 1>}, {pipeline_mode = #tpu.pipeline_mode<synchronous>, transform_indices = @transform_4, window_bounds = array<i64: 128, 1>}, {pipeline_mode = #tpu.pipeline_mode<synchronous>, transform_indices = @transform_5, window_bounds = array<i64: 128, 1>}, {pipeline_mode = #tpu.pipeline_mode<synchronous>, transform_indices = @transform_6, window_bounds = array<i64: 128, 1>}, {pipeline_mode = #tpu.pipeline_mode<synchronous>, transform_indices = @transform_7, window_bounds = array<i64: 128, 1>}, {pipeline_mode = #tpu.pipeline_mode<synchronous>, transform_indices = @transform_8, window_bounds = array<i64: 128, 1>}]} {
    %eq3A = arith.constant 0 : i32
    %eq3A_0 = arith.cmpi eq, %arg0, %eq3A : i32
    %convert_element_type3A = arith.extui %eq3A_0 : i1 to i32
    %cond3A = arith.constant 0 : i32
    %cond3A_1 = arith.cmpi ne, %convert_element_type3A, %cond3A : i32
    scf.if %cond3A_1 {
      %broadcast_in_dim3A = arith.constant 0xFF800000 : f32
      %broadcast_in_dim3A_11 = vector.broadcast %broadcast_in_dim3A : f32 to vector<128x1xf32>
      %swap3A = arith.constant 0 : index
      %swap3A_12 = arith.constant 0 : index
      %swap3A_13 = vector.load %arg4[%swap3A, %swap3A_12] : memref<128x1xf32, #tpu.memory_space<vmem>>, vector<128x1xf32>
      tpu.vector_store %arg4[%swap3A, %swap3A_12], %broadcast_in_dim3A_11 {strides = array<i32>} : memref<128x1xf32, #tpu.memory_space<vmem>>, vector<128x1xf32>,
      %broadcast_in_dim3A_14 = arith.constant 0.000000e+00 : f32
      %broadcast_in_dim3A_15 = vector.broadcast %broadcast_in_dim3A_14 : f32 to vector<128x1xf32>
      %swap3A_16 = arith.constant 0 : index
      %swap3A_17 = arith.constant 0 : index
      %swap3A_18 = vector.load %arg5[%swap3A_16, %swap3A_17] : memref<128x1xf32, #tpu.memory_space<vmem>>, vector<128x1xf32>
      tpu.vector_store %arg5[%swap3A_16, %swap3A_17], %broadcast_in_dim3A_15 {strides = array<i32>} : memref<128x1xf32, #tpu.memory_space<vmem>>, vector<128x1xf32>,
      %broadcast_in_dim3A_19 = arith.constant 0xFF800000 : f32
      %broadcast_in_dim3A_20 = vector.broadcast %broadcast_in_dim3A_19 : f32 to vector<128x1xf32>
      %swap3A_21 = arith.constant 0 : index
      %swap3A_22 = arith.constant 0 : index
      %swap3A_23 = vector.load %arg6[%swap3A_21, %swap3A_22] : memref<128x1xf32, #tpu.memory_space<vmem>>, vector<128x1xf32>
      tpu.vector_store %arg6[%swap3A_21, %swap3A_22], %broadcast_in_dim3A_20 {strides = array<i32>} : memref<128x1xf32, #tpu.memory_space<vmem>>, vector<128x1xf32>,
      %broadcast_in_dim3A_24 = arith.constant 0 : i32
      %broadcast_in_dim3A_25 = vector.broadcast %broadcast_in_dim3A_24 : i32 to vector<128x1xi32>
      %swap3A_26 = arith.constant 0 : index
      %swap3A_27 = arith.constant 0 : index
      %swap3A_28 = vector.load %arg7[%swap3A_26, %swap3A_27] : memref<128x1xi32, #tpu.memory_space<vmem>>, vector<128x1xi32>
      tpu.vector_store %arg7[%swap3A_26, %swap3A_27], %broadcast_in_dim3A_25 {strides = array<i32>} : memref<128x1xi32, #tpu.memory_space<vmem>>, vector<128x1xi32>,
      %broadcast_in_dim3A_29 = arith.constant 0.000000e+00 : f32
      %broadcast_in_dim3A_30 = vector.broadcast %broadcast_in_dim3A_29 : f32 to vector<128x1xf32>
      %swap3A_31 = arith.constant 0 : index
      %swap3A_32 = arith.constant 0 : index
      %swap3A_33 = vector.load %arg8[%swap3A_31, %swap3A_32] : memref<128x1xf32, #tpu.memory_space<vmem>>, vector<128x1xf32>
      tpu.vector_store %arg8[%swap3A_31, %swap3A_32], %broadcast_in_dim3A_30 {strides = array<i32>} : memref<128x1xf32, #tpu.memory_space<vmem>>, vector<128x1xf32>,
      %iota3A = tpu.iota {dimensions = array<i32: 1>} : vector<128x2048xi32>
      %get3A = arith.constant 0 : index
      %get3A_34 = memref.load %arg1[%get3A] : memref<1xi32, #tpu.memory_space<smem>>
      %eq3A_35 = vector.broadcast %get3A_34 : i32 to vector<128x2048xi32>
      %eq3A_36 = arith.cmpi eq, %iota3A, %eq3A_35 : vector<128x2048xi32>
      %get3A_37 = arith.constant 0 : index
      %get3A_38 = arith.constant 0 : index
      %get3A_39 = vector.load %arg2[%get3A_37, %get3A_38] : memref<128x2048xi32, #tpu.memory_space<vmem>>, vector<128x2048xi32>
      %jit3A = arith.constant 0 : i32
      %broadcast_in_dim3A_40 = vector.broadcast %jit3A : i32 to vector<128x2048xi32>
      %select_n3A = arith.select %eq3A_36, %get3A_39, %broadcast_in_dim3A_40 : vector<128x2048xi1>, vector<128x2048xi32>
      %reduce_sum3A = arith.constant dense<0> : vector<128xi32>
      %reduce_sum3A_41 = vector.multi_reduction <add>, %select_n3A, %reduce_sum3A [1] : vector<128x2048xi32> to vector<128xi32>
      %broadcast_in_dim3A_42 = vector.shape_cast %reduce_sum3A_41 : vector<128xi32> to vector<128x1xi32>
      %swap3A_43 = arith.constant 0 : index
      %swap3A_44 = arith.constant 0 : index
      %swap3A_45 = vector.load %arg9[%swap3A_43, %swap3A_44] : memref<128x1xi32, #tpu.memory_space<vmem>>, vector<128x1xi32>
      tpu.vector_store %arg9[%swap3A_43, %swap3A_44], %broadcast_in_dim3A_42 {strides = array<i32>} : memref<128x1xi32, #tpu.memory_space<vmem>>, vector<128x1xi32>,
      %iota3A_46 = tpu.iota {dimensions = array<i32: 0>} : vector<128x2048xi32>
      %iota3A_47 = tpu.iota {dimensions = array<i32: 1>} : vector<128x2048xi32>
      %mul3A = arith.constant 100000 : i32
      %mul3A_48 = vector.broadcast %mul3A : i32 to vector<128x2048xi32>
      %mul3A_49 = arith.muli %iota3A_46, %mul3A_48 : vector<128x2048xi32>
      %add3A = arith.addi %mul3A_49, %iota3A_47 : vector<128x2048xi32>
      %swap3A_50 = arith.constant 0 : index
      %swap3A_51 = arith.constant 0 : index
      %swap3A_52 = vector.load %arg10[%swap3A_50, %swap3A_51] : memref<128x2048xi32, #tpu.memory_space<vmem>>, vector<128x2048xi32>
      tpu.vector_store %arg10[%swap3A_50, %swap3A_51], %add3A {strides = array<i32>} : memref<128x2048xi32, #tpu.memory_space<vmem>>, vector<128x2048xi32>,
    } else {
    }
    %lt3A = arith.constant 48 : i32
    %lt3A_2 = arith.cmpi slt, %arg0, %lt3A : i32
    %convert_element_type3A_3 = arith.extui %lt3A_2 : i1 to i32
    %cond3A_4 = arith.constant 0 : i32
    %cond3A_5 = arith.cmpi ne, %convert_element_type3A_3, %cond3A_4 : i32
    scf.if %cond3A_5 {
      %get3A = arith.constant 0 : index
      %get3A_11 = arith.constant 0 : index
      %get3A_12 = vector.load %arg3[%get3A, %get3A_11] : memref<128x2048xf32, #tpu.memory_space<vmem>>, vector<128x2048xf32>
      %mul3A = arith.constant 2048 : i32
      %mul3A_13 = arith.muli %arg0, %mul3A : i32
      %get3A_14 = arith.constant 0 : index
      %get3A_15 = arith.constant 0 : index
      %get3A_16 = vector.load %arg10[%get3A_14, %get3A_15] : memref<128x2048xi32, #tpu.memory_space<vmem>>, vector<128x2048xi32>
      %add3A = vector.broadcast %mul3A_13 : i32 to vector<128x2048xi32>
      %add3A_17 = arith.addi %get3A_16, %add3A : vector<128x2048xi32>
      %broadcast_in_dim3A = arith.constant 0 : i32
      %broadcast_in_dim3A_18 = vector.broadcast %broadcast_in_dim3A : i32 to vector<128x2048xi32>
      %add3A_19 = arith.constant 1832780943 : i32
      %add3A_20 = vector.broadcast %add3A_19 : i32 to vector<128x2048xi32>
      %add3A_21 = arith.addi %broadcast_in_dim3A_18, %add3A_20 : vector<128x2048xi32>
      %add3A_22 = arith.constant 270669613 : i32
      %add3A_23 = vector.broadcast %add3A_22 : i32 to vector<128x2048xi32>
      %add3A_24 = arith.addi %add3A_17, %add3A_23 : vector<128x2048xi32>
      %add3A_25 = arith.addi %add3A_21, %add3A_24 : vector<128x2048xi32>
      %shift_left3A = arith.constant 13 : i32
      %shift_left3A_26 = vector.broadcast %shift_left3A : i32 to vector<128x2048xi32>
      %shift_left3A_27 = arith.shli %add3A_24, %shift_left3A_26 : vector<128x2048xi32>
      %shift_right_logical3A = arith.constant 19 : i32
      %shift_right_logical3A_28 = vector.broadcast %shift_right_logical3A : i32 to vector<128x2048xi32>
      %shift_right_logical3A_29 = arith.shrui %add3A_24, %shift_right_logical3A_28 : vector<128x2048xi32>
      %or3A = arith.ori %shift_left3A_27, %shift_right_logical3A_29 : vector<128x2048xi32>
      %xor3A = arith.xori %or3A, %add3A_25 : vector<128x2048xi32>
      %add3A_30 = arith.addi %add3A_25, %xor3A : vector<128x2048xi32>
      %shift_left3A_31 = arith.constant 15 : i32
      %shift_left3A_32 = vector.broadcast %shift_left3A_31 : i32 to vector<128x2048xi32>
      %shift_left3A_33 = arith.shli %xor3A, %shift_left3A_32 : vector<128x2048xi32>
      %shift_right_logical3A_34 = arith.constant 17 : i32
      %shift_right_logical3A_35 = vector.broadcast %shift_right_logical3A_34 : i32 to vector<128x2048xi32>
      %shift_right_logical3A_36 = arith.shrui %xor3A, %shift_right_logical3A_35 : vector<128x2048xi32>
      %or3A_37 = arith.ori %shift_left3A_33, %shift_right_logical3A_36 : vector<128x2048xi32>
      %xor3A_38 = arith.xori %or3A_37, %add3A_30 : vector<128x2048xi32>
      %add3A_39 = arith.addi %add3A_30, %xor3A_38 : vector<128x2048xi32>
      %shift_left3A_40 = arith.constant 26 : i32
      %shift_left3A_41 = vector.broadcast %shift_left3A_40 : i32 to vector<128x2048xi32>
      %shift_left3A_42 = arith.shli %xor3A_38, %shift_left3A_41 : vector<128x2048xi32>
      %shift_right_logical3A_43 = arith.constant 6 : i32
      %shift_right_logical3A_44 = vector.broadcast %shift_right_logical3A_43 : i32 to vector<128x2048xi32>
      %shift_right_logical3A_45 = arith.shrui %xor3A_38, %shift_right_logical3A_44 : vector<128x2048xi32>
      %or3A_46 = arith.ori %shift_left3A_42, %shift_right_logical3A_45 : vector<128x2048xi32>
      %xor3A_47 = arith.xori %or3A_46, %add3A_39 : vector<128x2048xi32>
      %add3A_48 = arith.addi %add3A_39, %xor3A_47 : vector<128x2048xi32>
      %shift_left3A_49 = arith.constant 6 : i32
      %shift_left3A_50 = vector.broadcast %shift_left3A_49 : i32 to vector<128x2048xi32>
      %shift_left3A_51 = arith.shli %xor3A_47, %shift_left3A_50 : vector<128x2048xi32>
      %shift_right_logical3A_52 = arith.constant 26 : i32
      %shift_right_logical3A_53 = vector.broadcast %shift_right_logical3A_52 : i32 to vector<128x2048xi32>
      %shift_right_logical3A_54 = arith.shrui %xor3A_47, %shift_right_logical3A_53 : vector<128x2048xi32>
      %or3A_55 = arith.ori %shift_left3A_51, %shift_right_logical3A_54 : vector<128x2048xi32>
      %xor3A_56 = arith.xori %or3A_55, %add3A_48 : vector<128x2048xi32>
      %add3A_57 = arith.constant 270669613 : i32
      %add3A_58 = vector.broadcast %add3A_57 : i32 to vector<128x2048xi32>
      %add3A_59 = arith.addi %add3A_48, %add3A_58 : vector<128x2048xi32>
      %add3A_60 = arith.constant 1724713080 : i32
      %add3A_61 = vector.broadcast %add3A_60 : i32 to vector<128x2048xi32>
      %add3A_62 = arith.addi %xor3A_56, %add3A_61 : vector<128x2048xi32>
      %add3A_63 = arith.constant 1 : i32
      %add3A_64 = vector.broadcast %add3A_63 : i32 to vector<128x2048xi32>
      %add3A_65 = arith.addi %add3A_62, %add3A_64 : vector<128x2048xi32>
      %add3A_66 = arith.addi %add3A_59, %add3A_65 : vector<128x2048xi32>
      %shift_left3A_67 = arith.constant 17 : i32
      %shift_left3A_68 = vector.broadcast %shift_left3A_67 : i32 to vector<128x2048xi32>
      %shift_left3A_69 = arith.shli %add3A_65, %shift_left3A_68 : vector<128x2048xi32>
      %shift_right_logical3A_70 = arith.constant 15 : i32
      %shift_right_logical3A_71 = vector.broadcast %shift_right_logical3A_70 : i32 to vector<128x2048xi32>
      %shift_right_logical3A_72 = arith.shrui %add3A_65, %shift_right_logical3A_71 : vector<128x2048xi32>
      %or3A_73 = arith.ori %shift_left3A_69, %shift_right_logical3A_72 : vector<128x2048xi32>
      %xor3A_74 = arith.xori %or3A_73, %add3A_66 : vector<128x2048xi32>
      %add3A_75 = arith.addi %add3A_66, %xor3A_74 : vector<128x2048xi32>
      %shift_left3A_76 = arith.constant 29 : i32
      %shift_left3A_77 = vector.broadcast %shift_left3A_76 : i32 to vector<128x2048xi32>
      %shift_left3A_78 = arith.shli %xor3A_74, %shift_left3A_77 : vector<128x2048xi32>
      %shift_right_logical3A_79 = arith.constant 3 : i32
      %shift_right_logical3A_80 = vector.broadcast %shift_right_logical3A_79 : i32 to vector<128x2048xi32>
      %shift_right_logical3A_81 = arith.shrui %xor3A_74, %shift_right_logical3A_80 : vector<128x2048xi32>
      %or3A_82 = arith.ori %shift_left3A_78, %shift_right_logical3A_81 : vector<128x2048xi32>
      %xor3A_83 = arith.xori %or3A_82, %add3A_75 : vector<128x2048xi32>
      %add3A_84 = arith.addi %add3A_75, %xor3A_83 : vector<128x2048xi32>
      %shift_left3A_85 = arith.constant 16 : i32
      %shift_left3A_86 = vector.broadcast %shift_left3A_85 : i32 to vector<128x2048xi32>
      %shift_left3A_87 = arith.shli %xor3A_83, %shift_left3A_86 : vector<128x2048xi32>
      %shift_right_logical3A_88 = arith.constant 16 : i32
      %shift_right_logical3A_89 = vector.broadcast %shift_right_logical3A_88 : i32 to vector<128x2048xi32>
      %shift_right_logical3A_90 = arith.shrui %xor3A_83, %shift_right_logical3A_89 : vector<128x2048xi32>
      %or3A_91 = arith.ori %shift_left3A_87, %shift_right_logical3A_90 : vector<128x2048xi32>
      %xor3A_92 = arith.xori %or3A_91, %add3A_84 : vector<128x2048xi32>
      %add3A_93 = arith.addi %add3A_84, %xor3A_92 : vector<128x2048xi32>
      %shift_left3A_94 = arith.constant 24 : i32
      %shift_left3A_95 = vector.broadcast %shift_left3A_94 : i32 to vector<128x2048xi32>
      %shift_left3A_96 = arith.shli %xor3A_92, %shift_left3A_95 : vector<128x2048xi32>
      %shift_right_logical3A_97 = arith.constant 8 : i32
      %shift_right_logical3A_98 = vector.broadcast %shift_right_logical3A_97 : i32 to vector<128x2048xi32>
      %shift_right_logical3A_99 = arith.shrui %xor3A_92, %shift_right_logical3A_98 : vector<128x2048xi32>
      %or3A_100 = arith.ori %shift_left3A_96, %shift_right_logical3A_99 : vector<128x2048xi32>
      %xor3A_101 = arith.xori %or3A_100, %add3A_93 : vector<128x2048xi32>
      %add3A_102 = arith.constant 1724713080 : i32
      %add3A_103 = vector.broadcast %add3A_102 : i32 to vector<128x2048xi32>
      %add3A_104 = arith.addi %add3A_93, %add3A_103 : vector<128x2048xi32>
      %add3A_105 = arith.constant 1832780943 : i32
      %add3A_106 = vector.broadcast %add3A_105 : i32 to vector<128x2048xi32>
      %add3A_107 = arith.addi %xor3A_101, %add3A_106 : vector<128x2048xi32>
      %add3A_108 = arith.constant 2 : i32
      %add3A_109 = vector.broadcast %add3A_108 : i32 to vector<128x2048xi32>
      %add3A_110 = arith.addi %add3A_107, %add3A_109 : vector<128x2048xi32>
      %add3A_111 = arith.addi %add3A_104, %add3A_110 : vector<128x2048xi32>
      %shift_left3A_112 = arith.constant 13 : i32
      %shift_left3A_113 = vector.broadcast %shift_left3A_112 : i32 to vector<128x2048xi32>
      %shift_left3A_114 = arith.shli %add3A_110, %shift_left3A_113 : vector<128x2048xi32>
      %shift_right_logical3A_115 = arith.constant 19 : i32
      %shift_right_logical3A_116 = vector.broadcast %shift_right_logical3A_115 : i32 to vector<128x2048xi32>
      %shift_right_logical3A_117 = arith.shrui %add3A_110, %shift_right_logical3A_116 : vector<128x2048xi32>
      %or3A_118 = arith.ori %shift_left3A_114, %shift_right_logical3A_117 : vector<128x2048xi32>
      %xor3A_119 = arith.xori %or3A_118, %add3A_111 : vector<128x2048xi32>
      %add3A_120 = arith.addi %add3A_111, %xor3A_119 : vector<128x2048xi32>
      %shift_left3A_121 = arith.constant 15 : i32
      %shift_left3A_122 = vector.broadcast %shift_left3A_121 : i32 to vector<128x2048xi32>
      %shift_left3A_123 = arith.shli %xor3A_119, %shift_left3A_122 : vector<128x2048xi32>
      %shift_right_logical3A_124 = arith.constant 17 : i32
      %shift_right_logical3A_125 = vector.broadcast %shift_right_logical3A_124 : i32 to vector<128x2048xi32>
      %shift_right_logical3A_126 = arith.shrui %xor3A_119, %shift_right_logical3A_125 : vector<128x2048xi32>
      %or3A_127 = arith.ori %shift_left3A_123, %shift_right_logical3A_126 : vector<128x2048xi32>
      %xor3A_128 = arith.xori %or3A_127, %add3A_120 : vector<128x2048xi32>
      %add3A_129 = arith.addi %add3A_120, %xor3A_128 : vector<128x2048xi32>
      %shift_left3A_130 = arith.constant 26 : i32
      %shift_left3A_131 = vector.broadcast %shift_left3A_130 : i32 to vector<128x2048xi32>
      %shift_left3A_132 = arith.shli %xor3A_128, %shift_left3A_131 : vector<128x2048xi32>
      %shift_right_logical3A_133 = arith.constant 6 : i32
      %shift_right_logical3A_134 = vector.broadcast %shift_right_logical3A_133 : i32 to vector<128x2048xi32>
      %shift_right_logical3A_135 = arith.shrui %xor3A_128, %shift_right_logical3A_134 : vector<128x2048xi32>
      %or3A_136 = arith.ori %shift_left3A_132, %shift_right_logical3A_135 : vector<128x2048xi32>
      %xor3A_137 = arith.xori %or3A_136, %add3A_129 : vector<128x2048xi32>
      %add3A_138 = arith.addi %add3A_129, %xor3A_137 : vector<128x2048xi32>
      %shift_left3A_139 = arith.constant 6 : i32
      %shift_left3A_140 = vector.broadcast %shift_left3A_139 : i32 to vector<128x2048xi32>
      %shift_left3A_141 = arith.shli %xor3A_137, %shift_left3A_140 : vector<128x2048xi32>
      %shift_right_logical3A_142 = arith.constant 26 : i32
      %shift_right_logical3A_143 = vector.broadcast %shift_right_logical3A_142 : i32 to vector<128x2048xi32>
      %shift_right_logical3A_144 = arith.shrui %xor3A_137, %shift_right_logical3A_143 : vector<128x2048xi32>
      %or3A_145 = arith.ori %shift_left3A_141, %shift_right_logical3A_144 : vector<128x2048xi32>
      %xor3A_146 = arith.xori %or3A_145, %add3A_138 : vector<128x2048xi32>
      %add3A_147 = arith.constant 1832780943 : i32
      %add3A_148 = vector.broadcast %add3A_147 : i32 to vector<128x2048xi32>
      %add3A_149 = arith.addi %add3A_138, %add3A_148 : vector<128x2048xi32>
      %add3A_150 = arith.constant 270669613 : i32
      %add3A_151 = vector.broadcast %add3A_150 : i32 to vector<128x2048xi32>
      %add3A_152 = arith.addi %xor3A_146, %add3A_151 : vector<128x2048xi32>
      %add3A_153 = arith.constant 3 : i32
      %add3A_154 = vector.broadcast %add3A_153 : i32 to vector<128x2048xi32>
      %add3A_155 = arith.addi %add3A_152, %add3A_154 : vector<128x2048xi32>
      %add3A_156 = arith.addi %add3A_149, %add3A_155 : vector<128x2048xi32>
      %shift_left3A_157 = arith.constant 17 : i32
      %shift_left3A_158 = vector.broadcast %shift_left3A_157 : i32 to vector<128x2048xi32>
      %shift_left3A_159 = arith.shli %add3A_155, %shift_left3A_158 : vector<128x2048xi32>
      %shift_right_logical3A_160 = arith.constant 15 : i32
      %shift_right_logical3A_161 = vector.broadcast %shift_right_logical3A_160 : i32 to vector<128x2048xi32>
      %shift_right_logical3A_162 = arith.shrui %add3A_155, %shift_right_logical3A_161 : vector<128x2048xi32>
      %or3A_163 = arith.ori %shift_left3A_159, %shift_right_logical3A_162 : vector<128x2048xi32>
      %xor3A_164 = arith.xori %or3A_163, %add3A_156 : vector<128x2048xi32>
      %add3A_165 = arith.addi %add3A_156, %xor3A_164 : vector<128x2048xi32>
      %shift_left3A_166 = arith.constant 29 : i32
      %shift_left3A_167 = vector.broadcast %shift_left3A_166 : i32 to vector<128x2048xi32>
      %shift_left3A_168 = arith.shli %xor3A_164, %shift_left3A_167 : vector<128x2048xi32>
      %shift_right_logical3A_169 = arith.constant 3 : i32
      %shift_right_logical3A_170 = vector.broadcast %shift_right_logical3A_169 : i32 to vector<128x2048xi32>
      %shift_right_logical3A_171 = arith.shrui %xor3A_164, %shift_right_logical3A_170 : vector<128x2048xi32>
      %or3A_172 = arith.ori %shift_left3A_168, %shift_right_logical3A_171 : vector<128x2048xi32>
      %xor3A_173 = arith.xori %or3A_172, %add3A_165 : vector<128x2048xi32>
      %add3A_174 = arith.addi %add3A_165, %xor3A_173 : vector<128x2048xi32>
      %shift_left3A_175 = arith.constant 16 : i32
      %shift_left3A_176 = vector.broadcast %shift_left3A_175 : i32 to vector<128x2048xi32>
      %shift_left3A_177 = arith.shli %xor3A_173, %shift_left3A_176 : vector<128x2048xi32>
      %shift_right_logical3A_178 = arith.constant 16 : i32
      %shift_right_logical3A_179 = vector.broadcast %shift_right_logical3A_178 : i32 to vector<128x2048xi32>
      %shift_right_logical3A_180 = arith.shrui %xor3A_173, %shift_right_logical3A_179 : vector<128x2048xi32>
      %or3A_181 = arith.ori %shift_left3A_177, %shift_right_logical3A_180 : vector<128x2048xi32>
      %xor3A_182 = arith.xori %or3A_181, %add3A_174 : vector<128x2048xi32>
      %add3A_183 = arith.addi %add3A_174, %xor3A_182 : vector<128x2048xi32>
      %shift_left3A_184 = arith.constant 24 : i32
      %shift_left3A_185 = vector.broadcast %shift_left3A_184 : i32 to vector<128x2048xi32>
      %shift_left3A_186 = arith.shli %xor3A_182, %shift_left3A_185 : vector<128x2048xi32>
      %shift_right_logical3A_187 = arith.constant 8 : i32
      %shift_right_logical3A_188 = vector.broadcast %shift_right_logical3A_187 : i32 to vector<128x2048xi32>
      %shift_right_logical3A_189 = arith.shrui %xor3A_182, %shift_right_logical3A_188 : vector<128x2048xi32>
      %or3A_190 = arith.ori %shift_left3A_186, %shift_right_logical3A_189 : vector<128x2048xi32>
      %xor3A_191 = arith.xori %or3A_190, %add3A_183 : vector<128x2048xi32>
      %add3A_192 = arith.constant 270669613 : i32
      %add3A_193 = vector.broadcast %add3A_192 : i32 to vector<128x2048xi32>
      %add3A_194 = arith.addi %add3A_183, %add3A_193 : vector<128x2048xi32>
      %add3A_195 = arith.constant 1724713080 : i32
      %add3A_196 = vector.broadcast %add3A_195 : i32 to vector<128x2048xi32>
      %add3A_197 = arith.addi %xor3A_191, %add3A_196 : vector<128x2048xi32>
      %add3A_198 = arith.constant 4 : i32
      %add3A_199 = vector.broadcast %add3A_198 : i32 to vector<128x2048xi32>
      %add3A_200 = arith.addi %add3A_197, %add3A_199 : vector<128x2048xi32>
      %add3A_201 = arith.addi %add3A_194, %add3A_200 : vector<128x2048xi32>
      %shift_left3A_202 = arith.constant 13 : i32
      %shift_left3A_203 = vector.broadcast %shift_left3A_202 : i32 to vector<128x2048xi32>
      %shift_left3A_204 = arith.shli %add3A_200, %shift_left3A_203 : vector<128x2048xi32>
      %shift_right_logical3A_205 = arith.constant 19 : i32
      %shift_right_logical3A_206 = vector.broadcast %shift_right_logical3A_205 : i32 to vector<128x2048xi32>
      %shift_right_logical3A_207 = arith.shrui %add3A_200, %shift_right_logical3A_206 : vector<128x2048xi32>
      %or3A_208 = arith.ori %shift_left3A_204, %shift_right_logical3A_207 : vector<128x2048xi32>
      %xor3A_209 = arith.xori %or3A_208, %add3A_201 : vector<128x2048xi32>
      %add3A_210 = arith.addi %add3A_201, %xor3A_209 : vector<128x2048xi32>
      %shift_left3A_211 = arith.constant 15 : i32
      %shift_left3A_212 = vector.broadcast %shift_left3A_211 : i32 to vector<128x2048xi32>
      %shift_left3A_213 = arith.shli %xor3A_209, %shift_left3A_212 : vector<128x2048xi32>
      %shift_right_logical3A_214 = arith.constant 17 : i32
      %shift_right_logical3A_215 = vector.broadcast %shift_right_logical3A_214 : i32 to vector<128x2048xi32>
      %shift_right_logical3A_216 = arith.shrui %xor3A_209, %shift_right_logical3A_215 : vector<128x2048xi32>
      %or3A_217 = arith.ori %shift_left3A_213, %shift_right_logical3A_216 : vector<128x2048xi32>
      %xor3A_218 = arith.xori %or3A_217, %add3A_210 : vector<128x2048xi32>
      %add3A_219 = arith.addi %add3A_210, %xor3A_218 : vector<128x2048xi32>
      %shift_left3A_220 = arith.constant 26 : i32
      %shift_left3A_221 = vector.broadcast %shift_left3A_220 : i32 to vector<128x2048xi32>
      %shift_left3A_222 = arith.shli %xor3A_218, %shift_left3A_221 : vector<128x2048xi32>
      %shift_right_logical3A_223 = arith.constant 6 : i32
      %shift_right_logical3A_224 = vector.broadcast %shift_right_logical3A_223 : i32 to vector<128x2048xi32>
      %shift_right_logical3A_225 = arith.shrui %xor3A_218, %shift_right_logical3A_224 : vector<128x2048xi32>
      %or3A_226 = arith.ori %shift_left3A_222, %shift_right_logical3A_225 : vector<128x2048xi32>
      %xor3A_227 = arith.xori %or3A_226, %add3A_219 : vector<128x2048xi32>
      %add3A_228 = arith.addi %add3A_219, %xor3A_227 : vector<128x2048xi32>
      %shift_left3A_229 = arith.constant 6 : i32
      %shift_left3A_230 = vector.broadcast %shift_left3A_229 : i32 to vector<128x2048xi32>
      %shift_left3A_231 = arith.shli %xor3A_227, %shift_left3A_230 : vector<128x2048xi32>
      %shift_right_logical3A_232 = arith.constant 26 : i32
      %shift_right_logical3A_233 = vector.broadcast %shift_right_logical3A_232 : i32 to vector<128x2048xi32>
      %shift_right_logical3A_234 = arith.shrui %xor3A_227, %shift_right_logical3A_233 : vector<128x2048xi32>
      %or3A_235 = arith.ori %shift_left3A_231, %shift_right_logical3A_234 : vector<128x2048xi32>
      %xor3A_236 = arith.xori %or3A_235, %add3A_228 : vector<128x2048xi32>
      %add3A_237 = arith.constant 1724713080 : i32
      %add3A_238 = vector.broadcast %add3A_237 : i32 to vector<128x2048xi32>
      %add3A_239 = arith.addi %add3A_228, %add3A_238 : vector<128x2048xi32>
      %add3A_240 = arith.constant 1832780943 : i32
      %add3A_241 = vector.broadcast %add3A_240 : i32 to vector<128x2048xi32>
      %add3A_242 = arith.addi %xor3A_236, %add3A_241 : vector<128x2048xi32>
      %add3A_243 = arith.constant 5 : i32
      %add3A_244 = vector.broadcast %add3A_243 : i32 to vector<128x2048xi32>
      %add3A_245 = arith.addi %add3A_242, %add3A_244 : vector<128x2048xi32>
      %xor3A_246 = arith.xori %add3A_239, %add3A_245 : vector<128x2048xi32>
      %shift_right_logical3A_247 = arith.constant 9 : i32
      %shift_right_logical3A_248 = vector.broadcast %shift_right_logical3A_247 : i32 to vector<128x2048xi32>
      %shift_right_logical3A_249 = arith.shrui %xor3A_246, %shift_right_logical3A_248 : vector<128x2048xi32>
      %or3A_250 = arith.constant 1065353216 : i32
      %or3A_251 = vector.broadcast %or3A_250 : i32 to vector<128x2048xi32>
      %or3A_252 = arith.ori %shift_right_logical3A_249, %or3A_251 : vector<128x2048xi32>
      %bitcast_convert_type3A = tpu.bitcast %or3A_252 : vector<128x2048xi32> -> vector<128x2048xf32>
      %sub3A = arith.constant 1.000000e+00 : f32
      %sub3A_253 = vector.broadcast %sub3A : f32 to vector<128x2048xf32>
      %sub3A_254 = arith.subf %bitcast_convert_type3A, %sub3A_253 : vector<128x2048xf32>
      %mul3A_255 = arith.constant 1.000000e+00 : f32
      %mul3A_256 = vector.broadcast %mul3A_255 : f32 to vector<128x2048xf32>
      %mul3A_257 = arith.mulf %sub3A_254, %mul3A_256 : vector<128x2048xf32>
      %add3A_258 = arith.constant 1.17549435E-38 : f32
      %add3A_259 = vector.broadcast %add3A_258 : f32 to vector<128x2048xf32>
      %add3A_260 = arith.addf %mul3A_257, %add3A_259 : vector<128x2048xf32>
      %max3A = arith.constant 1.17549435E-38 : f32
      %max3A_261 = vector.broadcast %max3A : f32 to vector<128x2048xf32>
      %max3A_262 = arith.maximumf %max3A_261, %add3A_260 : vector<128x2048xf32>
      %log3A = math.log %max3A_262 : vector<128x2048xf32>
      %neg3A = arith.constant 0.000000e+00 : f32
      %neg3A_263 = vector.broadcast %neg3A : f32 to vector<128x2048xf32>
      %neg3A_264 = arith.subf %neg3A_263, %log3A : vector<128x2048xf32>
      %log3A_265 = math.log %neg3A_264 : vector<128x2048xf32>
      %neg3A_266 = arith.constant 0.000000e+00 : f32
      %neg3A_267 = vector.broadcast %neg3A_266 : f32 to vector<128x2048xf32>
      %neg3A_268 = arith.subf %neg3A_267, %log3A_265 : vector<128x2048xf32>
      %add3A_269 = arith.addf %get3A_12, %neg3A_268 : vector<128x2048xf32>
      %reduce_max3A = arith.constant dense<0xFF800000> : vector<128xf32>
      %reduce_max3A_270 = vector.multi_reduction <maximumf>, %add3A_269, %reduce_max3A [1] : vector<128x2048xf32> to vector<128xf32>
      %broadcast_in_dim3A_271 = vector.shape_cast %reduce_max3A_270 : vector<128xf32> to vector<128x1xf32>
      %iota3A = tpu.iota {dimensions = array<i32: 1>} : vector<128x2048xi32>
      %eq3A_272 = vector.broadcast %broadcast_in_dim3A_271 : vector<128x1xf32> to vector<128x2048xf32>
      %eq3A_273 = arith.cmpf oeq, %add3A_269, %eq3A_272 : vector<128x2048xf32>
      %jit3A = arith.constant 2147483647 : i32
      %broadcast_in_dim3A_274 = vector.broadcast %jit3A : i32 to vector<128x2048xi32>
      %select_n3A = arith.select %eq3A_273, %iota3A, %broadcast_in_dim3A_274 : vector<128x2048xi1>, vector<128x2048xi32>
      %reduce_min3A = arith.constant dense<2147483647> : vector<128xi32>
      %reduce_min3A_275 = vector.multi_reduction <minsi>, %select_n3A, %reduce_min3A [1] : vector<128x2048xi32> to vector<128xi32>
      %broadcast_in_dim3A_276 = vector.shape_cast %reduce_min3A_275 : vector<128xi32> to vector<128x1xi32>
      %add3A_277 = vector.broadcast %mul3A_13 : i32 to vector<128x1xi32>
      %add3A_278 = arith.addi %add3A_277, %broadcast_in_dim3A_276 : vector<128x1xi32>
      %get3A_279 = arith.constant 0 : index
      %get3A_280 = arith.constant 0 : index
      %get3A_281 = vector.load %arg6[%get3A_279, %get3A_280] : memref<128x1xf32, #tpu.memory_space<vmem>>, vector<128x1xf32>
      %gt3A = arith.cmpf ogt, %broadcast_in_dim3A_271, %get3A_281 : vector<128x1xf32>
      %get3A_282 = arith.constant 0 : index
      %get3A_283 = arith.constant 0 : index
      %get3A_284 = vector.load %arg7[%get3A_282, %get3A_283] : memref<128x1xi32, #tpu.memory_space<vmem>>, vector<128x1xi32>
      %select_n3A_285 = arith.select %gt3A, %add3A_278, %get3A_284 : vector<128x1xi1>, vector<128x1xi32>
      %swap3A = arith.constant 0 : index
      %swap3A_286 = arith.constant 0 : index
      %swap3A_287 = vector.load %arg7[%swap3A, %swap3A_286] : memref<128x1xi32, #tpu.memory_space<vmem>>, vector<128x1xi32>
      tpu.vector_store %arg7[%swap3A, %swap3A_286], %select_n3A_285 {strides = array<i32>} : memref<128x1xi32, #tpu.memory_space<vmem>>, vector<128x1xi32>,
      %get3A_288 = arith.constant 0 : index
      %get3A_289 = arith.constant 0 : index
      %get3A_290 = vector.load %arg6[%get3A_288, %get3A_289] : memref<128x1xf32, #tpu.memory_space<vmem>>, vector<128x1xf32>
      %select_n3A_291 = arith.select %gt3A, %broadcast_in_dim3A_271, %get3A_290 : vector<128x1xi1>, vector<128x1xf32>
      %swap3A_292 = arith.constant 0 : index
      %swap3A_293 = arith.constant 0 : index
      %swap3A_294 = vector.load %arg6[%swap3A_292, %swap3A_293] : memref<128x1xf32, #tpu.memory_space<vmem>>, vector<128x1xf32>
      tpu.vector_store %arg6[%swap3A_292, %swap3A_293], %select_n3A_291 {strides = array<i32>} : memref<128x1xf32, #tpu.memory_space<vmem>>, vector<128x1xf32>,
      %reduce_max3A_295 = arith.constant dense<0xFF800000> : vector<128xf32>
      %reduce_max3A_296 = vector.multi_reduction <maximumf>, %get3A_12, %reduce_max3A_295 [1] : vector<128x2048xf32> to vector<128xf32>
      %broadcast_in_dim3A_297 = vector.shape_cast %reduce_max3A_296 : vector<128xf32> to vector<128x1xf32>
      %get3A_298 = arith.constant 0 : index
      %get3A_299 = arith.constant 0 : index
      %get3A_300 = vector.load %arg4[%get3A_298, %get3A_299] : memref<128x1xf32, #tpu.memory_space<vmem>>, vector<128x1xf32>
      %max3A_301 = arith.maximumf %get3A_300, %broadcast_in_dim3A_297 : vector<128x1xf32>
      %sub3A_302 = vector.broadcast %max3A_301 : vector<128x1xf32> to vector<128x2048xf32>
      %sub3A_303 = arith.subf %get3A_12, %sub3A_302 : vector<128x2048xf32>
      %exp3A = math.exp %sub3A_303 : vector<128x2048xf32>
      %get3A_304 = arith.constant 0 : index
      %get3A_305 = arith.constant 0 : index
      %get3A_306 = vector.load %arg5[%get3A_304, %get3A_305] : memref<128x1xf32, #tpu.memory_space<vmem>>, vector<128x1xf32>
      %sub3A_307 = arith.subf %get3A_300, %max3A_301 : vector<128x1xf32>
      %exp3A_308 = math.exp %sub3A_307 : vector<128x1xf32>
      %mul3A_309 = arith.mulf %get3A_306, %exp3A_308 : vector<128x1xf32>
      %reduce_sum3A = arith.constant dense<0.000000e+00> : vector<128xf32>
      %reduce_sum3A_310 = vector.multi_reduction <add>, %exp3A, %reduce_sum3A [1] : vector<128x2048xf32> to vector<128xf32>
      %broadcast_in_dim3A_311 = vector.shape_cast %reduce_sum3A_310 : vector<128xf32> to vector<128x1xf32>
      %add3A_312 = arith.addf %mul3A_309, %broadcast_in_dim3A_311 : vector<128x1xf32>
      %swap3A_313 = arith.constant 0 : index
      %swap3A_314 = arith.constant 0 : index
      %swap3A_315 = vector.load %arg5[%swap3A_313, %swap3A_314] : memref<128x1xf32, #tpu.memory_space<vmem>>, vector<128x1xf32>
      tpu.vector_store %arg5[%swap3A_313, %swap3A_314], %add3A_312 {strides = array<i32>} : memref<128x1xf32, #tpu.memory_space<vmem>>, vector<128x1xf32>,
      %swap3A_316 = arith.constant 0 : index
      %swap3A_317 = arith.constant 0 : index
      %swap3A_318 = vector.load %arg4[%swap3A_316, %swap3A_317] : memref<128x1xf32, #tpu.memory_space<vmem>>, vector<128x1xf32>
      tpu.vector_store %arg4[%swap3A_316, %swap3A_317], %max3A_301 {strides = array<i32>} : memref<128x1xf32, #tpu.memory_space<vmem>>, vector<128x1xf32>,
      %get3A_319 = arith.constant 0 : index
      %get3A_320 = arith.constant 0 : index
      %get3A_321 = vector.load %arg8[%get3A_319, %get3A_320] : memref<128x1xf32, #tpu.memory_space<vmem>>, vector<128x1xf32>
      %get3A_322 = arith.constant 0 : index
      %get3A_323 = arith.constant 0 : index
      %get3A_324 = vector.load %arg9[%get3A_322, %get3A_323] : memref<128x1xi32, #tpu.memory_space<vmem>>, vector<128x1xi32>
      %sub3A_325 = vector.broadcast %mul3A_13 : i32 to vector<128x1xi32>
      %sub3A_326 = arith.subi %get3A_324, %sub3A_325 : vector<128x1xi32>
      %eq3A_327 = vector.broadcast %sub3A_326 : vector<128x1xi32> to vector<128x2048xi32>
      %eq3A_328 = arith.cmpi eq, %iota3A, %eq3A_327 : vector<128x2048xi32>
      %jit3A_329 = arith.constant 0.000000e+00 : f32
      %broadcast_in_dim3A_330 = vector.broadcast %jit3A_329 : f32 to vector<128x2048xf32>
      %select_n3A_331 = arith.select %eq3A_328, %get3A_12, %broadcast_in_dim3A_330 : vector<128x2048xi1>, vector<128x2048xf32>
      %reduce_sum3A_332 = arith.constant dense<0.000000e+00> : vector<128xf32>
      %reduce_sum3A_333 = vector.multi_reduction <add>, %select_n3A_331, %reduce_sum3A_332 [1] : vector<128x2048xf32> to vector<128xf32>
      %broadcast_in_dim3A_334 = vector.shape_cast %reduce_sum3A_333 : vector<128xf32> to vector<128x1xf32>
      %add3A_335 = arith.addf %get3A_321, %broadcast_in_dim3A_334 : vector<128x1xf32>
      %swap3A_336 = arith.constant 0 : index
      %swap3A_337 = arith.constant 0 : index
      %swap3A_338 = vector.load %arg8[%swap3A_336, %swap3A_337] : memref<128x1xf32, #tpu.memory_space<vmem>>, vector<128x1xf32>
      tpu.vector_store %arg8[%swap3A_336, %swap3A_337], %add3A_335 {strides = array<i32>} : memref<128x1xf32, #tpu.memory_space<vmem>>, vector<128x1xf32>,
    } else {
    }
    %eq3A_6 = arith.constant 48 : i32
    %eq3A_7 = arith.cmpi eq, %arg0, %eq3A_6 : i32
    %convert_element_type3A_8 = arith.extui %eq3A_7 : i1 to i32
    %cond3A_9 = arith.constant 0 : i32
    %cond3A_10 = arith.cmpi ne, %convert_element_type3A_8, %cond3A_9 : i32
    scf.if %cond3A_10 {
      %get3A = arith.constant 0 : index
      %get3A_11 = arith.constant 0 : index
      %get3A_12 = vector.load %arg3[%get3A, %get3A_11] : memref<128x2048xf32, #tpu.memory_space<vmem>>, vector<128x2048xf32>
      %mul3A = arith.constant 2048 : i32
      %mul3A_13 = arith.muli %arg0, %mul3A : i32
      %get3A_14 = arith.constant 0 : index
      %get3A_15 = arith.constant 0 : index
      %get3A_16 = vector.load %arg10[%get3A_14, %get3A_15] : memref<128x2048xi32, #tpu.memory_space<vmem>>, vector<128x2048xi32>
      %add3A = vector.broadcast %mul3A_13 : i32 to vector<128x2048xi32>
      %add3A_17 = arith.addi %get3A_16, %add3A : vector<128x2048xi32>
      %broadcast_in_dim3A = arith.constant 0 : i32
      %broadcast_in_dim3A_18 = vector.broadcast %broadcast_in_dim3A : i32 to vector<128x2048xi32>
      %add3A_19 = arith.constant 1832780943 : i32
      %add3A_20 = vector.broadcast %add3A_19 : i32 to vector<128x2048xi32>
      %add3A_21 = arith.addi %broadcast_in_dim3A_18, %add3A_20 : vector<128x2048xi32>
      %add3A_22 = arith.constant 270669613 : i32
      %add3A_23 = vector.broadcast %add3A_22 : i32 to vector<128x2048xi32>
      %add3A_24 = arith.addi %add3A_17, %add3A_23 : vector<128x2048xi32>
      %add3A_25 = arith.addi %add3A_21, %add3A_24 : vector<128x2048xi32>
      %shift_left3A = arith.constant 13 : i32
      %shift_left3A_26 = vector.broadcast %shift_left3A : i32 to vector<128x2048xi32>
      %shift_left3A_27 = arith.shli %add3A_24, %shift_left3A_26 : vector<128x2048xi32>
      %shift_right_logical3A = arith.constant 19 : i32
      %shift_right_logical3A_28 = vector.broadcast %shift_right_logical3A : i32 to vector<128x2048xi32>
      %shift_right_logical3A_29 = arith.shrui %add3A_24, %shift_right_logical3A_28 : vector<128x2048xi32>
      %or3A = arith.ori %shift_left3A_27, %shift_right_logical3A_29 : vector<128x2048xi32>
      %xor3A = arith.xori %or3A, %add3A_25 : vector<128x2048xi32>
      %add3A_30 = arith.addi %add3A_25, %xor3A : vector<128x2048xi32>
      %shift_left3A_31 = arith.constant 15 : i32
      %shift_left3A_32 = vector.broadcast %shift_left3A_31 : i32 to vector<128x2048xi32>
      %shift_left3A_33 = arith.shli %xor3A, %shift_left3A_32 : vector<128x2048xi32>
      %shift_right_logical3A_34 = arith.constant 17 : i32
      %shift_right_logical3A_35 = vector.broadcast %shift_right_logical3A_34 : i32 to vector<128x2048xi32>
      %shift_right_logical3A_36 = arith.shrui %xor3A, %shift_right_logical3A_35 : vector<128x2048xi32>
      %or3A_37 = arith.ori %shift_left3A_33, %shift_right_logical3A_36 : vector<128x2048xi32>
      %xor3A_38 = arith.xori %or3A_37, %add3A_30 : vector<128x2048xi32>
      %add3A_39 = arith.addi %add3A_30, %xor3A_38 : vector<128x2048xi32>
      %shift_left3A_40 = arith.constant 26 : i32
      %shift_left3A_41 = vector.broadcast %shift_left3A_40 : i32 to vector<128x2048xi32>
      %shift_left3A_42 = arith.shli %xor3A_38, %shift_left3A_41 : vector<128x2048xi32>
      %shift_right_logical3A_43 = arith.constant 6 : i32
      %shift_right_logical3A_44 = vector.broadcast %shift_right_logical3A_43 : i32 to vector<128x2048xi32>
      %shift_right_logical3A_45 = arith.shrui %xor3A_38, %shift_right_logical3A_44 : vector<128x2048xi32>
      %or3A_46 = arith.ori %shift_left3A_42, %shift_right_logical3A_45 : vector<128x2048xi32>
      %xor3A_47 = arith.xori %or3A_46, %add3A_39 : vector<128x2048xi32>
      %add3A_48 = arith.addi %add3A_39, %xor3A_47 : vector<128x2048xi32>
      %shift_left3A_49 = arith.constant 6 : i32
      %shift_left3A_50 = vector.broadcast %shift_left3A_49 : i32 to vector<128x2048xi32>
      %shift_left3A_51 = arith.shli %xor3A_47, %shift_left3A_50 : vector<128x2048xi32>
      %shift_right_logical3A_52 = arith.constant 26 : i32
      %shift_right_logical3A_53 = vector.broadcast %shift_right_logical3A_52 : i32 to vector<128x2048xi32>
      %shift_right_logical3A_54 = arith.shrui %xor3A_47, %shift_right_logical3A_53 : vector<128x2048xi32>
      %or3A_55 = arith.ori %shift_left3A_51, %shift_right_logical3A_54 : vector<128x2048xi32>
      %xor3A_56 = arith.xori %or3A_55, %add3A_48 : vector<128x2048xi32>
      %add3A_57 = arith.constant 270669613 : i32
      %add3A_58 = vector.broadcast %add3A_57 : i32 to vector<128x2048xi32>
      %add3A_59 = arith.addi %add3A_48, %add3A_58 : vector<128x2048xi32>
      %add3A_60 = arith.constant 1724713080 : i32
      %add3A_61 = vector.broadcast %add3A_60 : i32 to vector<128x2048xi32>
      %add3A_62 = arith.addi %xor3A_56, %add3A_61 : vector<128x2048xi32>
      %add3A_63 = arith.constant 1 : i32
      %add3A_64 = vector.broadcast %add3A_63 : i32 to vector<128x2048xi32>
      %add3A_65 = arith.addi %add3A_62, %add3A_64 : vector<128x2048xi32>
      %add3A_66 = arith.addi %add3A_59, %add3A_65 : vector<128x2048xi32>
      %shift_left3A_67 = arith.constant 17 : i32
      %shift_left3A_68 = vector.broadcast %shift_left3A_67 : i32 to vector<128x2048xi32>
      %shift_left3A_69 = arith.shli %add3A_65, %shift_left3A_68 : vector<128x2048xi32>
      %shift_right_logical3A_70 = arith.constant 15 : i32
      %shift_right_logical3A_71 = vector.broadcast %shift_right_logical3A_70 : i32 to vector<128x2048xi32>
      %shift_right_logical3A_72 = arith.shrui %add3A_65, %shift_right_logical3A_71 : vector<128x2048xi32>
      %or3A_73 = arith.ori %shift_left3A_69, %shift_right_logical3A_72 : vector<128x2048xi32>
      %xor3A_74 = arith.xori %or3A_73, %add3A_66 : vector<128x2048xi32>
      %add3A_75 = arith.addi %add3A_66, %xor3A_74 : vector<128x2048xi32>
      %shift_left3A_76 = arith.constant 29 : i32
      %shift_left3A_77 = vector.broadcast %shift_left3A_76 : i32 to vector<128x2048xi32>
      %shift_left3A_78 = arith.shli %xor3A_74, %shift_left3A_77 : vector<128x2048xi32>
      %shift_right_logical3A_79 = arith.constant 3 : i32
      %shift_right_logical3A_80 = vector.broadcast %shift_right_logical3A_79 : i32 to vector<128x2048xi32>
      %shift_right_logical3A_81 = arith.shrui %xor3A_74, %shift_right_logical3A_80 : vector<128x2048xi32>
      %or3A_82 = arith.ori %shift_left3A_78, %shift_right_logical3A_81 : vector<128x2048xi32>
      %xor3A_83 = arith.xori %or3A_82, %add3A_75 : vector<128x2048xi32>
      %add3A_84 = arith.addi %add3A_75, %xor3A_83 : vector<128x2048xi32>
      %shift_left3A_85 = arith.constant 16 : i32
      %shift_left3A_86 = vector.broadcast %shift_left3A_85 : i32 to vector<128x2048xi32>
      %shift_left3A_87 = arith.shli %xor3A_83, %shift_left3A_86 : vector<128x2048xi32>
      %shift_right_logical3A_88 = arith.constant 16 : i32
      %shift_right_logical3A_89 = vector.broadcast %shift_right_logical3A_88 : i32 to vector<128x2048xi32>
      %shift_right_logical3A_90 = arith.shrui %xor3A_83, %shift_right_logical3A_89 : vector<128x2048xi32>
      %or3A_91 = arith.ori %shift_left3A_87, %shift_right_logical3A_90 : vector<128x2048xi32>
      %xor3A_92 = arith.xori %or3A_91, %add3A_84 : vector<128x2048xi32>
      %add3A_93 = arith.addi %add3A_84, %xor3A_92 : vector<128x2048xi32>
      %shift_left3A_94 = arith.constant 24 : i32
      %shift_left3A_95 = vector.broadcast %shift_left3A_94 : i32 to vector<128x2048xi32>
      %shift_left3A_96 = arith.shli %xor3A_92, %shift_left3A_95 : vector<128x2048xi32>
      %shift_right_logical3A_97 = arith.constant 8 : i32
      %shift_right_logical3A_98 = vector.broadcast %shift_right_logical3A_97 : i32 to vector<128x2048xi32>
      %shift_right_logical3A_99 = arith.shrui %xor3A_92, %shift_right_logical3A_98 : vector<128x2048xi32>
      %or3A_100 = arith.ori %shift_left3A_96, %shift_right_logical3A_99 : vector<128x2048xi32>
      %xor3A_101 = arith.xori %or3A_100, %add3A_93 : vector<128x2048xi32>
      %add3A_102 = arith.constant 1724713080 : i32
      %add3A_103 = vector.broadcast %add3A_102 : i32 to vector<128x2048xi32>
      %add3A_104 = arith.addi %add3A_93, %add3A_103 : vector<128x2048xi32>
      %add3A_105 = arith.constant 1832780943 : i32
      %add3A_106 = vector.broadcast %add3A_105 : i32 to vector<128x2048xi32>
      %add3A_107 = arith.addi %xor3A_101, %add3A_106 : vector<128x2048xi32>
      %add3A_108 = arith.constant 2 : i32
      %add3A_109 = vector.broadcast %add3A_108 : i32 to vector<128x2048xi32>
      %add3A_110 = arith.addi %add3A_107, %add3A_109 : vector<128x2048xi32>
      %add3A_111 = arith.addi %add3A_104, %add3A_110 : vector<128x2048xi32>
      %shift_left3A_112 = arith.constant 13 : i32
      %shift_left3A_113 = vector.broadcast %shift_left3A_112 : i32 to vector<128x2048xi32>
      %shift_left3A_114 = arith.shli %add3A_110, %shift_left3A_113 : vector<128x2048xi32>
      %shift_right_logical3A_115 = arith.constant 19 : i32
      %shift_right_logical3A_116 = vector.broadcast %shift_right_logical3A_115 : i32 to vector<128x2048xi32>
      %shift_right_logical3A_117 = arith.shrui %add3A_110, %shift_right_logical3A_116 : vector<128x2048xi32>
      %or3A_118 = arith.ori %shift_left3A_114, %shift_right_logical3A_117 : vector<128x2048xi32>
      %xor3A_119 = arith.xori %or3A_118, %add3A_111 : vector<128x2048xi32>
      %add3A_120 = arith.addi %add3A_111, %xor3A_119 : vector<128x2048xi32>
      %shift_left3A_121 = arith.constant 15 : i32
      %shift_left3A_122 = vector.broadcast %shift_left3A_121 : i32 to vector<128x2048xi32>
      %shift_left3A_123 = arith.shli %xor3A_119, %shift_left3A_122 : vector<128x2048xi32>
      %shift_right_logical3A_124 = arith.constant 17 : i32
      %shift_right_logical3A_125 = vector.broadcast %shift_right_logical3A_124 : i32 to vector<128x2048xi32>
      %shift_right_logical3A_126 = arith.shrui %xor3A_119, %shift_right_logical3A_125 : vector<128x2048xi32>
      %or3A_127 = arith.ori %shift_left3A_123, %shift_right_logical3A_126 : vector<128x2048xi32>
      %xor3A_128 = arith.xori %or3A_127, %add3A_120 : vector<128x2048xi32>
      %add3A_129 = arith.addi %add3A_120, %xor3A_128 : vector<128x2048xi32>
      %shift_left3A_130 = arith.constant 26 : i32
      %shift_left3A_131 = vector.broadcast %shift_left3A_130 : i32 to vector<128x2048xi32>
      %shift_left3A_132 = arith.shli %xor3A_128, %shift_left3A_131 : vector<128x2048xi32>
      %shift_right_logical3A_133 = arith.constant 6 : i32
      %shift_right_logical3A_134 = vector.broadcast %shift_right_logical3A_133 : i32 to vector<128x2048xi32>
      %shift_right_logical3A_135 = arith.shrui %xor3A_128, %shift_right_logical3A_134 : vector<128x2048xi32>
      %or3A_136 = arith.ori %shift_left3A_132, %shift_right_logical3A_135 : vector<128x2048xi32>
      %xor3A_137 = arith.xori %or3A_136, %add3A_129 : vector<128x2048xi32>
      %add3A_138 = arith.addi %add3A_129, %xor3A_137 : vector<128x2048xi32>
      %shift_left3A_139 = arith.constant 6 : i32
      %shift_left3A_140 = vector.broadcast %shift_left3A_139 : i32 to vector<128x2048xi32>
      %shift_left3A_141 = arith.shli %xor3A_137, %shift_left3A_140 : vector<128x2048xi32>
      %shift_right_logical3A_142 = arith.constant 26 : i32
      %shift_right_logical3A_143 = vector.broadcast %shift_right_logical3A_142 : i32 to vector<128x2048xi32>
      %shift_right_logical3A_144 = arith.shrui %xor3A_137, %shift_right_logical3A_143 : vector<128x2048xi32>
      %or3A_145 = arith.ori %shift_left3A_141, %shift_right_logical3A_144 : vector<128x2048xi32>
      %xor3A_146 = arith.xori %or3A_145, %add3A_138 : vector<128x2048xi32>
      %add3A_147 = arith.constant 1832780943 : i32
      %add3A_148 = vector.broadcast %add3A_147 : i32 to vector<128x2048xi32>
      %add3A_149 = arith.addi %add3A_138, %add3A_148 : vector<128x2048xi32>
      %add3A_150 = arith.constant 270669613 : i32
      %add3A_151 = vector.broadcast %add3A_150 : i32 to vector<128x2048xi32>
      %add3A_152 = arith.addi %xor3A_146, %add3A_151 : vector<128x2048xi32>
      %add3A_153 = arith.constant 3 : i32
      %add3A_154 = vector.broadcast %add3A_153 : i32 to vector<128x2048xi32>
      %add3A_155 = arith.addi %add3A_152, %add3A_154 : vector<128x2048xi32>
      %add3A_156 = arith.addi %add3A_149, %add3A_155 : vector<128x2048xi32>
      %shift_left3A_157 = arith.constant 17 : i32
      %shift_left3A_158 = vector.broadcast %shift_left3A_157 : i32 to vector<128x2048xi32>
      %shift_left3A_159 = arith.shli %add3A_155, %shift_left3A_158 : vector<128x2048xi32>
      %shift_right_logical3A_160 = arith.constant 15 : i32
      %shift_right_logical3A_161 = vector.broadcast %shift_right_logical3A_160 : i32 to vector<128x2048xi32>
      %shift_right_logical3A_162 = arith.shrui %add3A_155, %shift_right_logical3A_161 : vector<128x2048xi32>
      %or3A_163 = arith.ori %shift_left3A_159, %shift_right_logical3A_162 : vector<128x2048xi32>
      %xor3A_164 = arith.xori %or3A_163, %add3A_156 : vector<128x2048xi32>
      %add3A_165 = arith.addi %add3A_156, %xor3A_164 : vector<128x2048xi32>
      %shift_left3A_166 = arith.constant 29 : i32
      %shift_left3A_167 = vector.broadcast %shift_left3A_166 : i32 to vector<128x2048xi32>
      %shift_left3A_168 = arith.shli %xor3A_164, %shift_left3A_167 : vector<128x2048xi32>
      %shift_right_logical3A_169 = arith.constant 3 : i32
      %shift_right_logical3A_170 = vector.broadcast %shift_right_logical3A_169 : i32 to vector<128x2048xi32>
      %shift_right_logical3A_171 = arith.shrui %xor3A_164, %shift_right_logical3A_170 : vector<128x2048xi32>
      %or3A_172 = arith.ori %shift_left3A_168, %shift_right_logical3A_171 : vector<128x2048xi32>
      %xor3A_173 = arith.xori %or3A_172, %add3A_165 : vector<128x2048xi32>
      %add3A_174 = arith.addi %add3A_165, %xor3A_173 : vector<128x2048xi32>
      %shift_left3A_175 = arith.constant 16 : i32
      %shift_left3A_176 = vector.broadcast %shift_left3A_175 : i32 to vector<128x2048xi32>
      %shift_left3A_177 = arith.shli %xor3A_173, %shift_left3A_176 : vector<128x2048xi32>
      %shift_right_logical3A_178 = arith.constant 16 : i32
      %shift_right_logical3A_179 = vector.broadcast %shift_right_logical3A_178 : i32 to vector<128x2048xi32>
      %shift_right_logical3A_180 = arith.shrui %xor3A_173, %shift_right_logical3A_179 : vector<128x2048xi32>
      %or3A_181 = arith.ori %shift_left3A_177, %shift_right_logical3A_180 : vector<128x2048xi32>
      %xor3A_182 = arith.xori %or3A_181, %add3A_174 : vector<128x2048xi32>
      %add3A_183 = arith.addi %add3A_174, %xor3A_182 : vector<128x2048xi32>
      %shift_left3A_184 = arith.constant 24 : i32
      %shift_left3A_185 = vector.broadcast %shift_left3A_184 : i32 to vector<128x2048xi32>
      %shift_left3A_186 = arith.shli %xor3A_182, %shift_left3A_185 : vector<128x2048xi32>
      %shift_right_logical3A_187 = arith.constant 8 : i32
      %shift_right_logical3A_188 = vector.broadcast %shift_right_logical3A_187 : i32 to vector<128x2048xi32>
      %shift_right_logical3A_189 = arith.shrui %xor3A_182, %shift_right_logical3A_188 : vector<128x2048xi32>
      %or3A_190 = arith.ori %shift_left3A_186, %shift_right_logical3A_189 : vector<128x2048xi32>
      %xor3A_191 = arith.xori %or3A_190, %add3A_183 : vector<128x2048xi32>
      %add3A_192 = arith.constant 270669613 : i32
      %add3A_193 = vector.broadcast %add3A_192 : i32 to vector<128x2048xi32>
      %add3A_194 = arith.addi %add3A_183, %add3A_193 : vector<128x2048xi32>
      %add3A_195 = arith.constant 1724713080 : i32
      %add3A_196 = vector.broadcast %add3A_195 : i32 to vector<128x2048xi32>
      %add3A_197 = arith.addi %xor3A_191, %add3A_196 : vector<128x2048xi32>
      %add3A_198 = arith.constant 4 : i32
      %add3A_199 = vector.broadcast %add3A_198 : i32 to vector<128x2048xi32>
      %add3A_200 = arith.addi %add3A_197, %add3A_199 : vector<128x2048xi32>
      %add3A_201 = arith.addi %add3A_194, %add3A_200 : vector<128x2048xi32>
      %shift_left3A_202 = arith.constant 13 : i32
      %shift_left3A_203 = vector.broadcast %shift_left3A_202 : i32 to vector<128x2048xi32>
      %shift_left3A_204 = arith.shli %add3A_200, %shift_left3A_203 : vector<128x2048xi32>
      %shift_right_logical3A_205 = arith.constant 19 : i32
      %shift_right_logical3A_206 = vector.broadcast %shift_right_logical3A_205 : i32 to vector<128x2048xi32>
      %shift_right_logical3A_207 = arith.shrui %add3A_200, %shift_right_logical3A_206 : vector<128x2048xi32>
      %or3A_208 = arith.ori %shift_left3A_204, %shift_right_logical3A_207 : vector<128x2048xi32>
      %xor3A_209 = arith.xori %or3A_208, %add3A_201 : vector<128x2048xi32>
      %add3A_210 = arith.addi %add3A_201, %xor3A_209 : vector<128x2048xi32>
      %shift_left3A_211 = arith.constant 15 : i32
      %shift_left3A_212 = vector.broadcast %shift_left3A_211 : i32 to vector<128x2048xi32>
      %shift_left3A_213 = arith.shli %xor3A_209, %shift_left3A_212 : vector<128x2048xi32>
      %shift_right_logical3A_214 = arith.constant 17 : i32
      %shift_right_logical3A_215 = vector.broadcast %shift_right_logical3A_214 : i32 to vector<128x2048xi32>
      %shift_right_logical3A_216 = arith.shrui %xor3A_209, %shift_right_logical3A_215 : vector<128x2048xi32>
      %or3A_217 = arith.ori %shift_left3A_213, %shift_right_logical3A_216 : vector<128x2048xi32>
      %xor3A_218 = arith.xori %or3A_217, %add3A_210 : vector<128x2048xi32>
      %add3A_219 = arith.addi %add3A_210, %xor3A_218 : vector<128x2048xi32>
      %shift_left3A_220 = arith.constant 26 : i32
      %shift_left3A_221 = vector.broadcast %shift_left3A_220 : i32 to vector<128x2048xi32>
      %shift_left3A_222 = arith.shli %xor3A_218, %shift_left3A_221 : vector<128x2048xi32>
      %shift_right_logical3A_223 = arith.constant 6 : i32
      %shift_right_logical3A_224 = vector.broadcast %shift_right_logical3A_223 : i32 to vector<128x2048xi32>
      %shift_right_logical3A_225 = arith.shrui %xor3A_218, %shift_right_logical3A_224 : vector<128x2048xi32>
      %or3A_226 = arith.ori %shift_left3A_222, %shift_right_logical3A_225 : vector<128x2048xi32>
      %xor3A_227 = arith.xori %or3A_226, %add3A_219 : vector<128x2048xi32>
      %add3A_228 = arith.addi %add3A_219, %xor3A_227 : vector<128x2048xi32>
      %shift_left3A_229 = arith.constant 6 : i32
      %shift_left3A_230 = vector.broadcast %shift_left3A_229 : i32 to vector<128x2048xi32>
      %shift_left3A_231 = arith.shli %xor3A_227, %shift_left3A_230 : vector<128x2048xi32>
      %shift_right_logical3A_232 = arith.constant 26 : i32
      %shift_right_logical3A_233 = vector.broadcast %shift_right_logical3A_232 : i32 to vector<128x2048xi32>
      %shift_right_logical3A_234 = arith.shrui %xor3A_227, %shift_right_logical3A_233 : vector<128x2048xi32>
      %or3A_235 = arith.ori %shift_left3A_231, %shift_right_logical3A_234 : vector<128x2048xi32>
      %xor3A_236 = arith.xori %or3A_235, %add3A_228 : vector<128x2048xi32>
      %add3A_237 = arith.constant 1724713080 : i32
      %add3A_238 = vector.broadcast %add3A_237 : i32 to vector<128x2048xi32>
      %add3A_239 = arith.addi %add3A_228, %add3A_238 : vector<128x2048xi32>
      %add3A_240 = arith.constant 1832780943 : i32
      %add3A_241 = vector.broadcast %add3A_240 : i32 to vector<128x2048xi32>
      %add3A_242 = arith.addi %xor3A_236, %add3A_241 : vector<128x2048xi32>
      %add3A_243 = arith.constant 5 : i32
      %add3A_244 = vector.broadcast %add3A_243 : i32 to vector<128x2048xi32>
      %add3A_245 = arith.addi %add3A_242, %add3A_244 : vector<128x2048xi32>
      %xor3A_246 = arith.xori %add3A_239, %add3A_245 : vector<128x2048xi32>
      %shift_right_logical3A_247 = arith.constant 9 : i32
      %shift_right_logical3A_248 = vector.broadcast %shift_right_logical3A_247 : i32 to vector<128x2048xi32>
      %shift_right_logical3A_249 = arith.shrui %xor3A_246, %shift_right_logical3A_248 : vector<128x2048xi32>
      %or3A_250 = arith.constant 1065353216 : i32
      %or3A_251 = vector.broadcast %or3A_250 : i32 to vector<128x2048xi32>
      %or3A_252 = arith.ori %shift_right_logical3A_249, %or3A_251 : vector<128x2048xi32>
      %bitcast_convert_type3A = tpu.bitcast %or3A_252 : vector<128x2048xi32> -> vector<128x2048xf32>
      %sub3A = arith.constant 1.000000e+00 : f32
      %sub3A_253 = vector.broadcast %sub3A : f32 to vector<128x2048xf32>
      %sub3A_254 = arith.subf %bitcast_convert_type3A, %sub3A_253 : vector<128x2048xf32>
      %mul3A_255 = arith.constant 1.000000e+00 : f32
      %mul3A_256 = vector.broadcast %mul3A_255 : f32 to vector<128x2048xf32>
      %mul3A_257 = arith.mulf %sub3A_254, %mul3A_256 : vector<128x2048xf32>
      %add3A_258 = arith.constant 1.17549435E-38 : f32
      %add3A_259 = vector.broadcast %add3A_258 : f32 to vector<128x2048xf32>
      %add3A_260 = arith.addf %mul3A_257, %add3A_259 : vector<128x2048xf32>
      %max3A = arith.constant 1.17549435E-38 : f32
      %max3A_261 = vector.broadcast %max3A : f32 to vector<128x2048xf32>
      %max3A_262 = arith.maximumf %max3A_261, %add3A_260 : vector<128x2048xf32>
      %log3A = math.log %max3A_262 : vector<128x2048xf32>
      %neg3A = arith.constant 0.000000e+00 : f32
      %neg3A_263 = vector.broadcast %neg3A : f32 to vector<128x2048xf32>
      %neg3A_264 = arith.subf %neg3A_263, %log3A : vector<128x2048xf32>
      %log3A_265 = math.log %neg3A_264 : vector<128x2048xf32>
      %neg3A_266 = arith.constant 0.000000e+00 : f32
      %neg3A_267 = vector.broadcast %neg3A_266 : f32 to vector<128x2048xf32>
      %neg3A_268 = arith.subf %neg3A_267, %log3A_265 : vector<128x2048xf32>
      %add3A_269 = arith.addf %get3A_12, %neg3A_268 : vector<128x2048xf32>
      %iota3A = tpu.iota {dimensions = array<i32: 1>} : vector<128x2048xi32>
      %add3A_270 = vector.broadcast %mul3A_13 : i32 to vector<128x2048xi32>
      %add3A_271 = arith.addi %iota3A, %add3A_270 : vector<128x2048xi32>
      %lt3A_272 = arith.constant 100000 : i32
      %lt3A_273 = vector.broadcast %lt3A_272 : i32 to vector<128x2048xi32>
      %lt3A_274 = arith.cmpi slt, %add3A_271, %lt3A_273 : vector<128x2048xi32>
      %jit3A = arith.constant 0xFF800000 : f32
      %broadcast_in_dim3A_275 = vector.broadcast %jit3A : f32 to vector<128x2048xf32>
      %select_n3A = arith.select %lt3A_274, %add3A_269, %broadcast_in_dim3A_275 : vector<128x2048xi1>, vector<128x2048xf32>
      %reduce_max3A = arith.constant dense<0xFF800000> : vector<128xf32>
      %reduce_max3A_276 = vector.multi_reduction <maximumf>, %select_n3A, %reduce_max3A [1] : vector<128x2048xf32> to vector<128xf32>
      %broadcast_in_dim3A_277 = vector.shape_cast %reduce_max3A_276 : vector<128xf32> to vector<128x1xf32>
      %iota3A_278 = tpu.iota {dimensions = array<i32: 1>} : vector<128x2048xi32>
      %eq3A_279 = vector.broadcast %broadcast_in_dim3A_277 : vector<128x1xf32> to vector<128x2048xf32>
      %eq3A_280 = arith.cmpf oeq, %select_n3A, %eq3A_279 : vector<128x2048xf32>
      %jit3A_281 = arith.constant 2147483647 : i32
      %broadcast_in_dim3A_282 = vector.broadcast %jit3A_281 : i32 to vector<128x2048xi32>
      %select_n3A_283 = arith.select %eq3A_280, %iota3A_278, %broadcast_in_dim3A_282 : vector<128x2048xi1>, vector<128x2048xi32>
      %reduce_min3A = arith.constant dense<2147483647> : vector<128xi32>
      %reduce_min3A_284 = vector.multi_reduction <minsi>, %select_n3A_283, %reduce_min3A [1] : vector<128x2048xi32> to vector<128xi32>
      %broadcast_in_dim3A_285 = vector.shape_cast %reduce_min3A_284 : vector<128xi32> to vector<128x1xi32>
      %add3A_286 = vector.broadcast %mul3A_13 : i32 to vector<128x1xi32>
      %add3A_287 = arith.addi %add3A_286, %broadcast_in_dim3A_285 : vector<128x1xi32>
      %get3A_288 = arith.constant 0 : index
      %get3A_289 = arith.constant 0 : index
      %get3A_290 = vector.load %arg6[%get3A_288, %get3A_289] : memref<128x1xf32, #tpu.memory_space<vmem>>, vector<128x1xf32>
      %gt3A = arith.cmpf ogt, %broadcast_in_dim3A_277, %get3A_290 : vector<128x1xf32>
      %get3A_291 = arith.constant 0 : index
      %get3A_292 = arith.constant 0 : index
      %get3A_293 = vector.load %arg7[%get3A_291, %get3A_292] : memref<128x1xi32, #tpu.memory_space<vmem>>, vector<128x1xi32>
      %select_n3A_294 = arith.select %gt3A, %add3A_287, %get3A_293 : vector<128x1xi1>, vector<128x1xi32>
      %swap3A = arith.constant 0 : index
      %swap3A_295 = arith.constant 0 : index
      %swap3A_296 = vector.load %arg7[%swap3A, %swap3A_295] : memref<128x1xi32, #tpu.memory_space<vmem>>, vector<128x1xi32>
      tpu.vector_store %arg7[%swap3A, %swap3A_295], %select_n3A_294 {strides = array<i32>} : memref<128x1xi32, #tpu.memory_space<vmem>>, vector<128x1xi32>,
      %get3A_297 = arith.constant 0 : index
      %get3A_298 = arith.constant 0 : index
      %get3A_299 = vector.load %arg6[%get3A_297, %get3A_298] : memref<128x1xf32, #tpu.memory_space<vmem>>, vector<128x1xf32>
      %select_n3A_300 = arith.select %gt3A, %broadcast_in_dim3A_277, %get3A_299 : vector<128x1xi1>, vector<128x1xf32>
      %swap3A_301 = arith.constant 0 : index
      %swap3A_302 = arith.constant 0 : index
      %swap3A_303 = vector.load %arg6[%swap3A_301, %swap3A_302] : memref<128x1xf32, #tpu.memory_space<vmem>>, vector<128x1xf32>
      tpu.vector_store %arg6[%swap3A_301, %swap3A_302], %select_n3A_300 {strides = array<i32>} : memref<128x1xf32, #tpu.memory_space<vmem>>, vector<128x1xf32>,
      %jit3A_304 = arith.constant 0xFF800000 : f32
      %broadcast_in_dim3A_305 = vector.broadcast %jit3A_304 : f32 to vector<128x2048xf32>
      %select_n3A_306 = arith.select %lt3A_274, %get3A_12, %broadcast_in_dim3A_305 : vector<128x2048xi1>, vector<128x2048xf32>
      %reduce_max3A_307 = arith.constant dense<0xFF800000> : vector<128xf32>
      %reduce_max3A_308 = vector.multi_reduction <maximumf>, %select_n3A_306, %reduce_max3A_307 [1] : vector<128x2048xf32> to vector<128xf32>
      %broadcast_in_dim3A_309 = vector.shape_cast %reduce_max3A_308 : vector<128xf32> to vector<128x1xf32>
      %get3A_310 = arith.constant 0 : index
      %get3A_311 = arith.constant 0 : index
      %get3A_312 = vector.load %arg4[%get3A_310, %get3A_311] : memref<128x1xf32, #tpu.memory_space<vmem>>, vector<128x1xf32>
      %max3A_313 = arith.maximumf %get3A_312, %broadcast_in_dim3A_309 : vector<128x1xf32>
      %sub3A_314 = vector.broadcast %max3A_313 : vector<128x1xf32> to vector<128x2048xf32>
      %sub3A_315 = arith.subf %get3A_12, %sub3A_314 : vector<128x2048xf32>
      %exp3A = math.exp %sub3A_315 : vector<128x2048xf32>
      %jit3A_316 = arith.constant 0.000000e+00 : f32
      %broadcast_in_dim3A_317 = vector.broadcast %jit3A_316 : f32 to vector<128x2048xf32>
      %select_n3A_318 = arith.select %lt3A_274, %exp3A, %broadcast_in_dim3A_317 : vector<128x2048xi1>, vector<128x2048xf32>
      %get3A_319 = arith.constant 0 : index
      %get3A_320 = arith.constant 0 : index
      %get3A_321 = vector.load %arg5[%get3A_319, %get3A_320] : memref<128x1xf32, #tpu.memory_space<vmem>>, vector<128x1xf32>
      %sub3A_322 = arith.subf %get3A_312, %max3A_313 : vector<128x1xf32>
      %exp3A_323 = math.exp %sub3A_322 : vector<128x1xf32>
      %mul3A_324 = arith.mulf %get3A_321, %exp3A_323 : vector<128x1xf32>
      %reduce_sum3A = arith.constant dense<0.000000e+00> : vector<128xf32>
      %reduce_sum3A_325 = vector.multi_reduction <add>, %select_n3A_318, %reduce_sum3A [1] : vector<128x2048xf32> to vector<128xf32>
      %broadcast_in_dim3A_326 = vector.shape_cast %reduce_sum3A_325 : vector<128xf32> to vector<128x1xf32>
      %add3A_327 = arith.addf %mul3A_324, %broadcast_in_dim3A_326 : vector<128x1xf32>
      %swap3A_328 = arith.constant 0 : index
      %swap3A_329 = arith.constant 0 : index
      %swap3A_330 = vector.load %arg5[%swap3A_328, %swap3A_329] : memref<128x1xf32, #tpu.memory_space<vmem>>, vector<128x1xf32>
      tpu.vector_store %arg5[%swap3A_328, %swap3A_329], %add3A_327 {strides = array<i32>} : memref<128x1xf32, #tpu.memory_space<vmem>>, vector<128x1xf32>,
      %swap3A_331 = arith.constant 0 : index
      %swap3A_332 = arith.constant 0 : index
      %swap3A_333 = vector.load %arg4[%swap3A_331, %swap3A_332] : memref<128x1xf32, #tpu.memory_space<vmem>>, vector<128x1xf32>
      tpu.vector_store %arg4[%swap3A_331, %swap3A_332], %max3A_313 {strides = array<i32>} : memref<128x1xf32, #tpu.memory_space<vmem>>, vector<128x1xf32>,
      %get3A_334 = arith.constant 0 : index
      %get3A_335 = arith.constant 0 : index
      %get3A_336 = vector.load %arg8[%get3A_334, %get3A_335] : memref<128x1xf32, #tpu.memory_space<vmem>>, vector<128x1xf32>
      %get3A_337 = arith.constant 0 : index
      %get3A_338 = arith.constant 0 : index
      %get3A_339 = vector.load %arg9[%get3A_337, %get3A_338] : memref<128x1xi32, #tpu.memory_space<vmem>>, vector<128x1xi32>
      %sub3A_340 = vector.broadcast %mul3A_13 : i32 to vector<128x1xi32>
      %sub3A_341 = arith.subi %get3A_339, %sub3A_340 : vector<128x1xi32>
      %eq3A_342 = vector.broadcast %sub3A_341 : vector<128x1xi32> to vector<128x2048xi32>
      %eq3A_343 = arith.cmpi eq, %iota3A_278, %eq3A_342 : vector<128x2048xi32>
      %jit3A_344 = arith.constant 0.000000e+00 : f32
      %broadcast_in_dim3A_345 = vector.broadcast %jit3A_344 : f32 to vector<128x2048xf32>
      %select_n3A_346 = arith.select %eq3A_343, %get3A_12, %broadcast_in_dim3A_345 : vector<128x2048xi1>, vector<128x2048xf32>
      %reduce_sum3A_347 = arith.constant dense<0.000000e+00> : vector<128xf32>
      %reduce_sum3A_348 = vector.multi_reduction <add>, %select_n3A_346, %reduce_sum3A_347 [1] : vector<128x2048xf32> to vector<128xf32>
      %broadcast_in_dim3A_349 = vector.shape_cast %reduce_sum3A_348 : vector<128xf32> to vector<128x1xf32>
      %add3A_350 = arith.addf %get3A_336, %broadcast_in_dim3A_349 : vector<128x1xf32>
      %swap3A_351 = arith.constant 0 : index
      %swap3A_352 = arith.constant 0 : index
      %swap3A_353 = vector.load %arg8[%swap3A_351, %swap3A_352] : memref<128x1xf32, #tpu.memory_space<vmem>>, vector<128x1xf32>
      tpu.vector_store %arg8[%swap3A_351, %swap3A_352], %add3A_350 {strides = array<i32>} : memref<128x1xf32, #tpu.memory_space<vmem>>, vector<128x1xf32>,
    } else {
    }
    return
  }
  func.func @transform_0(%arg0: i32) -> i32 {
    %c0_i32 = arith.constant 0 : i32
    %c0_i32_0 = arith.constant 0 : i32
    return %c0_i32 : i32
  }
  func.func @transform_1(%arg0: i32) -> (i32, i32) {
    %c0_i32 = arith.constant 0 : i32
    %c0_i32_0 = arith.constant 0 : i32
    %c0_i32_1 = arith.constant 0 : i32
    return %c0_i32, %c0_i32_0 : i32, i32
  }
  func.func @transform_2(%arg0: i32) -> (i32, i32) {
    %c0_i32 = arith.constant 0 : i32
    %c0_i32_0 = arith.constant 0 : i32
    return %c0_i32, %arg0 : i32, i32
  }
  func.func @transform_3(%arg0: i32) -> (i32, i32) {
    %c0_i32 = arith.constant 0 : i32
    %c0_i32_0 = arith.constant 0 : i32
    %c0_i32_1 = arith.constant 0 : i32
    return %c0_i32, %c0_i32_0 : i32, i32
  }
  func.func @transform_4(%arg0: i32) -> (i32, i32) {
    %c0_i32 = arith.constant 0 : i32
    %c0_i32_0 = arith.constant 0 : i32
    %c0_i32_1 = arith.constant 0 : i32
    return %c0_i32, %c0_i32_0 : i32, i32
  }
  func.func @transform_5(%arg0: i32) -> (i32, i32) {
    %c0_i32 = arith.constant 0 : i32
    %c0_i32_0 = arith.constant 0 : i32
    %c0_i32_1 = arith.constant 0 : i32
    return %c0_i32, %c0_i32_0 : i32, i32
  }
  func.func @transform_6(%arg0: i32) -> (i32, i32) {
    %c0_i32 = arith.constant 0 : i32
    %c0_i32_0 = arith.constant 0 : i32
    %c0_i32_1 = arith.constant 0 : i32
    return %c0_i32, %c0_i32_0 : i32, i32
  }
  func.func @transform_7(%arg0: i32) -> (i32, i32) {
    %c0_i32 = arith.constant 0 : i32
    %c0_i32_0 = arith.constant 0 : i32
    %c0_i32_1 = arith.constant 0 : i32
    return %c0_i32, %c0_i32_0 : i32, i32
  }
  func.func @transform_8(%arg0: i32) -> (i32, i32) {
    %c0_i32 = arith.constant 0 : i32
    %c0_i32_0 = arith.constant 0 : i32
    %c0_i32_1 = arith.constant 0 : i32
    return %c0_i32, %c0_i32_0 : i32, i32
  }
}

</mosaic_0001>

<sc_bundles>
// kernel: kernel.5.cloned.1.call-start
scs
__scs_entry_jumppad:
0x0: {  	(pc) =	sbr.rel $0x88, $3  }
0x1: {  	(tag) =	ssettag $0x0;
	lr =	simm.s32 $0x1  }
0x2: {  	[smem:$0x3F9E] =	sst lr;
	_ =	strace $0xD0000000  }
0x3: {  	_ = 	snop  }
0x4: {  	_ = 	snop  }
0x5: {  	_ = 	snop  }
0x6: {  	_ = 	snop  }
0x7: {  	_ = 	snop  }
__scs_overlays_trampoline_lowered:
0x8: {  	[smem:$0x3FAD] =	sst s0  }
0x9: {  	[smem:$0x3FAE] =	sst s1  }
0xa: {  	[smem:$0x3FAF] =	sst s2  }
0xb: {  	[smem:$0x3FB0] =	sst s3  }
0xc: {  	[smem:$0x3FB1] =	sst s4  }
0xd: {  	[smem:$0x3FB2] =	sst s5  }
0xe: {  	[smem:$0x3FB3] =	sst s6  }
0xf: {  	[smem:$0x3FB4] =	sst s7  }
0x10: {  	[smem:$0x3FB5] =	sst s8  }
0x11: {  	[smem:$0x3FB6] =	sst s9;
	s0 =	simm.s32 @!p0 $0x0  }
0x12: {  	s1 =	sld [smem:$0x3F9C];
	s0 =	simm.s32 @p0 $0x1  }
0x13: {  	[smem:$0x3FB7] =	sst s0;
	s0 =	simm.s32 @!p1 $0x0  }
0x14: {  	s2 =	sld [smem:$0x3F9B];
	s0 =	simm.s32 @p1 $0x1  }
0x15: {  	[smem:$0x3FB8] =	sst s0;
	s0 =	simm.s32 @!p2 $0x0  }
0x16: {  	s3 =	sld [smem:$0x3FDB];
	s0 =	simm.s32 @p2 $0x1  }
0x17: {  	s4 =	simm.s32 $0x1BF5;
	[smem:$0x3FBA] =	sst s0  }
0x18: {  	s0 =	sld [smem:$0x3F9D];
	_ =	swait.ge [sflag:s4], $0x0  }
0x19: {  	s7 =	sld [smem:$0x3F9E]  }
0x1a: {  	s8 =	sadd.s32 $0xFFFFE003, lr  }
0x1b: {  	s9 =	sadd.s32 $0xFFFFFEF7, lr;
	s5 =	simm.s32 $0xFFFFFFFF;
	p2 =	slt.u32 s8, $0xFFFFF086  }
0x1c: {  	p1 =	slt.u32 s9, $0xF7A;
	s5 =	simm.s32 @!p2 $0x0  }
0x1d: {  	s5 =	simm.s32 @p1 $0x1;
	p0 =	seq.s32 s7, s2  }
0x1e: {  	s7 =	smul.u32 @!p0 $0xF7A, s2;
	p2 =	seq.s32 @!p0 s5, $0x0  }
0x1f: {  	s9 =	smul.u32 $0xF7A, s1;
	s8 =	simm.s32 @!p0 $0x1BF5;
	p2 =	por !p2, p0  }
0x20: {  	[sflag:s8] =	ssyncset.s32 @!p0 $0xFFFFF086;
	s6 =	sadd.s32 @!p0 s3, s7;
	s7 =	simm.s32 @!p0 $0x108  }
0x21: {  	s3 =	sadd.s32 s3, s9;
	s6 =	sadd.s32 @!p0 $0x88, s6;
	s7 =	simm.s32 @p2 $0x1082  }
0x22: {  	[simem:s7], [sflag:s8] =	dma.local @!p0 [hbm:s6], $0xF7A  }
0x23: {  	s9 =	sor.u32 $0xD0000000, s2;
	s6 =	simm.s32 $0x108;
	_ =	swait.ge @!p0 [sflag:s8], $0x0  }
0x24: {  	s3 =	sadd.s32 $0x88, s3;
	s6 =	simm.s32 @!p1 $0x1082;
	[sflag:s4] =	ssyncset.s32 $0xFFFFF086  }
0x25: {  	[simem:s6], [sflag:s4] =	dma.local [hbm:s3], $0xF7A  }
0x26: {  	[smem:$0x3F9E] =	sst s1;
	(tag) =	ssettag s2;
	_ =	strace s9  }
0x27: {  	s1 =	sld [smem:$0x3FAE]  }
0x28: {  	s2 =	sld [smem:$0x3FAF]  }
0x29: {  	s4 =	sld [smem:$0x3FB1]  }
0x2a: {  	p0 =	seq.s32 s5, $0x0;
	s5 =	sld [smem:$0x3FB2]  }
0x2b: {  	s6 =	sld [smem:$0x3FB3]  }
0x2c: {  	s7 =	sld [smem:$0x3FB4]  }
0x2d: {  	s3 =	simm.s32 $0x108;
	s8 =	sld [smem:$0x3FB5]  }
0x2e: {  	s3 =	simm.s32 @!p0 $0x1082;
	s9 =	sld [smem:$0x3FB6]  }
0x2f: {  	lr =	sadd.s32 s0, s3;
	s0 =	sld [smem:$0x3FAD]  }
0x30: {  	s3 =	sld [smem:$0x3FB0]  }
0x31: {  	[smem:$0x3FB9] =	sst s10  }
0x32: {  	s10 =	sld [smem:$0x3FB7];
	_ =	sdelay $0x3  }
0x33: {  	p0 =	seq.s32 s10, $0x1;
	s10 =	sld [smem:$0x3FB9];
	_ =	sdelay $0x3  }
0x34: {  	[smem:$0x3FB9] =	sst s10  }
0x35: {  	s10 =	sld [smem:$0x3FB8];
	_ =	sdelay $0x3  }
0x36: {  	p1 =	seq.s32 s10, $0x1;
	s10 =	sld [smem:$0x3FB9];
	_ =	sdelay $0x3  }
0x37: {  	[smem:$0x3FB9] =	sst s10  }
0x38: {  	s10 =	sld [smem:$0x3FBA]  }
0x39: {  	_ = 	snop;
	(pc) =	sbr.ind lr, $3  }
0x3a: {  	_ = 	snop  }
0x3b: {  	_ = 	snop  }
0x3c: {  	p2 =	seq.s32 s10, $0x1;
	s10 =	sld [smem:$0x3FB9]  }
0x3d: {  	_ =	shalt  }
0x3e: {  	_ =	shalt  }
0x3f: {  	_ =	shalt  }
0x40: {  	_ =	shalt  }
0x41: {  	_ =	shalt  }
0x42: {  	_ =	shalt  }
0x43: {  	_ =	shalt  }
0x44: {  	_ =	shalt  }
0x45: {  	_ =	shalt  }
0x46: {  	_ =	shalt  }
0x47: {  	_ =	shalt  }
0x48: {  	_ =	shalt  }
0x49: {  	_ =	shalt  }
0x4a: {  	_ =	shalt  }
0x4b: {  	_ =	shalt  }
0x4c: {  	_ =	shalt  }
0x4d: {  	_ =	shalt  }
0x4e: {  	_ =	shalt  }
0x4f: {  	_ =	shalt  }
0x50: {  	_ =	shalt  }
0x51: {  	_ =	shalt  }
0x52: {  	_ =	shalt  }
0x53: {  	_ =	shalt  }
0x54: {  	_ =	shalt  }
0x55: {  	_ =	shalt  }
0x56: {  	_ =	shalt  }
0x57: {  	_ =	shalt  }
0x58: {  	_ =	shalt  }
0x59: {  	_ =	shalt  }
0x5a: {  	_ =	shalt  }
0x5b: {  	_ =	shalt  }
0x5c: {  	_ =	shalt  }
0x5d: {  	_ =	shalt  }
0x5e: {  	_ =	shalt  }
0x5f: {  	_ =	shalt  }
0x60: {  	_ =	shalt  }
0x61: {  	_ =	shalt  }
0x62: {  	_ =	shalt  }
0x63: {  	_ =	shalt  }
0x64: {  	_ =	shalt  }
0x65: {  	_ =	shalt  }
0x66: {  	_ =	shalt  }
0x67: {  	_ =	shalt  }
0x68: {  	_ =	shalt  }
0x69: {  	_ =	shalt  }
0x6a: {  	_ =	shalt  }
0x6b: {  	_ =	shalt  }
0x6c: {  	_ =	shalt  }
0x6d: {  	_ =	shalt  }
0x6e: {  	_ =	shalt  }
0x6f: {  	_ =	shalt  }
0x70: {  	_ =	shalt  }
0x71: {  	_ =	shalt  }
0x72: {  	_ =	shalt  }
0x73: {  	_ =	shalt  }
0x74: {  	_ =	shalt  }
0x75: {  	_ =	shalt  }
0x76: {  	_ =	shalt  }
0x77: {  	_ =	shalt  }
0x78: {  	_ =	shalt  }
0x79: {  	_ =	shalt  }
0x7a: {  	_ =	shalt  }
0x7b: {  	_ =	shalt  }
0x7c: {  	_ =	shalt  }
0x7d: {  	_ =	shalt  }
0x7e: {  	_ =	shalt  }
0x7f: {  	_ =	shalt  }
0x80: {  	_ =	shalt  }
0x81: {  	_ =	shalt  }
0x82: {  	_ =	shalt  }
0x83: {  	_ =	shalt  }
0x84: {  	_ =	shalt  }
0x85: {  	_ =	shalt  }
0x86: {  	_ =	shalt  }
0x87: {  	_ =	shalt  }
.Lfunc_end0:
.L_simem_size_0:
called_computation_lowered:
.L_overlay_start_0:
0x88: {  	s2 =	sld [smem:$0x3FD9]  }
0x89: {  	s3 =	sld [smem:$0x3FFE];
	_ =	sdelay $0x1  }
0x8a: {  	s1 =	srdreg.scid  }
0x8b: {  	s0 =	sand.u32 $0x1, s1  }
0x8c: {  	s17 =	sshll.u32 s0, $0xA;
	s2 =	sadd.s32 s3, s2  }
0x8d: {  	s2 =	sadd.s32 s2, s17  }
0x8e: {  	[smem:$0x3FC5] =	sst s2  }
0x8f: {  	_ = 	snop  }
0x90: {  	s2 =	sld [smem:$0x3FC9];
	(tm) =	ssettm $0x1  }
0x91: {  	s18 =	sld [smem:$0x3FFB];
	_ =	sdelay $0x3  }
0x92: {  	_ =	strace s18  }
0x93: {  	s3 =	sld [smem:$0x3FFC];
	_ =	sdelay $0x3  }
0x94: {  	_ =	strace s3  }
0x95: {  	s3 =	sld [smem:$0x3FFD];
	_ =	sdelay $0x3  }
0x96: {  	_ =	strace s3  }
0x97: {  	_ =	strace $0x8FFFFFFF  }
0x98: {  	s19 =	sld [smem:$0x3FDB];
	_ =	sdelay $0x1  }
0x99: {  	s4 =	simm.s32 $_scs_section_size  }
0x9a: {  	s5 =	simm.s32 $_size__tile_overlayer_lowered;
	s6 =	simm.s32 $_tile_overlayer_lowered  }
0x9b: {  	s22 =	simm.s32 $0x1BFF;
	s21 =	sshll.u32 s6, $0x1;
	s3 =	sadd.s32 s4, s19  }
0x9c: {  	s7 =	simm.s32 $0x0;
	s20 =	sshll.u32 s5, $0x1;
	s5 =	sadd.s32 s21, s3  }
0x9d: {  	[timem:s7], [sflag:s22] =	dma.local [hbm:s5], s20  }
0x9e: {  	_ =	swait.ge [sflag:s22], s20  }
0x9f: {  	s4 =	ssub.s32 $0x0, s20;
	[sflag:s22] =	ssyncset.done $0x0  }
0xa0: {  	[sflag:s22] =	ssyncadd.s32 s4;
	_ =	sdelay $0x1  }
0xa1: {  	s23 =	simm.s32 $0x1B8B  }
0xa2: {  	_ =	swait.ge [sflag:s23], $0x1  }
0xa3: {  	[sflag:s23] =	ssyncset.done $0x0  }
0xa4: {  	s25 =	simm.s32 $0x1B8E;
	s24 =	sld [smem:$0x3FFE];
	[sflag:s23] =	ssyncadd.s32 $0xFFFFFFFF  }
0xa5: {  	s26 =	simm.s32 $execute0_lowered;
	[smem:$0x3FD2] =	sst s25  }
0xa6: {  	s5 =	sshll.u32 s26, $0x1;
	_ =	strace $0x80000046;
	[dreg:$0x1] =	wrdreg $0xFFFFFFFF  }
0xa7: {  	s28 =	simm.s32 $_size_execute0_lowered;
	s3 =	sadd.s32 s3, s5;
	[dreg:$0x0] =	wrdreg $0x0  }
0xa8: {  	s5 =	sshll.u32 s28, $0x1;
	[dreg:$0x2] =	wrdreg s3  }
0xa9: {  	[dreg:$0x3] =	wrdreg s5  }
0xaa: {  	[dreg:$0x4] =	wrdreg $0xC0  }
0xab: {  	_ =	task [dreg:s7], $0x5FFFF  }
0xac: {  	[dreg:$0x1] =	wrdreg $0xFFFFFFFF  }
0xad: {  	[dreg:$0x0] =	wrdreg $0x60  }
0xae: {  	[dreg:$0x2] =	wrdreg s2  }
0xaf: {  	[dreg:$0x3] =	wrdreg s24  }
0xb0: {  	[dreg:$0x4] =	wrdreg $0x9  }
0xb1: {  	_ =	task.clear_ibuf [dreg:s7], $0x5FFFF;
	_ =	strace $0x90000046  }
0xb2: {  	s29 =	simm.s32 $0x9;
	_ =	strace $0x80000048  }
0xb3: {  	_ =	swait.ge [sflag:s29], $0x1  }
0xb4: {  	[sflag:s29] =	ssyncadd.s32 $0xFFFFFFFF  }
0xb5: {  	_ =	strace $0x90000048  }
0xb6: {  	_ =	sfence  }
0xb7: {  	s30 =	sld [smem:$0x0];
	_ =	sdelay $0x2  }
0xb8: {  	s31 =	sshll.u32 s1, $0xD;
	s1 =	sshrl.u32 s1, $0x2  }
0xb9: {  	s3 =	sand.u32 $0x4000, s31;
	s1 =	sadd.s32 s1, s30  }
0xba: {  	s0 =	sor.u32 s3, s0;
	s1 =	sshll.u32 s1, $0x11  }
0xbb: {  	s0 =	sor.u32 s1, s0  }
0xbc: {  	s0 =	sadd.s32 $0x8F2B, s0  }
0xbd: {  	[sflag:s0] =	ssyncadd.remote.s32 $0x1  }
0xbe: {  	_ =	sfence.sel $0xFFFF  }
0xbf: {  	[dreg:$0x0] =	wrdreg $0xFFFFFFFF;
	(pc) =	sbr.abs _section_cstart, $3  }
0xc0: {  	[dreg:$0x1] =	wrdreg $0xFFFFFFFF  }
0xc1: {  	_ =	task.clear_ibuf [dreg:s7], $0x2FFFF;
	_ =	strace $0x9FFFFFFF  }
0xc2: {  	(tm) =	ssettm $0x7FFFFFFF  }
0xc3: {  	_ =	shalt  }
tec
execute0_lowered:
.L_overlay_start_1:
0x0: {  	(tag) =	ssettag $0x1  }
0x1: {  	v0 =	vimm.s32 $0xEFCDAB89;
	v1 =	vimm.s32 $0x67452301  }
0x2: {  	s5 =	rddreg [dreg:$0x0];
	v2 =	vunpack.c.l.s4.s8 v0;
	v1 =	vunpack.c.l.s4.s8 v1  }
0x3: {  	s0 =	srdreg.scid;
	v3 =	vimm.s32 $0xDCFE98BA;
	s7 =	rddreg [dreg:$0x1];
	v6 =	vimm.s32 $0x32107654;
	v7 =	vimm.s32 $0xFEDCBA98  }
0x4: {  	s2 =	simm.s32 $0x0;
	vm0 =	vcmask $0x310;
	s3 =	sand.u32 $0x1, s0;
	s0 =	stileid.u32;
	v2 =	vunpack.c.0.s8.s32 v2;
	v4 =	vunpack.c.0.s8.s32 v1  }
0x5: {  	vm1 =	vcmask $0x710;
	vm2 =	vcmask $0xB10;
	v0 =	vlaneseq.u32;
	[smem:$0x7FF] =	sst s2;
	s1 =	sshll.u32 s3, $0x4;
	s8 =	sshll.u32 s0, $0x4  }
0x6: {  	v3 =	vunpack.c.l.s4.s8 v3;
	s3 =	ssub.s32 $0x2, s3;
	s9 =	sshll.u32 s0, $0x9;
	s4 =	sor.u32 s0, s1;
	v5 =	vcombine.low v4, v2;
	v2 =	vimm.s32 $0x54761032  }
0x7: {  	v7 =	vunpack.c.l.s4.s8 v7;
	s1 =	rddreg [dreg:$0x2];
	_ =	strace $0x80000047;
	s8 =	sand.u32 $0x70, s8;
	v4 =	vimm.s32 $0xBA98FEDC;
	v2 =	vunpack.c.l.s4.s8 v2  }
0x8: {  	v6 =	vunpack.c.l.s4.s8 v6;
	v3 =	vunpack.c.0.s8.s32 v3;
	s29 =	sshrl.u32 s3, $0x1;
	s6 =	sshll.u32 s4, $0xD;
	s7 =	sadd.s32 s8, s7;
	v4 =	vunpack.c.l.s4.s8 v4  }
0x9: {  	v7 =	vunpack.c.0.s8.s32 v7;
	s4 =	sshll.u32 s4, $0x4;
	s31 =	ssub.s32 s3, s29;
	s8 =	simm.s32 $0x1;
	v8 =	vunpack.c.0.s8.s32 v2;
	v2 =	vimm.s32 $0x76543210  }
0xa: {  	v6 =	vunpack.c.0.s8.s32 v6;
	s9 =	sor.u32 s9, s6;
	s10 =	sor.u32 $0x800, s6;
	s30 =	sor.u32 $0x1000, s6;
	v4 =	vunpack.c.0.s8.s32 v4;
	v9 =	vunpack.c.l.s4.s8 v2  }
0xb: {  	v1 =	vor.u32 s6, v0;
	s4 =	sand.u32 $0x180, s4;
	s6 =	sor.u32 $0x1800, s6;
	v11 =	vand.u32 $0xF, v7;
	s9 =	sand.u32 $0x3C200, s9;
	v5 =	vand.u32 $0xF, v5  }
0xc: {  	s4 =	sadd.s32 s4, s7;
	s7 =	simm.s32 $0x400;
	s9 =	sshrl.u32 s9, $0x3;
	v8 =	vcombine.low v8, v3;
	v10 =	vcombine.low v6, v4;
	v9 =	vunpack.c.0.s8.s32 v9  }
0xd: {  	s4 =	sadd.s32 $0x800, s4;
	s3 =	sadd.s32 s5, s9;
	s5 =	smax.u32 s31, $0x1;
	v2 =	vor.u32 s10, v0;
	v3 =	vor.u32 s30, v0;
	v4 =	vor.u32 s6, v0  }
0xe: {  	s9 =	simm.s32 $0x2000;
	s10 =	simm.s32 $0x0;
	s6 =	simm.s32 $0x200;
	v6 =	vand.u32 $0xF, v8;
	v7 =	vand.u32 $0xF, v10;
	v8 =	vcombine.low v11, v9  }
.LBB2_1:
0xf: {  	v9 =	vor.u32 s2, v1  }
0x10: {  	v10 =	vadd.s32 $0xADD083F4, v9  }
0x11: {  	v11 =	vshrl.u32 v10, $0x13;
	v10 =	vshll.u32 v10, $0xD  }
0x12: {  	v9 =	vadd.s32 $0xB1A83721, v9;
	v10 =	vor.u32 v11, v10  }
0x13: {  	v10 =	vxor.u32 v9, v10  }
0x14: {  	v11 =	vshrl.u32 v10, $0x11;
	v12 =	vshll.u32 v10, $0xF  }
0x15: {  	v9 =	vadd.s32 v9, v10;
	v10 =	vor.u32 v11, v12  }
0x16: {  	v10 =	vxor.u32 v9, v10  }
0x17: {  	v11 =	vshrl.u32 v10, $0x6;
	v12 =	vshll.u32 v10, $0x1A  }
0x18: {  	v9 =	vadd.s32 v9, v10;
	v10 =	vor.u32 v11, v12  }
0x19: {  	v10 =	vxor.u32 v9, v10  }
0x1a: {  	v11 =	vshrl.u32 v10, $0x1A;
	v12 =	vshll.u32 v10, $0x6  }
0x1b: {  	v9 =	vadd.s32 v9, v10;
	v10 =	vor.u32 v11, v12  }
0x1c: {  	v10 =	vxor.u32 v9, v10  }
0x1d: {  	v10 =	vadd.s32 $0xB5D62B04, v10  }
0x1e: {  	v9 =	vadd.s32 v10, v9;
	v11 =	vshrl.u32 v10, $0xF;
	v10 =	vshll.u32 v10, $0x11  }
0x1f: {  	v9 =	vadd.s32 $0xADD083F4, v9;
	v10 =	vor.u32 v11, v10  }
0x20: {  	v10 =	vxor.u32 v9, v10  }
0x21: {  	v11 =	vshrl.u32 v10, $0x3;
	v12 =	vshll.u32 v10, $0x1D  }
0x22: {  	v9 =	vadd.s32 v9, v10;
	v10 =	vor.u32 v11, v12  }
0x23: {  	v10 =	vxor.u32 v9, v10  }
0x24: {  	v11 =	vshrl.u32 v10, $0x10;
	v12 =	vshll.u32 v10, $0x10  }
0x25: {  	v9 =	vadd.s32 v9, v10;
	v10 =	vor.u32 v11, v12  }
0x26: {  	v10 =	vxor.u32 v9, v10  }
0x27: {  	v11 =	vshrl.u32 v10, $0x8;
	v12 =	vshll.u32 v10, $0x18  }
0x28: {  	v9 =	vadd.s32 v9, v10;
	v10 =	vor.u32 v11, v12  }
0x29: {  	v10 =	vxor.u32 v9, v10  }
0x2a: {  	v10 =	vadd.s32 $0x3D7B32F, v10  }
0x2b: {  	v9 =	vadd.s32 v10, v9;
	v11 =	vshrl.u32 v10, $0x13;
	v10 =	vshll.u32 v10, $0xD  }
0x2c: {  	v9 =	vadd.s32 $0xB5D62B03, v9;
	v10 =	vor.u32 v11, v10  }
0x2d: {  	s11 =	simm.s32 $0x10;
	v10 =	vxor.u32 v9, v10  }
0x2e: {  	v11 =	vor.u32 s11, v1;
	v12 =	vshrl.u32 v10, $0x11;
	v13 =	vshll.u32 v10, $0xF  }
0x2f: {  	v14 =	vadd.s32 $0xADD083F4, v11;
	v9 =	vadd.s32 v9, v10;
	v10 =	vor.u32 v12, v13  }
0x30: {  	v11 =	vadd.s32 $0xB1A83721, v11;
	v12 =	vshrl.u32 v14, $0x13;
	v10 =	vxor.u32 v9, v10  }
0x31: {  	v13 =	vshll.u32 v14, $0xD;
	v14 =	vshrl.u32 v10, $0x6;
	v15 =	vshll.u32 v10, $0x1A  }
0x32: {  	v12 =	vor.u32 v12, v13;
	v9 =	vadd.s32 v9, v10;
	v10 =	vor.u32 v14, v15  }
0x33: {  	v12 =	vxor.u32 v11, v12;
	v10 =	vxor.u32 v9, v10  }
0x34: {  	v13 =	vshrl.u32 v12, $0x11;
	v14 =	vshrl.u32 v10, $0x1A;
	v15 =	vshll.u32 v10, $0x6  }
0x35: {  	v16 =	vshll.u32 v12, $0xF;
	v9 =	vadd.s32 v9, v10;
	v10 =	vor.u32 v14, v15  }
0x36: {  	v11 =	vadd.s32 v11, v12;
	v12 =	vor.u32 v13, v16;
	v10 =	vxor.u32 v9, v10  }
0x37: {  	v12 =	vxor.u32 v11, v12;
	v10 =	vadd.s32 $0xADD083F7, v10  }
0x38: {  	v9 =	vadd.s32 v10, v9;
	v13 =	vshrl.u32 v10, $0xF;
	v10 =	vshll.u32 v10, $0x11  }
0x39: {  	v11 =	vadd.s32 v11, v12;
	v9 =	vadd.s32 $0x3D7B32D, v9;
	v10 =	vor.u32 v13, v10  }
0x3a: {  	v13 =	vshrl.u32 v12, $0x6;
	v12 =	vshll.u32 v12, $0x1A;
	v10 =	vxor.u32 v9, v10  }
0x3b: {  	v12 =	vor.u32 v13, v12;
	v13 =	vshrl.u32 v10, $0x3;
	v14 =	vshll.u32 v10, $0x1D  }
0x3c: {  	v12 =	vxor.u32 v11, v12;
	v9 =	vadd.s32 v9, v10;
	v10 =	vor.u32 v13, v14  }
0x3d: {  	v11 =	vadd.s32 v11, v12;
	v13 =	vshrl.u32 v12, $0x1A;
	v10 =	vxor.u32 v9, v10  }
0x3e: {  	v12 =	vshll.u32 v12, $0x6;
	v14 =	vshrl.u32 v10, $0x10;
	v15 =	vshll.u32 v10, $0x10  }
0x3f: {  	v12 =	vor.u32 v13, v12;
	v9 =	vadd.s32 v9, v10;
	v10 =	vor.u32 v14, v15  }
0x40: {  	v13 =	vimm.f32 $-Inf;
	v12 =	vxor.u32 v11, v12;
	v10 =	vxor.u32 v9, v10  }
0x41: {  	v12 =	vadd.s32 $0xB5D62B04, v12;
	v14 =	vshrl.u32 v10, $0x8;
	v15 =	vshll.u32 v10, $0x18  }
0x42: {  	v11 =	vadd.s32 v12, v11;
	v9 =	vadd.s32 v9, v10;
	v10 =	vor.u32 v14, v15  }
0x43: {  	v14 =	vshrl.u32 v12, $0xF;
	v12 =	vshll.u32 v12, $0x11;
	v10 =	vxor.u32 v9, v10  }
0x44: {  	v11 =	vadd.s32 $0xADD083F4, v11;
	v12 =	vor.u32 v14, v12;
	v10 =	vadd.s32 $0xB5D62B07, v10  }
0x45: {  	v9 =	vadd.s32 v10, v9;
	v14 =	vshrl.u32 v10, $0x13;
	v10 =	vshll.u32 v10, $0xD  }
0x46: {  	v12 =	vxor.u32 v11, v12;
	v9 =	vadd.s32 $0xADD083F4, v9;
	v10 =	vor.u32 v14, v10  }
0x47: {  	v11 =	vadd.s32 v11, v12;
	v14 =	vshrl.u32 v12, $0x3;
	v10 =	vxor.u32 v9, v10  }
0x48: {  	v12 =	vshll.u32 v12, $0x1D;
	v15 =	vshrl.u32 v10, $0x11;
	v16 =	vshll.u32 v10, $0xF  }
0x49: {  	v12 =	vor.u32 v14, v12;
	v9 =	vadd.s32 v9, v10;
	v10 =	vor.u32 v15, v16  }
0x4a: {  	v14 =	vimm.s32 $0x0;
	v12 =	vxor.u32 v11, v12;
	v10 =	vxor.u32 v9, v10  }
0x4b: {  	v15 =	vshrl.u32 v12, $0x10;
	v16 =	vshrl.u32 v10, $0x6;
	v17 =	vshll.u32 v10, $0x1A  }
0x4c: {  	v18 =	vshll.u32 v12, $0x10;
	v9 =	vadd.s32 v9, v10;
	v10 =	vor.u32 v16, v17  }
0x4d: {  	v11 =	vadd.s32 v11, v12;
	v12 =	vor.u32 v15, v18;
	v10 =	vxor.u32 v9, v10  }
0x4e: {  	[tilespmem:s2], [sflag:$0x1] =	stream.strided.gather [hbm4b:s3+s6], $0x2000, s7, s6, $0x38;
	v12 =	vxor.u32 v11, v12;
	v15 =	vshrl.u32 v10, $0x1A;
	v16 =	vshll.u32 v10, $0x6;
	[tilespmem:$0x2080] =	vst v63  }
0x4f: {  	_ =	swait.ge [sflag:s8], $0x2000;
	v11 =	vadd.s32 v11, v12;
	v9 =	vadd.s32 v9, v10;
	v10 =	vor.u32 v15, v16  }
0x50: {  	s13 =	sand.u32 $0x70, s2;
	s14 =	sand.u32 $0x1E00, s2;
	[sflag:s8] =	ssyncset.done $0x0;
	v15 =	vshrl.u32 v12, $0x8;
	v12 =	vshll.u32 v12, $0x18;
	v10 =	vxor.u32 v9, v10  }
0x51: {  	s13 =	sor.u32 s13, s14;
	[sflag:s8] =	ssyncadd.s32 $0xFFFFE000;
	v12 =	vor.u32 v15, v12;
	v9 =	vadd.s32 $0xB5D62B03, v9;
	v10 =	vadd.s32 $0x3D7B332, v10  }
0x52: {  	s12 =	simm.s32 $0x20;
	v16 =	vld [tilespmem:s13+$0x0];
	v15 =	vor.u32 s2, v0;
	v12 =	vxor.u32 v11, v12;
	v9 =	vxor.u32 v9, v10  }
0x53: {  	v10 =	vor.u32 s12, v1;
	v12 =	vadd.s32 $0x3D7B32F, v12;
	v9 =	vshrl.u32 v9, $0x9  }
0x54: {  	v17 =	vadd.s32 $0xB1A83721, v10;
	v11 =	vadd.s32 v12, v11;
	v57 =	vshrl.u32 v12, $0x13  }
0x55: {  	v12 =	vshll.u32 v12, $0xD;
	v10 =	vadd.s32 $0xADD083F4, v10;
	v9 =	vor.u32 $0x3F800000, v9  }
0x56: {  	v11 =	vadd.s32 $0xB5D62B03, v11;
	v12 =	vor.u32 v57, v12;
	v9 =	vadd.f32 $-1.000000000e+00, v9  }
0x57: {  	v58 =	vshrl.u32 v10, $0x13;
	vm3 =	vgt.s32 v16, $0x0;
	v12 =	vxor.u32 v11, v12  }
0x58: {  	v20 =	vshrl.u32 v12, $0x11;
	v21 =	vshll.u32 v12, $0xF;
	v19 =	vadd.f32 $-1.000000000e+09, v9  }
0x59: {  	v10 =	vshll.u32 v10, $0xD;
	v11 =	vadd.s32 v11, v12;
	v12 =	vor.u32 v20, v21  }
0x5a: {  	v10 =	vor.u32 v58, v10;
	v12 =	vxor.u32 v11, v12;
	v9 =	vsel vm3, v9, v19  }
0x5b: {  	v59 =	vshrl.u32 v12, $0x6;
	v60 =	vshll.u32 v12, $0x1A;
	vm3 =	vgt.f32 v9, v13  }
0x5c: {  	v11 =	vadd.s32 v11, v12;
	v12 =	vor.u32 v59, v60;
	v9 =	vsel vm3, v9, v13  }
0x5d: {  	v13 =	vxor.u32 v17, v10;
	v12 =	vxor.u32 v11, v12;
	v10 =	vsel vm3, v15, v14  }
0x5e: {  	v15 =	vshrl.u32 v13, $0x11;
	v61 =	vshrl.u32 v12, $0x1A;
	v62 =	vshll.u32 v12, $0x6  }
0x5f: {  	v63 =	vshll.u32 v13, $0xF;
	v12 =	vadd.s32 v11, v12;
	v11 =	vor.u32 v61, v62  }
0x60: {  	v13 =	vadd.s32 v17, v13;
	v15 =	vor.u32 v15, v63;
	v11 =	vxor.u32 v12, v11  }
0x61: {  	v15 =	vxor.u32 v13, v15;
	v17 =	vadd.s32 $0xADD083F7, v11;
	v11 =	vsel vm3, v16, v14  }
0x62: {  	v12 =	vadd.s32 v17, v12;
	v16 =	vshrl.u32 v17, $0xF;
	v17 =	vshll.u32 v17, $0x11  }
0x63: {  	s14 =	simm.s32 $0x30;
	s13 =	simm.s32 $0x0;
	v14 =	vadd.s32 v13, v15;
	v12 =	vadd.s32 $0x3D7B32D, v12;
	v13 =	vor.u32 v16, v17  }
.LBB2_2:
0x64: {  	p0 =	sne.s32 s14, $0x7F0;
	v16 =	vshrl.u32 v15, $0x6;
	v15 =	vshll.u32 v15, $0x1A;
	v13 =	vxor.u32 v12, v13  }
0x65: {  	v15 =	vor.u32 v16, v15;
	v16 =	vshrl.u32 v13, $0x3;
	v17 =	vshll.u32 v13, $0x1D  }
0x66: {  	v12 =	vadd.s32 v12, v13;
	v15 =	vxor.u32 v14, v15;
	v13 =	vor.u32 v16, v17  }
0x67: {  	v14 =	vadd.s32 v14, v15;
	v16 =	vshrl.u32 v15, $0x1A;
	v13 =	vxor.u32 v12, v13  }
0x68: {  	v15 =	vshll.u32 v15, $0x6;
	v17 =	vshrl.u32 v13, $0x10;
	v18 =	vshll.u32 v13, $0x10  }
0x69: {  	v15 =	vor.u32 v16, v15;
	v12 =	vadd.s32 v12, v13;
	v13 =	vor.u32 v17, v18  }
0x6a: {  	v15 =	vxor.u32 v14, v15;
	v13 =	vxor.u32 v12, v13  }
0x6b: {  	v15 =	vadd.s32 $0xB5D62B04, v15;
	v16 =	vshrl.u32 v13, $0x8;
	v17 =	vshll.u32 v13, $0x18  }
0x6c: {  	v14 =	vadd.s32 v15, v14;
	v12 =	vadd.s32 v12, v13;
	v13 =	vor.u32 v16, v17  }
0x6d: {  	v16 =	vshrl.u32 v15, $0xF;
	v15 =	vshll.u32 v15, $0x11;
	v13 =	vxor.u32 v12, v13  }
0x6e: {  	v14 =	vadd.s32 $0xADD083F4, v14;
	v15 =	vor.u32 v16, v15;
	v13 =	vadd.s32 $0xB5D62B07, v13  }
0x6f: {  	v12 =	vadd.s32 v13, v12;
	v16 =	vshrl.u32 v13, $0x13;
	v13 =	vshll.u32 v13, $0xD  }
0x70: {  	v15 =	vxor.u32 v14, v15;
	v12 =	vadd.s32 $0xADD083F4, v12;
	v13 =	vor.u32 v16, v13  }
0x71: {  	v14 =	vadd.s32 v14, v15;
	v16 =	vshrl.u32 v15, $0x3;
	v13 =	vxor.u32 v12, v13  }
0x72: {  	v15 =	vshll.u32 v15, $0x1D;
	v17 =	vshrl.u32 v13, $0x11;
	v18 =	vshll.u32 v13, $0xF  }
0x73: {  	v15 =	vor.u32 v16, v15;
	v12 =	vadd.s32 v12, v13;
	v13 =	vor.u32 v17, v18  }
0x74: {  	v15 =	vxor.u32 v14, v15;
	v13 =	vxor.u32 v12, v13  }
0x75: {  	v16 =	vshrl.u32 v15, $0x10;
	v17 =	vshrl.u32 v13, $0x6;
	v18 =	vshll.u32 v13, $0x1A  }
0x76: {  	v19 =	vshll.u32 v15, $0x10;
	v12 =	vadd.s32 v12, v13;
	v13 =	vor.u32 v17, v18  }
0x77: {  	v14 =	vadd.s32 v14, v15;
	v15 =	vor.u32 v16, v19;
	v13 =	vxor.u32 v12, v13  }
0x78: {  	v15 =	vxor.u32 v14, v15;
	v16 =	vshrl.u32 v13, $0x1A;
	v17 =	vshll.u32 v13, $0x6  }
0x79: {  	v14 =	vadd.s32 v14, v15;
	v12 =	vadd.s32 v12, v13;
	v13 =	vor.u32 v16, v17  }
0x7a: {  	s13 =	sadd.s32 $0x40, s13;
	v16 =	vshrl.u32 v15, $0x8;
	v15 =	vshll.u32 v15, $0x18;
	v13 =	vxor.u32 v12, v13  }
0x7b: {  	s15 =	sand.u32 $0x70, s11;
	s16 =	sand.u32 $0x1E00, s13;
	v15 =	vor.u32 v16, v15;
	v12 =	vadd.s32 $0xB5D62B03, v12;
	v13 =	vadd.s32 $0x3D7B332, v13  }
0x7c: {  	s15 =	sor.u32 s15, s16;
	v16 =	vor.u32 s11, v0;
	s11 =	smov.u32 s12;
	s12 =	smov.u32 s14;
	v15 =	vxor.u32 v14, v15;
	v12 =	vxor.u32 v12, v13  }
0x7d: {  	v13 =	vor.u32 s14, v1;
	v15 =	vadd.s32 $0x3D7B32F, v15;
	v17 =	vld [tilespmem:s15+$0x0];
	v12 =	vshrl.u32 v12, $0x9  }
0x7e: {  	v18 =	vadd.s32 $0xB1A83721, v13;
	v14 =	vadd.s32 v15, v14;
	v12 =	vor.u32 $0x3F800000, v12  }
0x7f: {  	v19 =	vshrl.u32 v15, $0x13;
	v15 =	vshll.u32 v15, $0xD;
	v12 =	vadd.f32 $-1.000000000e+00, v12  }
0x80: {  	v13 =	vadd.s32 $0xADD083F4, v13;
	v14 =	vadd.s32 $0xB5D62B03, v14;
	v15 =	vor.u32 v19, v15  }
0x81: {  	v19 =	vshrl.u32 v13, $0x13;
	v15 =	vxor.u32 v14, v15;
	v20 =	vadd.f32 $-1.000000000e+09, v12  }
0x82: {  	v21 =	vshrl.u32 v15, $0x11;
	v22 =	vshll.u32 v15, $0xF;
	vm3 =	vgt.s32 v17, $0x0  }
0x83: {  	v14 =	vadd.s32 v14, v15;
	v15 =	vor.u32 v21, v22;
	v12 =	vsel vm3, v12, v20  }
0x84: {  	v13 =	vshll.u32 v13, $0xD;
	v15 =	vxor.u32 v14, v15;
	vm3 =	vgt.f32 v12, v9  }
0x85: {  	v20 =	vshrl.u32 v15, $0x6;
	v21 =	vshll.u32 v15, $0x1A;
	v9 =	vsel vm3, v12, v9  }
0x86: {  	v12 =	vor.u32 v19, v13;
	v13 =	vadd.s32 v14, v15;
	v14 =	vor.u32 v20, v21  }
0x87: {  	v10 =	vsel vm3, v16, v10;
	v12 =	vxor.u32 v18, v12;
	v14 =	vxor.u32 v13, v14  }
0x88: {  	v15 =	vshrl.u32 v12, $0x11;
	v16 =	vshrl.u32 v14, $0x1A;
	v19 =	vshll.u32 v14, $0x6  }
.Ltmp0:
0x89: {  	v20 =	vshll.u32 v12, $0xF;
	v13 =	vadd.s32 v13, v14;
	v14 =	vor.u32 v16, v19;
	(pc) =	sbr.rel @p0 .LBB2_2-.Ltmp0, $4  }
0x8a: {  	v12 =	vadd.s32 v18, v12;
	v15 =	vor.u32 v15, v20;
	v14 =	vxor.u32 v13, v14  }
0x8b: {  	v11 =	vsel vm3, v17, v11;
	v15 =	vxor.u32 v12, v15;
	v14 =	vadd.s32 $0xADD083F7, v14  }
0x8c: {  	v13 =	vadd.s32 v14, v13;
	v16 =	vshrl.u32 v14, $0xF;
	v17 =	vshll.u32 v14, $0x11  }
0x8d: {  	s14 =	sadd.s32 $0x10, s14;
	v14 =	vadd.s32 v12, v15;
	v12 =	vadd.s32 $0x3D7B32D, v13;
	v13 =	vor.u32 v16, v17  }
0x8e: {  	v16 =	vshrl.u32 v15, $0x6;
	v15 =	vshll.u32 v15, $0x1A  }
0x8f: {  	v15 =	vor.u32 v16, v15  }
0x90: {  	v15 =	vxor.u32 v14, v15  }
0x91: {  	v16 =	vshrl.u32 v15, $0x1A;
	v17 =	vshll.u32 v15, $0x6  }
0x92: {  	v14 =	vadd.s32 v14, v15;
	v15 =	vor.u32 v16, v17  }
0x93: {  	v15 =	vxor.u32 v14, v15  }
0x94: {  	v15 =	vadd.s32 $0xB5D62B04, v15  }
0x95: {  	v14 =	vadd.s32 v15, v14;
	v16 =	vshrl.u32 v15, $0xF;
	v15 =	vshll.u32 v15, $0x11  }
0x96: {  	v14 =	vadd.s32 $0xADD083F4, v14;
	v15 =	vor.u32 v16, v15  }
0x97: {  	v15 =	vxor.u32 v14, v15  }
0x98: {  	v16 =	vshrl.u32 v15, $0x3;
	v17 =	vshll.u32 v15, $0x1D  }
0x99: {  	v14 =	vadd.s32 v14, v15;
	v15 =	vor.u32 v16, v17  }
0x9a: {  	v15 =	vxor.u32 v14, v15  }
0x9b: {  	v16 =	vshrl.u32 v15, $0x10;
	v17 =	vshll.u32 v15, $0x10  }
0x9c: {  	v14 =	vadd.s32 v14, v15;
	v15 =	vor.u32 v16, v17  }
0x9d: {  	v15 =	vxor.u32 v14, v15  }
0x9e: {  	v16 =	vshrl.u32 v15, $0x8;
	v17 =	vshll.u32 v15, $0x18  }
0x9f: {  	v14 =	vadd.s32 v14, v15;
	v15 =	vor.u32 v16, v17  }
0xa0: {  	v15 =	vxor.u32 v14, v15  }
0xa1: {  	v15 =	vadd.s32 $0x3D7B32F, v15  }
0xa2: {  	v14 =	vadd.s32 v15, v14;
	v16 =	vshrl.u32 v15, $0x13;
	v15 =	vshll.u32 v15, $0xD  }
0xa3: {  	v14 =	vadd.s32 $0xB5D62B03, v14;
	v15 =	vor.u32 v16, v15  }
0xa4: {  	v13 =	vxor.u32 v12, v13;
	v15 =	vxor.u32 v14, v15  }
0xa5: {  	v19 =	vshll.u32 v13, $0x1D;
	v17 =	vshrl.u32 v15, $0x11;
	v18 =	vshll.u32 v15, $0xF  }
0xa6: {  	v16 =	vshrl.u32 v13, $0x3;
	v14 =	vadd.s32 v14, v15;
	v15 =	vor.u32 v17, v18  }
0xa7: {  	v12 =	vadd.s32 v12, v13;
	v13 =	vor.u32 v16, v19;
	v15 =	vxor.u32 v14, v15  }
0xa8: {  	v13 =	vxor.u32 v12, v13;
	v16 =	vshrl.u32 v15, $0x6;
	v17 =	vshll.u32 v15, $0x1A  }
0xa9: {  	v18 =	vshrl.u32 v13, $0x10;
	v14 =	vadd.s32 v14, v15;
	v15 =	vor.u32 v16, v17  }
0xaa: {  	v12 =	vadd.s32 v12, v13;
	v16 =	vshll.u32 v13, $0x10;
	v13 =	vxor.u32 v14, v15  }
0xab: {  	v15 =	vor.u32 v18, v16;
	v16 =	vshrl.u32 v13, $0x1A;
	v17 =	vshll.u32 v13, $0x6  }
0xac: {  	v15 =	vxor.u32 v12, v15;
	v13 =	vadd.s32 v14, v13;
	v14 =	vor.u32 v16, v17  }
0xad: {  	v16 =	vshrl.u32 v15, $0x8;
	v17 =	vshll.u32 v15, $0x18;
	v14 =	vxor.u32 v13, v14  }
0xae: {  	v12 =	vadd.s32 v12, v15;
	v15 =	vor.u32 v16, v17;
	v14 =	vadd.s32 $0xADD083F7, v14  }
0xaf: {  	v13 =	vadd.s32 v14, v13;
	v16 =	vshrl.u32 v14, $0xF;
	v14 =	vshll.u32 v14, $0x11  }
0xb0: {  	v15 =	vxor.u32 v12, v15;
	v13 =	vadd.s32 $0x3D7B32D, v13;
	v14 =	vor.u32 v16, v14  }
0xb1: {  	v15 =	vadd.s32 $0xB5D62B07, v15;
	v14 =	vxor.u32 v13, v14  }
0xb2: {  	v12 =	vadd.s32 v15, v12;
	v16 =	vshrl.u32 v14, $0x3;
	v17 =	vshll.u32 v14, $0x1D  }
0xb3: {  	v18 =	vshrl.u32 v15, $0x13;
	v13 =	vadd.s32 v13, v14;
	v14 =	vor.u32 v16, v17  }
0xb4: {  	v15 =	vshll.u32 v15, $0xD;
	v12 =	vadd.s32 $0xADD083F4, v12;
	v14 =	vxor.u32 v13, v14  }
0xb5: {  	v15 =	vor.u32 v18, v15;
	v16 =	vshrl.u32 v14, $0x10;
	v17 =	vshll.u32 v14, $0x10  }
0xb6: {  	v15 =	vxor.u32 v12, v15;
	v13 =	vadd.s32 v13, v14;
	v14 =	vor.u32 v16, v17  }
0xb7: {  	v12 =	vadd.s32 v12, v15;
	v16 =	vshrl.u32 v15, $0x11;
	v14 =	vxor.u32 v13, v14  }
0xb8: {  	v17 =	vshll.u32 v15, $0xF;
	v15 =	vshrl.u32 v14, $0x8;
	v18 =	vshll.u32 v14, $0x18  }
0xb9: {  	v16 =	vor.u32 v16, v17;
	v13 =	vadd.s32 v13, v14;
	v14 =	vor.u32 v15, v18  }
0xba: {  	v15 =	vxor.u32 v12, v16;
	v14 =	vxor.u32 v13, v14  }
0xbb: {  	v16 =	vshrl.u32 v15, $0x6;
	v14 =	vadd.s32 $0xB5D62B07, v14  }
0xbc: {  	v13 =	vadd.s32 v14, v13;
	v17 =	vshrl.u32 v14, $0x13;
	v14 =	vshll.u32 v14, $0xD  }
0xbd: {  	v18 =	vshll.u32 v15, $0x1A;
	v13 =	vadd.s32 $0xADD083F4, v13;
	v14 =	vor.u32 v17, v14  }
0xbe: {  	v12 =	vadd.s32 v12, v15;
	v15 =	vor.u32 v16, v18;
	v14 =	vxor.u32 v13, v14  }
0xbf: {  	v15 =	vxor.u32 v12, v15;
	v16 =	vshrl.u32 v14, $0x11;
	v17 =	vshll.u32 v14, $0xF  }
0xc0: {  	v18 =	vshrl.u32 v15, $0x1A;
	v13 =	vadd.s32 v13, v14;
	v14 =	vor.u32 v16, v17  }
0xc1: {  	v12 =	vadd.s32 v12, v15;
	v16 =	vshll.u32 v15, $0x6;
	v14 =	vxor.u32 v13, v14  }
0xc2: {  	v15 =	vor.u32 v18, v16;
	v16 =	vshrl.u32 v14, $0x6;
	v17 =	vshll.u32 v14, $0x1A  }
0xc3: {  	s13 =	sadd.s32 $0x40, s13;
	v15 =	vxor.u32 v12, v15;
	v13 =	vadd.s32 v13, v14;
	v14 =	vor.u32 v16, v17  }
0xc4: {  	s14 =	sand.u32 $0x70, s11;
	s15 =	sand.u32 $0x1E00, s13;
	v12 =	vadd.s32 $0xB5D62B03, v12;
	v15 =	vadd.s32 $0x3D7B332, v15;
	v14 =	vxor.u32 v13, v14  }
0xc5: {  	s14 =	sor.u32 s14, s15;
	v12 =	vxor.u32 v12, v15;
	v15 =	vshrl.u32 v14, $0x1A;
	v16 =	vshll.u32 v14, $0x6  }
0xc6: {  	v17 =	vld [tilespmem:s14+$0x0];
	v12 =	vshrl.u32 v12, $0x9;
	v13 =	vadd.s32 v13, v14;
	v14 =	vor.u32 v15, v16  }
0xc7: {  	s13 =	sadd.s32 $0x40, s13;
	v12 =	vor.u32 $0x3F800000, v12;
	v14 =	vxor.u32 v13, v14  }
0xc8: {  	s29 =	sand.u32 $0x70, s12;
	s13 =	sand.u32 $0x1E00, s13;
	v12 =	vadd.f32 $-1.000000000e+00, v12;
	v13 =	vadd.s32 $0xB5D62B03, v13;
	v14 =	vadd.s32 $0x3D7B332, v14  }
0xc9: {  	s13 =	sor.u32 s29, s13;
	v13 =	vxor.u32 v13, v14  }
0xca: {  	v15 =	vld [tilespmem:s13+$0x0];
	v14 =	vadd.f32 $-1.000000000e+09, v12;
	v13 =	vshrl.u32 v13, $0x9  }
0xcb: {  	vm3 =	vgt.s32 v17, $0x0;
	v13 =	vor.u32 $0x3F800000, v13  }
0xcc: {  	v12 =	vsel vm3, v12, v14;
	v13 =	vadd.f32 $-1.000000000e+00, v13  }
0xcd: {  	v14 =	vor.u32 s11, v0;
	vm3 =	vgt.f32 v12, v9  }
0xce: {  	s11 =	simm.s32 $0x0;
	v9 =	vsel vm3, v12, v9;
	v10 =	vsel vm3, v14, v10;
	v12 =	vadd.f32 $-1.000000000e+09, v13  }
0xcf: {  	v11 =	vsel vm3, v17, v11;
	vm3 =	vgt.s32 v15, $0x0;
	v14 =	vor.u32 s11, v2  }
0xd0: {  	v16 =	vor.u32 s12, v0;
	v12 =	vsel vm3, v13, v12;
	v13 =	vadd.s32 $0xADD083F4, v14  }
0xd1: {  	vm3 =	vgt.f32 v12, v9;
	v17 =	vshrl.u32 v13, $0x13;
	v13 =	vshll.u32 v13, $0xD  }
0xd2: {  	v9 =	vsel vm3, v12, v9;
	v12 =	vadd.s32 $0xB1A83721, v14;
	v13 =	vor.u32 v17, v13  }
0xd3: {  	v10 =	vsel vm3, v16, v10;
	v11 =	vsel vm3, v15, v11;
	v13 =	vxor.u32 v12, v13  }
0xd4: {  	v14 =	vperm.xlane v9, v5;
	v15 =	vshrl.u32 v13, $0x11;
	v16 =	vshll.u32 v13, $0xF  }
0xd5: {  	v17 =	vperm.xlane v10, v5;
	v12 =	vadd.s32 v12, v13;
	v13 =	vor.u32 v15, v16  }
0xd6: {  	vm3 =	vgt.f32 v14, v9;
	vm4 =	veq.f32 v14, v9;
	v13 =	vxor.u32 v12, v13  }
0xd7: {  	vm5 =	vlt.s32 v17, v10;
	v15 =	vshrl.u32 v13, $0x6;
	v16 =	vshll.u32 v13, $0x1A  }
0xd8: {  	v9 =	vmax.f32 v9, v14;
	v12 =	vadd.s32 v12, v13;
	v13 =	vor.u32 v15, v16  }
0xd9: {  	vm4 =	vmand vm4, vm5;
	v18 =	vperm.xlane v9, v6;
	v13 =	vxor.u32 v12, v13  }
0xda: {  	vm3 =	vmor vm3, vm4;
	v14 =	vshrl.u32 v13, $0x1A;
	v16 =	vshll.u32 v13, $0x6  }
0xdb: {  	v15 =	vperm.xlane v11, v5;
	v12 =	vadd.s32 v12, v13;
	v13 =	vor.u32 v14, v16  }
0xdc: {  	v10 =	vsel vm3, v17, v10;
	vm12 =	vgt.f32 v18, v9;
	v13 =	vxor.u32 v12, v13  }
0xdd: {  	v11 =	vsel vm3, v15, v11;
	v14 =	vperm.xlane v10, v6;
	v13 =	vadd.s32 $0xB5D62B04, v13  }
0xde: {  	v12 =	vadd.s32 v13, v12;
	v15 =	vshrl.u32 v13, $0xF;
	v13 =	vshll.u32 v13, $0x11  }
0xdf: {  	vm3 =	veq.f32 v18, v9;
	v12 =	vadd.s32 $0xADD083F4, v12;
	v13 =	vor.u32 v15, v13  }
0xe0: {  	v9 =	vmax.f32 v9, v18;
	vm11 =	vlt.s32 v14, v10;
	v13 =	vxor.u32 v12, v13  }
0xe1: {  	vm3 =	vmand vm3, vm11;
	v15 =	vshrl.u32 v13, $0x3;
	v16 =	vshll.u32 v13, $0x1D  }
0xe2: {  	vm3 =	vmor vm12, vm3;
	v12 =	vadd.s32 v12, v13;
	v13 =	vor.u32 v15, v16  }
0xe3: {  	v18 =	vperm.xlane v11, v6;
	v10 =	vsel vm3, v14, v10;
	v13 =	vxor.u32 v12, v13  }
0xe4: {  	v14 =	vperm.xlane v9, v7;
	v16 =	vshrl.u32 v13, $0x10;
	v17 =	vshll.u32 v13, $0x10  }
0xe5: {  	v15 =	vperm.xlane v10, v7;
	v12 =	vadd.s32 v12, v13;
	v13 =	vor.u32 v16, v17  }
0xe6: {  	vm13 =	veq.f32 v14, v9;
	vm15 =	vgt.f32 v14, v9;
	v13 =	vxor.u32 v12, v13  }
0xe7: {  	vm14 =	vlt.s32 v15, v10;
	v16 =	vshrl.u32 v13, $0x8;
	v17 =	vshll.u32 v13, $0x18  }
0xe8: {  	vm4 =	vmand vm13, vm14;
	v12 =	vadd.s32 v12, v13;
	v13 =	vor.u32 v16, v17  }
0xe9: {  	v16 =	vsel vm3, v18, v11;
	vm3 =	vmor vm15, vm4;
	v11 =	vxor.u32 v12, v13  }
0xea: {  	v13 =	vperm.xlane v16, v7;
	v10 =	vsel vm3, v15, v10;
	v11 =	vadd.s32 $0x3D7B32F, v11  }
0xeb: {  	v12 =	vadd.s32 v11, v12;
	v15 =	vshrl.u32 v11, $0x13;
	v17 =	vshll.u32 v11, $0xD  }
0xec: {  	s12 =	simm.s32 $0x10;
	v11 =	vmax.f32 v9, v14;
	v14 =	vadd.s32 $0xB5D62B03, v12;
	v15 =	vor.u32 v15, v17  }
0xed: {  	v9 =	vsel vm3, v13, v16;
	v13 =	vxor.u32 v14, v15;
	v15 =	vor.u32 s12, v2  }
0xee: {  	v16 =	vshrl.u32 v13, $0x11;
	v17 =	vshll.u32 v13, $0xF;
	v18 =	vadd.s32 $0xADD083F4, v15  }
0xef: {  	v13 =	vadd.s32 v14, v13;
	v15 =	vadd.s32 $0xB1A83721, v15;
	v14 =	vor.u32 v16, v17  }
0xf0: {  	v16 =	vshrl.u32 v18, $0x13;
	v17 =	vshll.u32 v18, $0xD;
	v14 =	vxor.u32 v13, v14  }
0xf1: {  	v16 =	vor.u32 v16, v17;
	v18 =	vshrl.u32 v14, $0x6;
	v19 =	vshll.u32 v14, $0x1A  }
0xf2: {  	v14 =	vadd.s32 v13, v14;
	v16 =	vxor.u32 v15, v16;
	v17 =	vor.u32 v18, v19  }
0xf3: {  	v18 =	vshrl.u32 v16, $0x11;
	v21 =	vshll.u32 v16, $0xF;
	v17 =	vxor.u32 v14, v17  }
0xf4: {  	v15 =	vadd.s32 v15, v16;
	v19 =	vshrl.u32 v17, $0x1A;
	v20 =	vshll.u32 v17, $0x6  }
0xf5: {  	v16 =	vor.u32 v18, v21;
	v17 =	vadd.s32 v14, v17;
	v14 =	vor.u32 v19, v20  }
0xf6: {  	v12 =	vperm.xlane v11, v8;
	v16 =	vxor.u32 v15, v16;
	v18 =	vxor.u32 v17, v14  }
0xf7: {  	v13 =	vperm.xlane v10, v8;
	v15 =	vadd.s32 v15, v16;
	v18 =	vadd.s32 $0xADD083F7, v18  }
0xf8: {  	v17 =	vadd.s32 v18, v17;
	v19 =	vshrl.u32 v18, $0xF;
	v18 =	vshll.u32 v18, $0x11  }
0xf9: {  	v14 =	vperm.xlane v9, v8;
	v17 =	vadd.s32 $0x3D7B32D, v17;
	v18 =	vor.u32 v19, v18  }
0xfa: {  	v19 =	vshrl.u32 v16, $0x6;
	v16 =	vshll.u32 v16, $0x1A;
	v18 =	vxor.u32 v17, v18  }
0xfb: {  	v16 =	vor.u32 v19, v16;
	v19 =	vshrl.u32 v18, $0x3;
	v20 =	vshll.u32 v18, $0x1D  }
0xfc: {  	v16 =	vxor.u32 v15, v16;
	v17 =	vadd.s32 v17, v18;
	v18 =	vor.u32 v19, v20  }
0xfd: {  	v15 =	vadd.s32 v15, v16;
	v19 =	vshrl.u32 v16, $0x1A;
	v18 =	vxor.u32 v17, v18  }
0xfe: {  	v16 =	vshll.u32 v16, $0x6;
	v20 =	vshrl.u32 v18, $0x10;
	v21 =	vshll.u32 v18, $0x10  }
0xff: {  	v16 =	vor.u32 v19, v16;
	v17 =	vadd.s32 v17, v18;
	v18 =	vor.u32 v20, v21  }
0x100: {  	v19 =	vimm.f32 $-Inf;
	v16 =	vxor.u32 v15, v16;
	v18 =	vxor.u32 v17, v18  }
0x101: {  	v16 =	vadd.s32 $0xB5D62B04, v16;
	v20 =	vshrl.u32 v18, $0x8;
	v21 =	vshll.u32 v18, $0x18  }
0x102: {  	v15 =	vadd.s32 v16, v15;
	v17 =	vadd.s32 v17, v18;
	v18 =	vor.u32 v20, v21  }
0x103: {  	v20 =	vshrl.u32 v16, $0xF;
	v16 =	vshll.u32 v16, $0x11;
	v18 =	vxor.u32 v17, v18  }
0x104: {  	v15 =	vadd.s32 $0xADD083F4, v15;
	v16 =	vor.u32 v20, v16;
	v18 =	vadd.s32 $0xB5D62B07, v18  }
0x105: {  	v17 =	vadd.s32 v18, v17;
	v20 =	vshrl.u32 v18, $0x13;
	v18 =	vshll.u32 v18, $0xD  }
0x106: {  	v16 =	vxor.u32 v15, v16;
	v17 =	vadd.s32 $0xADD083F4, v17;
	v18 =	vor.u32 v20, v18  }
0x107: {  	v15 =	vadd.s32 v15, v16;
	v20 =	vshrl.u32 v16, $0x3;
	v18 =	vxor.u32 v17, v18  }
0x108: {  	v16 =	vshll.u32 v16, $0x1D;
	v21 =	vshrl.u32 v18, $0x11;
	v22 =	vshll.u32 v18, $0xF  }
0x109: {  	v16 =	vor.u32 v20, v16;
	v17 =	vadd.s32 v17, v18;
	v18 =	vor.u32 v21, v22  }
0x10a: {  	v20 =	vimm.s32 $0x0;
	v16 =	vxor.u32 v15, v16;
	v18 =	vxor.u32 v17, v18  }
0x10b: {  	v21 =	vshrl.u32 v16, $0x10;
	v22 =	vshrl.u32 v18, $0x6;
	v23 =	vshll.u32 v18, $0x1A  }
0x10c: {  	v24 =	vshll.u32 v16, $0x10;
	v17 =	vadd.s32 v17, v18;
	v18 =	vor.u32 v22, v23  }
0x10d: {  	v15 =	vadd.s32 v15, v16;
	v16 =	vor.u32 v21, v24;
	v18 =	vxor.u32 v17, v18  }
0x10e: {  	v16 =	vxor.u32 v15, v16;
	v21 =	vshrl.u32 v18, $0x1A;
	v22 =	vshll.u32 v18, $0x6  }
0x10f: {  	v15 =	vadd.s32 v15, v16;
	v17 =	vadd.s32 v17, v18;
	v18 =	vor.u32 v21, v22  }
0x110: {  	v21 =	vshrl.u32 v16, $0x8;
	v16 =	vshll.u32 v16, $0x18;
	v18 =	vxor.u32 v17, v18  }
0x111: {  	s30 =	sand.u32 $0x70, s11;
	s31 =	sand.u32 $0x1E00, s11;
	v16 =	vor.u32 v21, v16;
	v17 =	vadd.s32 $0xB5D62B03, v17;
	v18 =	vadd.s32 $0x3D7B332, v18  }
0x112: {  	s13 =	simm.s32 $0x20;
	s14 =	sor.u32 s30, s31;
	v21 =	vor.u32 s11, v0;
	v16 =	vxor.u32 v15, v16;
	v17 =	vxor.u32 v17, v18  }
0x113: {  	v22 =	vld [tilespmem:s14+$0x80];
	v18 =	vor.u32 s13, v2;
	v16 =	vadd.s32 $0x3D7B32F, v16;
	v17 =	vshrl.u32 v17, $0x9  }
0x114: {  	v23 =	vadd.s32 $0xB1A83721, v18;
	v15 =	vadd.s32 v16, v15;
	v17 =	vor.u32 $0x3F800000, v17  }
0x115: {  	v56 =	vshrl.u32 v16, $0x13;
	v16 =	vshll.u32 v16, $0xD;
	v17 =	vadd.f32 $-1.000000000e+00, v17  }
0x116: {  	v18 =	vadd.s32 $0xADD083F4, v18;
	v15 =	vadd.s32 $0xB5D62B03, v15;
	v16 =	vor.u32 v56, v16  }
0x117: {  	v57 =	vshrl.u32 v18, $0x13;
	v16 =	vxor.u32 v15, v16;
	v25 =	vadd.f32 $-1.000000000e+09, v17  }
0x118: {  	vm3 =	vgt.s32 v22, $0x0;
	v26 =	vshrl.u32 v16, $0x11;
	v27 =	vshll.u32 v16, $0xF  }
0x119: {  	v16 =	vadd.s32 v15, v16;
	v15 =	vor.u32 v26, v27;
	v17 =	vsel vm3, v17, v25  }
0x11a: {  	v18 =	vshll.u32 v18, $0xD;
	v58 =	vxor.u32 v16, v15;
	vm3 =	vgt.f32 v17, v19  }
0x11b: {  	v59 =	vshrl.u32 v58, $0x6;
	v60 =	vshll.u32 v58, $0x1A;
	v15 =	vsel vm3, v17, v19  }
0x11c: {  	v17 =	vor.u32 v57, v18;
	v18 =	vadd.s32 v16, v58;
	v16 =	vor.u32 v59, v60  }
0x11d: {  	v17 =	vxor.u32 v23, v17;
	v19 =	vxor.u32 v18, v16;
	v16 =	vsel vm3, v21, v20  }
0x11e: {  	v21 =	vshrl.u32 v17, $0x11;
	v61 =	vshrl.u32 v19, $0x1A;
	v62 =	vshll.u32 v19, $0x6  }
0x11f: {  	v63 =	vshll.u32 v17, $0xF;
	v18 =	vadd.s32 v18, v19;
	v19 =	vor.u32 v61, v62  }
0x120: {  	v23 =	vadd.s32 v23, v17;
	v17 =	vor.u32 v21, v63;
	v19 =	vxor.u32 v18, v19  }
0x121: {  	v21 =	vxor.u32 v23, v17;
	v17 =	vsel vm3, v22, v20;
	v19 =	vadd.s32 $0xADD083F7, v19  }
0x122: {  	v18 =	vadd.s32 v19, v18;
	v22 =	vshrl.u32 v19, $0xF;
	v19 =	vshll.u32 v19, $0x11  }
0x123: {  	s14 =	simm.s32 $0x30;
	v20 =	vadd.s32 v23, v21;
	v18 =	vadd.s32 $0x3D7B32D, v18;
	v19 =	vor.u32 v22, v19  }
.LBB2_4:
0x124: {  	p0 =	sne.s32 s14, $0x7F0;
	v22 =	vshrl.u32 v21, $0x6;
	v21 =	vshll.u32 v21, $0x1A;
	v19 =	vxor.u32 v18, v19  }
0x125: {  	v21 =	vor.u32 v22, v21;
	v22 =	vshrl.u32 v19, $0x3;
	v23 =	vshll.u32 v19, $0x1D  }
0x126: {  	v18 =	vadd.s32 v18, v19;
	v21 =	vxor.u32 v20, v21;
	v19 =	vor.u32 v22, v23  }
0x127: {  	v20 =	vadd.s32 v20, v21;
	v22 =	vshrl.u32 v21, $0x1A;
	v19 =	vxor.u32 v18, v19  }
0x128: {  	v21 =	vshll.u32 v21, $0x6;
	v23 =	vshrl.u32 v19, $0x10;
	v24 =	vshll.u32 v19, $0x10  }
0x129: {  	v21 =	vor.u32 v22, v21;
	v18 =	vadd.s32 v18, v19;
	v19 =	vor.u32 v23, v24  }
0x12a: {  	v21 =	vxor.u32 v20, v21;
	v19 =	vxor.u32 v18, v19  }
0x12b: {  	v21 =	vadd.s32 $0xB5D62B04, v21;
	v22 =	vshrl.u32 v19, $0x8;
	v23 =	vshll.u32 v19, $0x18  }
0x12c: {  	v20 =	vadd.s32 v21, v20;
	v18 =	vadd.s32 v18, v19;
	v19 =	vor.u32 v22, v23  }
0x12d: {  	v22 =	vshrl.u32 v21, $0xF;
	v21 =	vshll.u32 v21, $0x11;
	v19 =	vxor.u32 v18, v19  }
0x12e: {  	v20 =	vadd.s32 $0xADD083F4, v20;
	v21 =	vor.u32 v22, v21;
	v19 =	vadd.s32 $0xB5D62B07, v19  }
0x12f: {  	v18 =	vadd.s32 v19, v18;
	v22 =	vshrl.u32 v19, $0x13;
	v19 =	vshll.u32 v19, $0xD  }
0x130: {  	v21 =	vxor.u32 v20, v21;
	v18 =	vadd.s32 $0xADD083F4, v18;
	v19 =	vor.u32 v22, v19  }
0x131: {  	v20 =	vadd.s32 v20, v21;
	v22 =	vshrl.u32 v21, $0x3;
	v19 =	vxor.u32 v18, v19  }
0x132: {  	v21 =	vshll.u32 v21, $0x1D;
	v23 =	vshrl.u32 v19, $0x11;
	v24 =	vshll.u32 v19, $0xF  }
0x133: {  	v21 =	vor.u32 v22, v21;
	v18 =	vadd.s32 v18, v19;
	v19 =	vor.u32 v23, v24  }
0x134: {  	v21 =	vxor.u32 v20, v21;
	v19 =	vxor.u32 v18, v19  }
0x135: {  	v22 =	vshrl.u32 v21, $0x10;
	v23 =	vshrl.u32 v19, $0x6;
	v24 =	vshll.u32 v19, $0x1A  }
0x136: {  	v25 =	vshll.u32 v21, $0x10;
	v18 =	vadd.s32 v18, v19;
	v19 =	vor.u32 v23, v24  }
0x137: {  	v20 =	vadd.s32 v20, v21;
	v21 =	vor.u32 v22, v25;
	v19 =	vxor.u32 v18, v19  }
0x138: {  	v21 =	vxor.u32 v20, v21;
	v22 =	vshrl.u32 v19, $0x1A;
	v23 =	vshll.u32 v19, $0x6  }
0x139: {  	v20 =	vadd.s32 v20, v21;
	v18 =	vadd.s32 v18, v19;
	v19 =	vor.u32 v22, v23  }
0x13a: {  	s11 =	sadd.s32 $0x40, s11;
	v22 =	vshrl.u32 v21, $0x8;
	v21 =	vshll.u32 v21, $0x18;
	v19 =	vxor.u32 v18, v19  }
0x13b: {  	s15 =	sand.u32 $0x70, s12;
	s16 =	sand.u32 $0x1E00, s11;
	v21 =	vor.u32 v22, v21;
	v18 =	vadd.s32 $0xB5D62B03, v18;
	v19 =	vadd.s32 $0x3D7B332, v19  }
0x13c: {  	s15 =	sor.u32 s15, s16;
	v22 =	vor.u32 s12, v0;
	s12 =	smov.u32 s13;
	s13 =	smov.u32 s14;
	v21 =	vxor.u32 v20, v21;
	v18 =	vxor.u32 v18, v19  }
0x13d: {  	v19 =	vor.u32 s14, v2;
	v21 =	vadd.s32 $0x3D7B32F, v21;
	v23 =	vld [tilespmem:s15+$0x80];
	v18 =	vshrl.u32 v18, $0x9  }
0x13e: {  	v24 =	vadd.s32 $0xB1A83721, v19;
	v20 =	vadd.s32 v21, v20;
	v18 =	vor.u32 $0x3F800000, v18  }
0x13f: {  	v25 =	vshrl.u32 v21, $0x13;
	v21 =	vshll.u32 v21, $0xD;
	v18 =	vadd.f32 $-1.000000000e+00, v18  }
0x140: {  	v19 =	vadd.s32 $0xADD083F4, v19;
	v20 =	vadd.s32 $0xB5D62B03, v20;
	v21 =	vor.u32 v25, v21  }
0x141: {  	v25 =	vshrl.u32 v19, $0x13;
	v21 =	vxor.u32 v20, v21;
	v26 =	vadd.f32 $-1.000000000e+09, v18  }
0x142: {  	v27 =	vshrl.u32 v21, $0x11;
	v28 =	vshll.u32 v21, $0xF;
	vm3 =	vgt.s32 v23, $0x0  }
0x143: {  	v20 =	vadd.s32 v20, v21;
	v21 =	vor.u32 v27, v28;
	v18 =	vsel vm3, v18, v26  }
0x144: {  	v19 =	vshll.u32 v19, $0xD;
	v21 =	vxor.u32 v20, v21;
	vm3 =	vgt.f32 v18, v15  }
0x145: {  	v26 =	vshrl.u32 v21, $0x6;
	v27 =	vshll.u32 v21, $0x1A;
	v15 =	vsel vm3, v18, v15  }
0x146: {  	v18 =	vor.u32 v25, v19;
	v19 =	vadd.s32 v20, v21;
	v20 =	vor.u32 v26, v27  }
0x147: {  	v16 =	vsel vm3, v22, v16;
	v18 =	vxor.u32 v24, v18;
	v20 =	vxor.u32 v19, v20  }
0x148: {  	v21 =	vshrl.u32 v18, $0x11;
	v22 =	vshrl.u32 v20, $0x1A;
	v25 =	vshll.u32 v20, $0x6  }
.Ltmp1:
0x149: {  	v26 =	vshll.u32 v18, $0xF;
	v19 =	vadd.s32 v19, v20;
	v20 =	vor.u32 v22, v25;
	(pc) =	sbr.rel @p0 .LBB2_4-.Ltmp1, $4  }
0x14a: {  	v18 =	vadd.s32 v24, v18;
	v21 =	vor.u32 v21, v26;
	v20 =	vxor.u32 v19, v20  }
0x14b: {  	v17 =	vsel vm3, v23, v17;
	v21 =	vxor.u32 v18, v21;
	v20 =	vadd.s32 $0xADD083F7, v20  }
0x14c: {  	v19 =	vadd.s32 v20, v19;
	v22 =	vshrl.u32 v20, $0xF;
	v23 =	vshll.u32 v20, $0x11  }
0x14d: {  	s14 =	sadd.s32 $0x10, s14;
	v20 =	vadd.s32 v18, v21;
	v18 =	vadd.s32 $0x3D7B32D, v19;
	v19 =	vor.u32 v22, v23  }
0x14e: {  	v22 =	vshrl.u32 v21, $0x6;
	v21 =	vshll.u32 v21, $0x1A  }
0x14f: {  	v21 =	vor.u32 v22, v21  }
0x150: {  	v21 =	vxor.u32 v20, v21  }
0x151: {  	v22 =	vshrl.u32 v21, $0x1A;
	v23 =	vshll.u32 v21, $0x6  }
0x152: {  	v20 =	vadd.s32 v20, v21;
	v21 =	vor.u32 v22, v23  }
0x153: {  	v21 =	vxor.u32 v20, v21  }
0x154: {  	v21 =	vadd.s32 $0xB5D62B04, v21  }
0x155: {  	v20 =	vadd.s32 v21, v20;
	v22 =	vshrl.u32 v21, $0xF;
	v21 =	vshll.u32 v21, $0x11  }
0x156: {  	v20 =	vadd.s32 $0xADD083F4, v20;
	v21 =	vor.u32 v22, v21  }
0x157: {  	v21 =	vxor.u32 v20, v21  }
0x158: {  	v22 =	vshrl.u32 v21, $0x3;
	v23 =	vshll.u32 v21, $0x1D  }
0x159: {  	v20 =	vadd.s32 v20, v21;
	v21 =	vor.u32 v22, v23  }
0x15a: {  	v21 =	vxor.u32 v20, v21  }
0x15b: {  	v22 =	vshrl.u32 v21, $0x10;
	v23 =	vshll.u32 v21, $0x10  }
0x15c: {  	v20 =	vadd.s32 v20, v21;
	v21 =	vor.u32 v22, v23  }
0x15d: {  	v21 =	vxor.u32 v20, v21  }
0x15e: {  	v22 =	vshrl.u32 v21, $0x8;
	v23 =	vshll.u32 v21, $0x18  }
0x15f: {  	v20 =	vadd.s32 v20, v21;
	v21 =	vor.u32 v22, v23  }
0x160: {  	v21 =	vxor.u32 v20, v21  }
0x161: {  	v21 =	vadd.s32 $0x3D7B32F, v21  }
0x162: {  	v20 =	vadd.s32 v21, v20;
	v22 =	vshrl.u32 v21, $0x13;
	v21 =	vshll.u32 v21, $0xD  }
0x163: {  	v20 =	vadd.s32 $0xB5D62B03, v20;
	v21 =	vor.u32 v22, v21  }
0x164: {  	v19 =	vxor.u32 v18, v19;
	v21 =	vxor.u32 v20, v21  }
0x165: {  	v25 =	vshll.u32 v19, $0x1D;
	v23 =	vshrl.u32 v21, $0x11;
	v24 =	vshll.u32 v21, $0xF  }
0x166: {  	v22 =	vshrl.u32 v19, $0x3;
	v20 =	vadd.s32 v20, v21;
	v21 =	vor.u32 v23, v24  }
0x167: {  	v18 =	vadd.s32 v18, v19;
	v19 =	vor.u32 v22, v25;
	v21 =	vxor.u32 v20, v21  }
0x168: {  	v19 =	vxor.u32 v18, v19;
	v22 =	vshrl.u32 v21, $0x6;
	v23 =	vshll.u32 v21, $0x1A  }
0x169: {  	v24 =	vshrl.u32 v19, $0x10;
	v20 =	vadd.s32 v20, v21;
	v21 =	vor.u32 v22, v23  }
0x16a: {  	v18 =	vadd.s32 v18, v19;
	v22 =	vshll.u32 v19, $0x10;
	v19 =	vxor.u32 v20, v21  }
0x16b: {  	v21 =	vor.u32 v24, v22;
	v22 =	vshrl.u32 v19, $0x1A;
	v23 =	vshll.u32 v19, $0x6  }
0x16c: {  	v21 =	vxor.u32 v18, v21;
	v19 =	vadd.s32 v20, v19;
	v20 =	vor.u32 v22, v23  }
0x16d: {  	v22 =	vshrl.u32 v21, $0x8;
	v23 =	vshll.u32 v21, $0x18;
	v20 =	vxor.u32 v19, v20  }
0x16e: {  	v18 =	vadd.s32 v18, v21;
	v21 =	vor.u32 v22, v23;
	v20 =	vadd.s32 $0xADD083F7, v20  }
0x16f: {  	v19 =	vadd.s32 v20, v19;
	v22 =	vshrl.u32 v20, $0xF;
	v20 =	vshll.u32 v20, $0x11  }
0x170: {  	v21 =	vxor.u32 v18, v21;
	v19 =	vadd.s32 $0x3D7B32D, v19;
	v20 =	vor.u32 v22, v20  }
0x171: {  	v21 =	vadd.s32 $0xB5D62B07, v21;
	v20 =	vxor.u32 v19, v20  }
0x172: {  	v18 =	vadd.s32 v21, v18;
	v22 =	vshrl.u32 v20, $0x3;
	v23 =	vshll.u32 v20, $0x1D  }
0x173: {  	v24 =	vshrl.u32 v21, $0x13;
	v19 =	vadd.s32 v19, v20;
	v20 =	vor.u32 v22, v23  }
0x174: {  	v21 =	vshll.u32 v21, $0xD;
	v18 =	vadd.s32 $0xADD083F4, v18;
	v20 =	vxor.u32 v19, v20  }
0x175: {  	v21 =	vor.u32 v24, v21;
	v22 =	vshrl.u32 v20, $0x10;
	v23 =	vshll.u32 v20, $0x10  }
0x176: {  	v21 =	vxor.u32 v18, v21;
	v19 =	vadd.s32 v19, v20;
	v20 =	vor.u32 v22, v23  }
0x177: {  	v18 =	vadd.s32 v18, v21;
	v22 =	vshrl.u32 v21, $0x11;
	v20 =	vxor.u32 v19, v20  }
0x178: {  	v23 =	vshll.u32 v21, $0xF;
	v21 =	vshrl.u32 v20, $0x8;
	v24 =	vshll.u32 v20, $0x18  }
0x179: {  	v22 =	vor.u32 v22, v23;
	v19 =	vadd.s32 v19, v20;
	v20 =	vor.u32 v21, v24  }
0x17a: {  	v21 =	vxor.u32 v18, v22;
	v20 =	vxor.u32 v19, v20  }
0x17b: {  	v22 =	vshrl.u32 v21, $0x6;
	v20 =	vadd.s32 $0xB5D62B07, v20  }
0x17c: {  	v19 =	vadd.s32 v20, v19;
	v23 =	vshrl.u32 v20, $0x13;
	v20 =	vshll.u32 v20, $0xD  }
0x17d: {  	v24 =	vshll.u32 v21, $0x1A;
	v19 =	vadd.s32 $0xADD083F4, v19;
	v20 =	vor.u32 v23, v20  }
0x17e: {  	v18 =	vadd.s32 v18, v21;
	v21 =	vor.u32 v22, v24;
	v20 =	vxor.u32 v19, v20  }
0x17f: {  	v21 =	vxor.u32 v18, v21;
	v22 =	vshrl.u32 v20, $0x11;
	v23 =	vshll.u32 v20, $0xF  }
0x180: {  	v24 =	vshrl.u32 v21, $0x1A;
	v19 =	vadd.s32 v19, v20;
	v20 =	vor.u32 v22, v23  }
0x181: {  	v18 =	vadd.s32 v18, v21;
	v22 =	vshll.u32 v21, $0x6;
	v20 =	vxor.u32 v19, v20  }
0x182: {  	v21 =	vor.u32 v24, v22;
	v22 =	vshrl.u32 v20, $0x6;
	v23 =	vshll.u32 v20, $0x1A  }
0x183: {  	s11 =	sadd.s32 $0x40, s11;
	v21 =	vxor.u32 v18, v21;
	v19 =	vadd.s32 v19, v20;
	v20 =	vor.u32 v22, v23  }
0x184: {  	s14 =	sand.u32 $0x70, s12;
	s15 =	sand.u32 $0x1E00, s11;
	v18 =	vadd.s32 $0xB5D62B03, v18;
	v21 =	vadd.s32 $0x3D7B332, v21;
	v20 =	vxor.u32 v19, v20  }
0x185: {  	s14 =	sor.u32 s14, s15;
	v18 =	vxor.u32 v18, v21;
	v21 =	vshrl.u32 v20, $0x1A;
	v22 =	vshll.u32 v20, $0x6  }
0x186: {  	v23 =	vld [tilespmem:s14+$0x80];
	v18 =	vshrl.u32 v18, $0x9;
	v19 =	vadd.s32 v19, v20;
	v20 =	vor.u32 v21, v22  }
0x187: {  	s11 =	sadd.s32 $0x40, s11;
	v18 =	vor.u32 $0x3F800000, v18;
	v20 =	vxor.u32 v19, v20  }
0x188: {  	s29 =	sand.u32 $0x70, s13;
	s11 =	sand.u32 $0x1E00, s11;
	v18 =	vadd.f32 $-1.000000000e+00, v18;
	v19 =	vadd.s32 $0xB5D62B03, v19;
	v20 =	vadd.s32 $0x3D7B332, v20  }
0x189: {  	s11 =	sor.u32 s29, s11;
	v19 =	vxor.u32 v19, v20  }
0x18a: {  	v21 =	vld [tilespmem:s11+$0x80];
	v20 =	vadd.f32 $-1.000000000e+09, v18;
	v19 =	vshrl.u32 v19, $0x9  }
0x18b: {  	vm3 =	vgt.s32 v23, $0x0;
	v19 =	vor.u32 $0x3F800000, v19  }
0x18c: {  	v18 =	vsel vm3, v18, v20;
	v19 =	vadd.f32 $-1.000000000e+00, v19  }
0x18d: {  	v20 =	vor.u32 s12, v0;
	vm3 =	vgt.f32 v18, v15  }
0x18e: {  	s11 =	simm.s32 $0x0;
	v15 =	vsel vm3, v18, v15;
	v16 =	vsel vm3, v20, v16;
	v18 =	vadd.f32 $-1.000000000e+09, v19  }
0x18f: {  	v17 =	vsel vm3, v23, v17;
	vm3 =	vgt.s32 v21, $0x0;
	v20 =	vor.u32 s11, v3  }
0x190: {  	v22 =	vor.u32 s13, v0;
	v18 =	vsel vm3, v19, v18;
	v19 =	vadd.s32 $0xADD083F4, v20  }
0x191: {  	vm3 =	vgt.f32 v18, v15;
	v23 =	vshrl.u32 v19, $0x13;
	v19 =	vshll.u32 v19, $0xD  }
0x192: {  	v15 =	vsel vm3, v18, v15;
	v18 =	vadd.s32 $0xB1A83721, v20;
	v19 =	vor.u32 v23, v19  }
0x193: {  	v16 =	vsel vm3, v22, v16;
	v17 =	vsel vm3, v21, v17;
	v19 =	vxor.u32 v18, v19  }
0x194: {  	v20 =	vperm.xlane v15, v5;
	v21 =	vshrl.u32 v19, $0x11;
	v22 =	vshll.u32 v19, $0xF  }
0x195: {  	v23 =	vperm.xlane v16, v5;
	v18 =	vadd.s32 v18, v19;
	v19 =	vor.u32 v21, v22  }
0x196: {  	vm3 =	vgt.f32 v20, v15;
	vm4 =	veq.f32 v20, v15;
	v19 =	vxor.u32 v18, v19  }
0x197: {  	vm5 =	vlt.s32 v23, v16;
	v21 =	vshrl.u32 v19, $0x6;
	v22 =	vshll.u32 v19, $0x1A  }
0x198: {  	v15 =	vmax.f32 v15, v20;
	v18 =	vadd.s32 v18, v19;
	v19 =	vor.u32 v21, v22  }
0x199: {  	vm4 =	vmand vm4, vm5;
	v24 =	vperm.xlane v15, v6;
	v19 =	vxor.u32 v18, v19  }
0x19a: {  	vm3 =	vmor vm3, vm4;
	v20 =	vshrl.u32 v19, $0x1A;
	v22 =	vshll.u32 v19, $0x6  }
0x19b: {  	v21 =	vperm.xlane v17, v5;
	v18 =	vadd.s32 v18, v19;
	v19 =	vor.u32 v20, v22  }
0x19c: {  	v16 =	vsel vm3, v23, v16;
	vm12 =	vgt.f32 v24, v15;
	v19 =	vxor.u32 v18, v19  }
0x19d: {  	v17 =	vsel vm3, v21, v17;
	v20 =	vperm.xlane v16, v6;
	v19 =	vadd.s32 $0xB5D62B04, v19  }
0x19e: {  	v18 =	vadd.s32 v19, v18;
	v21 =	vshrl.u32 v19, $0xF;
	v19 =	vshll.u32 v19, $0x11  }
0x19f: {  	vm3 =	veq.f32 v24, v15;
	v18 =	vadd.s32 $0xADD083F4, v18;
	v19 =	vor.u32 v21, v19  }
0x1a0: {  	v15 =	vmax.f32 v15, v24;
	vm11 =	vlt.s32 v20, v16;
	v19 =	vxor.u32 v18, v19  }
0x1a1: {  	vm3 =	vmand vm3, vm11;
	v21 =	vshrl.u32 v19, $0x3;
	v22 =	vshll.u32 v19, $0x1D  }
0x1a2: {  	vm3 =	vmor vm12, vm3;
	v18 =	vadd.s32 v18, v19;
	v19 =	vor.u32 v21, v22  }
0x1a3: {  	v24 =	vperm.xlane v17, v6;
	v16 =	vsel vm3, v20, v16;
	v19 =	vxor.u32 v18, v19  }
0x1a4: {  	v20 =	vperm.xlane v15, v7;
	v22 =	vshrl.u32 v19, $0x10;
	v23 =	vshll.u32 v19, $0x10  }
0x1a5: {  	v21 =	vperm.xlane v16, v7;
	v18 =	vadd.s32 v18, v19;
	v19 =	vor.u32 v22, v23  }
0x1a6: {  	vm13 =	veq.f32 v20, v15;
	vm15 =	vgt.f32 v20, v15;
	v19 =	vxor.u32 v18, v19  }
0x1a7: {  	vm14 =	vlt.s32 v21, v16;
	v22 =	vshrl.u32 v19, $0x8;
	v23 =	vshll.u32 v19, $0x18  }
0x1a8: {  	vm4 =	vmand vm13, vm14;
	v18 =	vadd.s32 v18, v19;
	v19 =	vor.u32 v22, v23  }
0x1a9: {  	v22 =	vsel vm3, v24, v17;
	vm3 =	vmor vm15, vm4;
	v17 =	vxor.u32 v18, v19  }
0x1aa: {  	v19 =	vperm.xlane v22, v7;
	v16 =	vsel vm3, v21, v16;
	v17 =	vadd.s32 $0x3D7B32F, v17  }
0x1ab: {  	v18 =	vadd.s32 v17, v18;
	v21 =	vshrl.u32 v17, $0x13;
	v23 =	vshll.u32 v17, $0xD  }
0x1ac: {  	s12 =	simm.s32 $0x10;
	v17 =	vmax.f32 v15, v20;
	v20 =	vadd.s32 $0xB5D62B03, v18;
	v21 =	vor.u32 v21, v23  }
0x1ad: {  	v15 =	vsel vm3, v19, v22;
	v19 =	vxor.u32 v20, v21;
	v21 =	vor.u32 s12, v3  }
0x1ae: {  	v22 =	vshrl.u32 v19, $0x11;
	v23 =	vshll.u32 v19, $0xF;
	v24 =	vadd.s32 $0xADD083F4, v21  }
0x1af: {  	v19 =	vadd.s32 v20, v19;
	v21 =	vadd.s32 $0xB1A83721, v21;
	v20 =	vor.u32 v22, v23  }
0x1b0: {  	v22 =	vshrl.u32 v24, $0x13;
	v23 =	vshll.u32 v24, $0xD;
	v20 =	vxor.u32 v19, v20  }
0x1b1: {  	v22 =	vor.u32 v22, v23;
	v24 =	vshrl.u32 v20, $0x6;
	v25 =	vshll.u32 v20, $0x1A  }
0x1b2: {  	v19 =	vadd.s32 v19, v20;
	v22 =	vxor.u32 v21, v22;
	v23 =	vor.u32 v24, v25  }
0x1b3: {  	v24 =	vshrl.u32 v22, $0x11;
	v27 =	vshll.u32 v22, $0xF;
	v23 =	vxor.u32 v19, v23  }
0x1b4: {  	v21 =	vadd.s32 v21, v22;
	v25 =	vshrl.u32 v23, $0x1A;
	v26 =	vshll.u32 v23, $0x6  }
0x1b5: {  	v22 =	vor.u32 v24, v27;
	v23 =	vadd.s32 v19, v23;
	v19 =	vor.u32 v25, v26  }
0x1b6: {  	v18 =	vperm.xlane v17, v8;
	v22 =	vxor.u32 v21, v22;
	v24 =	vxor.u32 v23, v19  }
0x1b7: {  	v20 =	vperm.xlane v16, v8;
	v21 =	vadd.s32 v21, v22;
	v24 =	vadd.s32 $0xADD083F7, v24  }
0x1b8: {  	v23 =	vadd.s32 v24, v23;
	v25 =	vshrl.u32 v24, $0xF;
	v24 =	vshll.u32 v24, $0x11  }
0x1b9: {  	v19 =	vperm.xlane v15, v8;
	v23 =	vadd.s32 $0x3D7B32D, v23;
	v24 =	vor.u32 v25, v24  }
0x1ba: {  	v25 =	vshrl.u32 v22, $0x6;
	v22 =	vshll.u32 v22, $0x1A;
	v24 =	vxor.u32 v23, v24  }
0x1bb: {  	v22 =	vor.u32 v25, v22;
	v25 =	vshrl.u32 v24, $0x3;
	v26 =	vshll.u32 v24, $0x1D  }
0x1bc: {  	v22 =	vxor.u32 v21, v22;
	v23 =	vadd.s32 v23, v24;
	v24 =	vor.u32 v25, v26  }
0x1bd: {  	v21 =	vadd.s32 v21, v22;
	v25 =	vshrl.u32 v22, $0x1A;
	v24 =	vxor.u32 v23, v24  }
0x1be: {  	v22 =	vshll.u32 v22, $0x6;
	v26 =	vshrl.u32 v24, $0x10;
	v27 =	vshll.u32 v24, $0x10  }
0x1bf: {  	v22 =	vor.u32 v25, v22;
	v23 =	vadd.s32 v23, v24;
	v24 =	vor.u32 v26, v27  }
0x1c0: {  	v25 =	vimm.f32 $-Inf;
	v22 =	vxor.u32 v21, v22;
	v24 =	vxor.u32 v23, v24  }
0x1c1: {  	v22 =	vadd.s32 $0xB5D62B04, v22;
	v26 =	vshrl.u32 v24, $0x8;
	v27 =	vshll.u32 v24, $0x18  }
0x1c2: {  	v21 =	vadd.s32 v22, v21;
	v23 =	vadd.s32 v23, v24;
	v24 =	vor.u32 v26, v27  }
0x1c3: {  	v26 =	vshrl.u32 v22, $0xF;
	v22 =	vshll.u32 v22, $0x11;
	v24 =	vxor.u32 v23, v24  }
0x1c4: {  	v21 =	vadd.s32 $0xADD083F4, v21;
	v22 =	vor.u32 v26, v22;
	v24 =	vadd.s32 $0xB5D62B07, v24  }
0x1c5: {  	v23 =	vadd.s32 v24, v23;
	v26 =	vshrl.u32 v24, $0x13;
	v24 =	vshll.u32 v24, $0xD  }
0x1c6: {  	v22 =	vxor.u32 v21, v22;
	v23 =	vadd.s32 $0xADD083F4, v23;
	v24 =	vor.u32 v26, v24  }
0x1c7: {  	v21 =	vadd.s32 v21, v22;
	v26 =	vshrl.u32 v22, $0x3;
	v24 =	vxor.u32 v23, v24  }
0x1c8: {  	v22 =	vshll.u32 v22, $0x1D;
	v27 =	vshrl.u32 v24, $0x11;
	v28 =	vshll.u32 v24, $0xF  }
0x1c9: {  	v22 =	vor.u32 v26, v22;
	v23 =	vadd.s32 v23, v24;
	v24 =	vor.u32 v27, v28  }
0x1ca: {  	v26 =	vimm.s32 $0x0;
	v22 =	vxor.u32 v21, v22;
	v24 =	vxor.u32 v23, v24  }
0x1cb: {  	v27 =	vshrl.u32 v22, $0x10;
	v28 =	vshrl.u32 v24, $0x6;
	v29 =	vshll.u32 v24, $0x1A  }
0x1cc: {  	v30 =	vshll.u32 v22, $0x10;
	v23 =	vadd.s32 v23, v24;
	v24 =	vor.u32 v28, v29  }
0x1cd: {  	v21 =	vadd.s32 v21, v22;
	v22 =	vor.u32 v27, v30;
	v24 =	vxor.u32 v23, v24  }
0x1ce: {  	v22 =	vxor.u32 v21, v22;
	v27 =	vshrl.u32 v24, $0x1A;
	v28 =	vshll.u32 v24, $0x6  }
0x1cf: {  	v21 =	vadd.s32 v21, v22;
	v23 =	vadd.s32 v23, v24;
	v24 =	vor.u32 v27, v28  }
0x1d0: {  	v27 =	vshrl.u32 v22, $0x8;
	v22 =	vshll.u32 v22, $0x18;
	v24 =	vxor.u32 v23, v24  }
0x1d1: {  	s30 =	sand.u32 $0x70, s11;
	s31 =	sand.u32 $0x1E00, s11;
	v22 =	vor.u32 v27, v22;
	v23 =	vadd.s32 $0xB5D62B03, v23;
	v24 =	vadd.s32 $0x3D7B332, v24  }
0x1d2: {  	s13 =	simm.s32 $0x20;
	s14 =	sor.u32 s30, s31;
	v27 =	vor.u32 s11, v0;
	v22 =	vxor.u32 v21, v22;
	v23 =	vxor.u32 v23, v24  }
0x1d3: {  	v28 =	vld [tilespmem:s14+$0x100];
	v24 =	vor.u32 s13, v3;
	v22 =	vadd.s32 $0x3D7B32F, v22;
	v23 =	vshrl.u32 v23, $0x9  }
0x1d4: {  	v29 =	vadd.s32 $0xB1A83721, v24;
	v21 =	vadd.s32 v22, v21;
	v23 =	vor.u32 $0x3F800000, v23  }
0x1d5: {  	v56 =	vshrl.u32 v22, $0x13;
	v22 =	vshll.u32 v22, $0xD;
	v23 =	vadd.f32 $-1.000000000e+00, v23  }
0x1d6: {  	v24 =	vadd.s32 $0xADD083F4, v24;
	v21 =	vadd.s32 $0xB5D62B03, v21;
	v22 =	vor.u32 v56, v22  }
0x1d7: {  	v57 =	vshrl.u32 v24, $0x13;
	v22 =	vxor.u32 v21, v22;
	v31 =	vadd.f32 $-1.000000000e+09, v23  }
0x1d8: {  	vm3 =	vgt.s32 v28, $0x0;
	v32 =	vshrl.u32 v22, $0x11;
	v33 =	vshll.u32 v22, $0xF  }
0x1d9: {  	v22 =	vadd.s32 v21, v22;
	v21 =	vor.u32 v32, v33;
	v23 =	vsel vm3, v23, v31  }
0x1da: {  	v24 =	vshll.u32 v24, $0xD;
	v58 =	vxor.u32 v22, v21;
	vm3 =	vgt.f32 v23, v25  }
0x1db: {  	v59 =	vshrl.u32 v58, $0x6;
	v60 =	vshll.u32 v58, $0x1A;
	v21 =	vsel vm3, v23, v25  }
0x1dc: {  	v23 =	vor.u32 v57, v24;
	v24 =	vadd.s32 v22, v58;
	v22 =	vor.u32 v59, v60  }
0x1dd: {  	v23 =	vxor.u32 v29, v23;
	v25 =	vxor.u32 v24, v22;
	v22 =	vsel vm3, v27, v26  }
0x1de: {  	v27 =	vshrl.u32 v23, $0x11;
	v61 =	vshrl.u32 v25, $0x1A;
	v62 =	vshll.u32 v25, $0x6  }
0x1df: {  	v63 =	vshll.u32 v23, $0xF;
	v24 =	vadd.s32 v24, v25;
	v25 =	vor.u32 v61, v62  }
0x1e0: {  	v29 =	vadd.s32 v29, v23;
	v23 =	vor.u32 v27, v63;
	v25 =	vxor.u32 v24, v25  }
0x1e1: {  	v27 =	vxor.u32 v29, v23;
	v23 =	vsel vm3, v28, v26;
	v25 =	vadd.s32 $0xADD083F7, v25  }
0x1e2: {  	v24 =	vadd.s32 v25, v24;
	v28 =	vshrl.u32 v25, $0xF;
	v25 =	vshll.u32 v25, $0x11  }
0x1e3: {  	s14 =	simm.s32 $0x30;
	v26 =	vadd.s32 v29, v27;
	v24 =	vadd.s32 $0x3D7B32D, v24;
	v25 =	vor.u32 v28, v25  }
.LBB2_6:
0x1e4: {  	p0 =	sne.s32 s14, $0x7F0;
	v28 =	vshrl.u32 v27, $0x6;
	v27 =	vshll.u32 v27, $0x1A;
	v25 =	vxor.u32 v24, v25  }
0x1e5: {  	v27 =	vor.u32 v28, v27;
	v28 =	vshrl.u32 v25, $0x3;
	v29 =	vshll.u32 v25, $0x1D  }
0x1e6: {  	v24 =	vadd.s32 v24, v25;
	v27 =	vxor.u32 v26, v27;
	v25 =	vor.u32 v28, v29  }
0x1e7: {  	v26 =	vadd.s32 v26, v27;
	v28 =	vshrl.u32 v27, $0x1A;
	v25 =	vxor.u32 v24, v25  }
0x1e8: {  	v27 =	vshll.u32 v27, $0x6;
	v29 =	vshrl.u32 v25, $0x10;
	v30 =	vshll.u32 v25, $0x10  }
0x1e9: {  	v27 =	vor.u32 v28, v27;
	v24 =	vadd.s32 v24, v25;
	v25 =	vor.u32 v29, v30  }
0x1ea: {  	v27 =	vxor.u32 v26, v27;
	v25 =	vxor.u32 v24, v25  }
0x1eb: {  	v27 =	vadd.s32 $0xB5D62B04, v27;
	v28 =	vshrl.u32 v25, $0x8;
	v29 =	vshll.u32 v25, $0x18  }
0x1ec: {  	v26 =	vadd.s32 v27, v26;
	v24 =	vadd.s32 v24, v25;
	v25 =	vor.u32 v28, v29  }
0x1ed: {  	v28 =	vshrl.u32 v27, $0xF;
	v27 =	vshll.u32 v27, $0x11;
	v25 =	vxor.u32 v24, v25  }
0x1ee: {  	v26 =	vadd.s32 $0xADD083F4, v26;
	v27 =	vor.u32 v28, v27;
	v25 =	vadd.s32 $0xB5D62B07, v25  }
0x1ef: {  	v24 =	vadd.s32 v25, v24;
	v28 =	vshrl.u32 v25, $0x13;
	v25 =	vshll.u32 v25, $0xD  }
0x1f0: {  	v27 =	vxor.u32 v26, v27;
	v24 =	vadd.s32 $0xADD083F4, v24;
	v25 =	vor.u32 v28, v25  }
0x1f1: {  	v26 =	vadd.s32 v26, v27;
	v28 =	vshrl.u32 v27, $0x3;
	v25 =	vxor.u32 v24, v25  }
0x1f2: {  	v27 =	vshll.u32 v27, $0x1D;
	v29 =	vshrl.u32 v25, $0x11;
	v30 =	vshll.u32 v25, $0xF  }
0x1f3: {  	v27 =	vor.u32 v28, v27;
	v24 =	vadd.s32 v24, v25;
	v25 =	vor.u32 v29, v30  }
0x1f4: {  	v27 =	vxor.u32 v26, v27;
	v25 =	vxor.u32 v24, v25  }
0x1f5: {  	v28 =	vshrl.u32 v27, $0x10;
	v29 =	vshrl.u32 v25, $0x6;
	v30 =	vshll.u32 v25, $0x1A  }
0x1f6: {  	v31 =	vshll.u32 v27, $0x10;
	v24 =	vadd.s32 v24, v25;
	v25 =	vor.u32 v29, v30  }
0x1f7: {  	v26 =	vadd.s32 v26, v27;
	v27 =	vor.u32 v28, v31;
	v25 =	vxor.u32 v24, v25  }
0x1f8: {  	v27 =	vxor.u32 v26, v27;
	v28 =	vshrl.u32 v25, $0x1A;
	v29 =	vshll.u32 v25, $0x6  }
0x1f9: {  	v26 =	vadd.s32 v26, v27;
	v24 =	vadd.s32 v24, v25;
	v25 =	vor.u32 v28, v29  }
0x1fa: {  	s11 =	sadd.s32 $0x40, s11;
	v28 =	vshrl.u32 v27, $0x8;
	v27 =	vshll.u32 v27, $0x18;
	v25 =	vxor.u32 v24, v25  }
0x1fb: {  	s15 =	sand.u32 $0x70, s12;
	s16 =	sand.u32 $0x1E00, s11;
	v27 =	vor.u32 v28, v27;
	v24 =	vadd.s32 $0xB5D62B03, v24;
	v25 =	vadd.s32 $0x3D7B332, v25  }
0x1fc: {  	s15 =	sor.u32 s15, s16;
	v28 =	vor.u32 s12, v0;
	s12 =	smov.u32 s13;
	s13 =	smov.u32 s14;
	v27 =	vxor.u32 v26, v27;
	v24 =	vxor.u32 v24, v25  }
0x1fd: {  	v25 =	vor.u32 s14, v3;
	v27 =	vadd.s32 $0x3D7B32F, v27;
	v29 =	vld [tilespmem:s15+$0x100];
	v24 =	vshrl.u32 v24, $0x9  }
0x1fe: {  	v30 =	vadd.s32 $0xB1A83721, v25;
	v26 =	vadd.s32 v27, v26;
	v24 =	vor.u32 $0x3F800000, v24  }
0x1ff: {  	v31 =	vshrl.u32 v27, $0x13;
	v27 =	vshll.u32 v27, $0xD;
	v24 =	vadd.f32 $-1.000000000e+00, v24  }
0x200: {  	v25 =	vadd.s32 $0xADD083F4, v25;
	v26 =	vadd.s32 $0xB5D62B03, v26;
	v27 =	vor.u32 v31, v27  }
0x201: {  	v31 =	vshrl.u32 v25, $0x13;
	v27 =	vxor.u32 v26, v27;
	v32 =	vadd.f32 $-1.000000000e+09, v24  }
0x202: {  	v33 =	vshrl.u32 v27, $0x11;
	v34 =	vshll.u32 v27, $0xF;
	vm3 =	vgt.s32 v29, $0x0  }
0x203: {  	v26 =	vadd.s32 v26, v27;
	v27 =	vor.u32 v33, v34;
	v24 =	vsel vm3, v24, v32  }
0x204: {  	v25 =	vshll.u32 v25, $0xD;
	v27 =	vxor.u32 v26, v27;
	vm3 =	vgt.f32 v24, v21  }
0x205: {  	v32 =	vshrl.u32 v27, $0x6;
	v33 =	vshll.u32 v27, $0x1A;
	v21 =	vsel vm3, v24, v21  }
0x206: {  	v24 =	vor.u32 v31, v25;
	v25 =	vadd.s32 v26, v27;
	v26 =	vor.u32 v32, v33  }
0x207: {  	v22 =	vsel vm3, v28, v22;
	v24 =	vxor.u32 v30, v24;
	v26 =	vxor.u32 v25, v26  }
0x208: {  	v27 =	vshrl.u32 v24, $0x11;
	v28 =	vshrl.u32 v26, $0x1A;
	v31 =	vshll.u32 v26, $0x6  }
.Ltmp2:
0x209: {  	v32 =	vshll.u32 v24, $0xF;
	v25 =	vadd.s32 v25, v26;
	v26 =	vor.u32 v28, v31;
	(pc) =	sbr.rel @p0 .LBB2_6-.Ltmp2, $4  }
0x20a: {  	v24 =	vadd.s32 v30, v24;
	v27 =	vor.u32 v27, v32;
	v26 =	vxor.u32 v25, v26  }
0x20b: {  	v23 =	vsel vm3, v29, v23;
	v27 =	vxor.u32 v24, v27;
	v26 =	vadd.s32 $0xADD083F7, v26  }
0x20c: {  	v25 =	vadd.s32 v26, v25;
	v28 =	vshrl.u32 v26, $0xF;
	v29 =	vshll.u32 v26, $0x11  }
0x20d: {  	s14 =	sadd.s32 $0x10, s14;
	v26 =	vadd.s32 v24, v27;
	v24 =	vadd.s32 $0x3D7B32D, v25;
	v25 =	vor.u32 v28, v29  }
0x20e: {  	v28 =	vshrl.u32 v27, $0x6;
	v27 =	vshll.u32 v27, $0x1A  }
0x20f: {  	v27 =	vor.u32 v28, v27  }
0x210: {  	v27 =	vxor.u32 v26, v27  }
0x211: {  	v28 =	vshrl.u32 v27, $0x1A;
	v29 =	vshll.u32 v27, $0x6  }
0x212: {  	v26 =	vadd.s32 v26, v27;
	v27 =	vor.u32 v28, v29  }
0x213: {  	v27 =	vxor.u32 v26, v27  }
0x214: {  	v27 =	vadd.s32 $0xB5D62B04, v27  }
0x215: {  	v26 =	vadd.s32 v27, v26;
	v28 =	vshrl.u32 v27, $0xF;
	v27 =	vshll.u32 v27, $0x11  }
0x216: {  	v26 =	vadd.s32 $0xADD083F4, v26;
	v27 =	vor.u32 v28, v27  }
0x217: {  	v27 =	vxor.u32 v26, v27  }
0x218: {  	v28 =	vshrl.u32 v27, $0x3;
	v29 =	vshll.u32 v27, $0x1D  }
0x219: {  	v26 =	vadd.s32 v26, v27;
	v27 =	vor.u32 v28, v29  }
0x21a: {  	v27 =	vxor.u32 v26, v27  }
0x21b: {  	v28 =	vshrl.u32 v27, $0x10;
	v29 =	vshll.u32 v27, $0x10  }
0x21c: {  	v26 =	vadd.s32 v26, v27;
	v27 =	vor.u32 v28, v29  }
0x21d: {  	v27 =	vxor.u32 v26, v27  }
0x21e: {  	v28 =	vshrl.u32 v27, $0x8;
	v29 =	vshll.u32 v27, $0x18  }
0x21f: {  	v26 =	vadd.s32 v26, v27;
	v27 =	vor.u32 v28, v29  }
0x220: {  	v27 =	vxor.u32 v26, v27  }
0x221: {  	v27 =	vadd.s32 $0x3D7B32F, v27  }
0x222: {  	v26 =	vadd.s32 v27, v26;
	v28 =	vshrl.u32 v27, $0x13;
	v27 =	vshll.u32 v27, $0xD  }
0x223: {  	v26 =	vadd.s32 $0xB5D62B03, v26;
	v27 =	vor.u32 v28, v27  }
0x224: {  	v25 =	vxor.u32 v24, v25;
	v27 =	vxor.u32 v26, v27  }
0x225: {  	v31 =	vshll.u32 v25, $0x1D;
	v29 =	vshrl.u32 v27, $0x11;
	v30 =	vshll.u32 v27, $0xF  }
0x226: {  	v28 =	vshrl.u32 v25, $0x3;
	v26 =	vadd.s32 v26, v27;
	v27 =	vor.u32 v29, v30  }
0x227: {  	v24 =	vadd.s32 v24, v25;
	v25 =	vor.u32 v28, v31;
	v27 =	vxor.u32 v26, v27  }
0x228: {  	v25 =	vxor.u32 v24, v25;
	v28 =	vshrl.u32 v27, $0x6;
	v29 =	vshll.u32 v27, $0x1A  }
0x229: {  	v30 =	vshrl.u32 v25, $0x10;
	v26 =	vadd.s32 v26, v27;
	v27 =	vor.u32 v28, v29  }
0x22a: {  	v24 =	vadd.s32 v24, v25;
	v28 =	vshll.u32 v25, $0x10;
	v25 =	vxor.u32 v26, v27  }
0x22b: {  	v27 =	vor.u32 v30, v28;
	v28 =	vshrl.u32 v25, $0x1A;
	v29 =	vshll.u32 v25, $0x6  }
0x22c: {  	v27 =	vxor.u32 v24, v27;
	v25 =	vadd.s32 v26, v25;
	v26 =	vor.u32 v28, v29  }
0x22d: {  	v28 =	vshrl.u32 v27, $0x8;
	v29 =	vshll.u32 v27, $0x18;
	v26 =	vxor.u32 v25, v26  }
0x22e: {  	v24 =	vadd.s32 v24, v27;
	v27 =	vor.u32 v28, v29;
	v26 =	vadd.s32 $0xADD083F7, v26  }
0x22f: {  	v25 =	vadd.s32 v26, v25;
	v28 =	vshrl.u32 v26, $0xF;
	v26 =	vshll.u32 v26, $0x11  }
0x230: {  	v27 =	vxor.u32 v24, v27;
	v25 =	vadd.s32 $0x3D7B32D, v25;
	v26 =	vor.u32 v28, v26  }
0x231: {  	v27 =	vadd.s32 $0xB5D62B07, v27;
	v26 =	vxor.u32 v25, v26  }
0x232: {  	v24 =	vadd.s32 v27, v24;
	v28 =	vshrl.u32 v26, $0x3;
	v29 =	vshll.u32 v26, $0x1D  }
0x233: {  	v30 =	vshrl.u32 v27, $0x13;
	v25 =	vadd.s32 v25, v26;
	v26 =	vor.u32 v28, v29  }
0x234: {  	v27 =	vshll.u32 v27, $0xD;
	v24 =	vadd.s32 $0xADD083F4, v24;
	v26 =	vxor.u32 v25, v26  }
0x235: {  	v27 =	vor.u32 v30, v27;
	v28 =	vshrl.u32 v26, $0x10;
	v29 =	vshll.u32 v26, $0x10  }
0x236: {  	v27 =	vxor.u32 v24, v27;
	v25 =	vadd.s32 v25, v26;
	v26 =	vor.u32 v28, v29  }
0x237: {  	v24 =	vadd.s32 v24, v27;
	v28 =	vshrl.u32 v27, $0x11;
	v26 =	vxor.u32 v25, v26  }
0x238: {  	v29 =	vshll.u32 v27, $0xF;
	v27 =	vshrl.u32 v26, $0x8;
	v30 =	vshll.u32 v26, $0x18  }
0x239: {  	v28 =	vor.u32 v28, v29;
	v25 =	vadd.s32 v25, v26;
	v26 =	vor.u32 v27, v30  }
0x23a: {  	v27 =	vxor.u32 v24, v28;
	v26 =	vxor.u32 v25, v26  }
0x23b: {  	v28 =	vshrl.u32 v27, $0x6;
	v26 =	vadd.s32 $0xB5D62B07, v26  }
0x23c: {  	v25 =	vadd.s32 v26, v25;
	v29 =	vshrl.u32 v26, $0x13;
	v26 =	vshll.u32 v26, $0xD  }
0x23d: {  	v30 =	vshll.u32 v27, $0x1A;
	v25 =	vadd.s32 $0xADD083F4, v25;
	v26 =	vor.u32 v29, v26  }
0x23e: {  	v24 =	vadd.s32 v24, v27;
	v27 =	vor.u32 v28, v30;
	v26 =	vxor.u32 v25, v26  }
0x23f: {  	v27 =	vxor.u32 v24, v27;
	v28 =	vshrl.u32 v26, $0x11;
	v29 =	vshll.u32 v26, $0xF  }
0x240: {  	v30 =	vshrl.u32 v27, $0x1A;
	v25 =	vadd.s32 v25, v26;
	v26 =	vor.u32 v28, v29  }
0x241: {  	v24 =	vadd.s32 v24, v27;
	v28 =	vshll.u32 v27, $0x6;
	v26 =	vxor.u32 v25, v26  }
0x242: {  	v27 =	vor.u32 v30, v28;
	v28 =	vshrl.u32 v26, $0x6;
	v29 =	vshll.u32 v26, $0x1A  }
0x243: {  	s11 =	sadd.s32 $0x40, s11;
	v27 =	vxor.u32 v24, v27;
	v25 =	vadd.s32 v25, v26;
	v26 =	vor.u32 v28, v29  }
0x244: {  	s14 =	sand.u32 $0x70, s12;
	s15 =	sand.u32 $0x1E00, s11;
	v24 =	vadd.s32 $0xB5D62B03, v24;
	v27 =	vadd.s32 $0x3D7B332, v27;
	v26 =	vxor.u32 v25, v26  }
0x245: {  	s14 =	sor.u32 s14, s15;
	v24 =	vxor.u32 v24, v27;
	v27 =	vshrl.u32 v26, $0x1A;
	v28 =	vshll.u32 v26, $0x6  }
0x246: {  	v29 =	vld [tilespmem:s14+$0x100];
	v24 =	vshrl.u32 v24, $0x9;
	v25 =	vadd.s32 v25, v26;
	v26 =	vor.u32 v27, v28  }
0x247: {  	s11 =	sadd.s32 $0x40, s11;
	v24 =	vor.u32 $0x3F800000, v24;
	v26 =	vxor.u32 v25, v26  }
0x248: {  	s29 =	sand.u32 $0x70, s13;
	s11 =	sand.u32 $0x1E00, s11;
	v24 =	vadd.f32 $-1.000000000e+00, v24;
	v25 =	vadd.s32 $0xB5D62B03, v25;
	v26 =	vadd.s32 $0x3D7B332, v26  }
0x249: {  	s11 =	sor.u32 s29, s11;
	v25 =	vxor.u32 v25, v26  }
0x24a: {  	v27 =	vld [tilespmem:s11+$0x100];
	v26 =	vadd.f32 $-1.000000000e+09, v24;
	v25 =	vshrl.u32 v25, $0x9  }
0x24b: {  	vm3 =	vgt.s32 v29, $0x0;
	v25 =	vor.u32 $0x3F800000, v25  }
0x24c: {  	v24 =	vsel vm3, v24, v26;
	v25 =	vadd.f32 $-1.000000000e+00, v25  }
0x24d: {  	v26 =	vor.u32 s12, v0;
	vm3 =	vgt.f32 v24, v21  }
0x24e: {  	s11 =	simm.s32 $0x0;
	v21 =	vsel vm3, v24, v21;
	v22 =	vsel vm3, v26, v22;
	v24 =	vadd.f32 $-1.000000000e+09, v25  }
0x24f: {  	v23 =	vsel vm3, v29, v23;
	vm3 =	vgt.s32 v27, $0x0;
	v26 =	vor.u32 s11, v4  }
0x250: {  	v28 =	vor.u32 s13, v0;
	v24 =	vsel vm3, v25, v24;
	v25 =	vadd.s32 $0xADD083F4, v26  }
0x251: {  	vm3 =	vgt.f32 v24, v21;
	v29 =	vshrl.u32 v25, $0x13;
	v25 =	vshll.u32 v25, $0xD  }
0x252: {  	v21 =	vsel vm3, v24, v21;
	v24 =	vadd.s32 $0xB1A83721, v26;
	v25 =	vor.u32 v29, v25  }
0x253: {  	v22 =	vsel vm3, v28, v22;
	v23 =	vsel vm3, v27, v23;
	v25 =	vxor.u32 v24, v25  }
0x254: {  	v26 =	vperm.xlane v21, v5;
	v27 =	vshrl.u32 v25, $0x11;
	v28 =	vshll.u32 v25, $0xF  }
0x255: {  	v29 =	vperm.xlane v22, v5;
	v24 =	vadd.s32 v24, v25;
	v25 =	vor.u32 v27, v28  }
0x256: {  	vm3 =	vgt.f32 v26, v21;
	vm4 =	veq.f32 v26, v21;
	v25 =	vxor.u32 v24, v25  }
0x257: {  	vm5 =	vlt.s32 v29, v22;
	v27 =	vshrl.u32 v25, $0x6;
	v28 =	vshll.u32 v25, $0x1A  }
0x258: {  	v21 =	vmax.f32 v21, v26;
	v24 =	vadd.s32 v24, v25;
	v25 =	vor.u32 v27, v28  }
0x259: {  	vm4 =	vmand vm4, vm5;
	v30 =	vperm.xlane v21, v6;
	v25 =	vxor.u32 v24, v25  }
0x25a: {  	vm3 =	vmor vm3, vm4;
	v26 =	vshrl.u32 v25, $0x1A;
	v28 =	vshll.u32 v25, $0x6  }
0x25b: {  	v27 =	vperm.xlane v23, v5;
	v24 =	vadd.s32 v24, v25;
	v25 =	vor.u32 v26, v28  }
0x25c: {  	v22 =	vsel vm3, v29, v22;
	vm12 =	vgt.f32 v30, v21;
	v25 =	vxor.u32 v24, v25  }
0x25d: {  	v23 =	vsel vm3, v27, v23;
	v26 =	vperm.xlane v22, v6;
	v25 =	vadd.s32 $0xB5D62B04, v25  }
0x25e: {  	v24 =	vadd.s32 v25, v24;
	v27 =	vshrl.u32 v25, $0xF;
	v25 =	vshll.u32 v25, $0x11  }
0x25f: {  	vm3 =	veq.f32 v30, v21;
	v24 =	vadd.s32 $0xADD083F4, v24;
	v25 =	vor.u32 v27, v25  }
0x260: {  	v21 =	vmax.f32 v21, v30;
	vm11 =	vlt.s32 v26, v22;
	v25 =	vxor.u32 v24, v25  }
0x261: {  	vm3 =	vmand vm3, vm11;
	v27 =	vshrl.u32 v25, $0x3;
	v28 =	vshll.u32 v25, $0x1D  }
0x262: {  	vm3 =	vmor vm12, vm3;
	v24 =	vadd.s32 v24, v25;
	v25 =	vor.u32 v27, v28  }
0x263: {  	v30 =	vperm.xlane v23, v6;
	v22 =	vsel vm3, v26, v22;
	v25 =	vxor.u32 v24, v25  }
0x264: {  	v26 =	vperm.xlane v21, v7;
	v28 =	vshrl.u32 v25, $0x10;
	v29 =	vshll.u32 v25, $0x10  }
0x265: {  	v27 =	vperm.xlane v22, v7;
	v24 =	vadd.s32 v24, v25;
	v25 =	vor.u32 v28, v29  }
0x266: {  	vm13 =	veq.f32 v26, v21;
	vm15 =	vgt.f32 v26, v21;
	v25 =	vxor.u32 v24, v25  }
0x267: {  	vm14 =	vlt.s32 v27, v22;
	v28 =	vshrl.u32 v25, $0x8;
	v29 =	vshll.u32 v25, $0x18  }
0x268: {  	vm4 =	vmand vm13, vm14;
	v25 =	vadd.s32 v24, v25;
	v24 =	vor.u32 v28, v29  }
0x269: {  	v23 =	vsel vm3, v30, v23;
	vm3 =	vmor vm15, vm4;
	v28 =	vxor.u32 v25, v24  }
0x26a: {  	v29 =	vperm.xlane v23, v7;
	v24 =	vsel vm3, v27, v22;
	v22 =	vadd.s32 $0x3D7B32F, v28  }
0x26b: {  	v25 =	vadd.s32 v22, v25;
	v27 =	vshrl.u32 v22, $0x13;
	v28 =	vshll.u32 v22, $0xD  }
0x26c: {  	v22 =	vmax.f32 v21, v26;
	v25 =	vadd.s32 $0xB5D62B03, v25;
	v26 =	vor.u32 v27, v28  }
0x26d: {  	s12 =	simm.s32 $0x10;
	v21 =	vsel vm3, v29, v23;
	v26 =	vxor.u32 v25, v26  }
0x26e: {  	v27 =	vor.u32 s12, v4;
	v28 =	vshrl.u32 v26, $0x11;
	v29 =	vshll.u32 v26, $0xF  }
0x26f: {  	v30 =	vadd.s32 $0xADD083F4, v27;
	v25 =	vadd.s32 v25, v26;
	v26 =	vor.u32 v28, v29  }
0x270: {  	v27 =	vadd.s32 $0xB1A83721, v27;
	v28 =	vshrl.u32 v30, $0x13;
	v26 =	vxor.u32 v25, v26  }
0x271: {  	v29 =	vshll.u32 v30, $0xD;
	v30 =	vshrl.u32 v26, $0x6;
	v31 =	vshll.u32 v26, $0x1A  }
0x272: {  	v28 =	vor.u32 v28, v29;
	v25 =	vadd.s32 v25, v26;
	v29 =	vor.u32 v30, v31  }
0x273: {  	v28 =	vxor.u32 v27, v28;
	v29 =	vxor.u32 v25, v29  }
0x274: {  	v30 =	vshrl.u32 v28, $0x11;
	v31 =	vshrl.u32 v29, $0x1A;
	v32 =	vshll.u32 v29, $0x6  }
0x275: {  	v33 =	vshll.u32 v28, $0xF;
	v29 =	vadd.s32 v25, v29;
	v25 =	vor.u32 v31, v32  }
0x276: {  	v27 =	vadd.s32 v27, v28;
	v28 =	vor.u32 v30, v33;
	v30 =	vxor.u32 v29, v25  }
0x277: {  	v28 =	vxor.u32 v27, v28;
	v30 =	vadd.s32 $0xADD083F7, v30  }
0x278: {  	v27 =	vadd.s32 v27, v28;
	v29 =	vadd.s32 v30, v29  }
0x279: {  	v31 =	vshrl.u32 v30, $0xF;
	v30 =	vshll.u32 v30, $0x11;
	v29 =	vadd.s32 $0x3D7B32D, v29  }
0x27a: {  	v30 =	vor.u32 v31, v30;
	v31 =	vshrl.u32 v28, $0x6;
	v28 =	vshll.u32 v28, $0x1A  }
0x27b: {  	v30 =	vxor.u32 v29, v30;
	v28 =	vor.u32 v31, v28  }
0x27c: {  	v31 =	vshrl.u32 v30, $0x3;
	v36 =	vshll.u32 v30, $0x1D;
	v28 =	vxor.u32 v27, v28  }
0x27d: {  	v29 =	vadd.s32 v29, v30;
	v30 =	vor.u32 v31, v36;
	v27 =	vadd.s32 v27, v28  }
0x27e: {  	v31 =	vshrl.u32 v28, $0x1A;
	v28 =	vshll.u32 v28, $0x6;
	v30 =	vxor.u32 v29, v30  }
0x27f: {  	v28 =	vor.u32 v31, v28;
	v37 =	vshrl.u32 v30, $0x10;
	v38 =	vshll.u32 v30, $0x10  }
0x280: {  	v29 =	vadd.s32 v29, v30;
	v28 =	vxor.u32 v27, v28;
	v30 =	vor.u32 v37, v38  }
0x281: {  	v28 =	vadd.s32 $0xB5D62B04, v28;
	v30 =	vxor.u32 v29, v30  }
0x282: {  	v27 =	vadd.s32 v28, v27;
	v41 =	vshrl.u32 v28, $0xF;
	v28 =	vshll.u32 v28, $0x11  }
0x283: {  	v39 =	vshrl.u32 v30, $0x8;
	v40 =	vshll.u32 v30, $0x18;
	v29 =	vadd.s32 v29, v30  }
0x284: {  	v27 =	vadd.s32 $0xADD083F4, v27;
	v28 =	vor.u32 v41, v28;
	v30 =	vor.u32 v39, v40  }
0x285: {  	v45 =	vimm.s32 $0x0;
	v28 =	vxor.u32 v27, v28;
	v30 =	vxor.u32 v29, v30  }
0x286: {  	v27 =	vadd.s32 v27, v28;
	v43 =	vshrl.u32 v28, $0x3;
	v30 =	vadd.s32 $0xB5D62B07, v30  }
0x287: {  	v29 =	vadd.s32 v30, v29;
	v42 =	vshrl.u32 v30, $0x13;
	v30 =	vshll.u32 v30, $0xD  }
0x288: {  	v28 =	vshll.u32 v28, $0x1D;
	v29 =	vadd.s32 $0xADD083F4, v29;
	v30 =	vor.u32 v42, v30  }
0x289: {  	v51 =	vor.u32 s11, v0;
	v28 =	vor.u32 v43, v28;
	v30 =	vxor.u32 v29, v30  }
0x28a: {  	v28 =	vxor.u32 v27, v28;
	v44 =	vshrl.u32 v30, $0x11;
	v34 =	vshll.u32 v30, $0xF  }
0x28b: {  	s30 =	sand.u32 $0x70, s11;
	s31 =	sand.u32 $0x1E00, s11;
	v46 =	vshrl.u32 v28, $0x10;
	v29 =	vadd.s32 v29, v30;
	v30 =	vor.u32 v44, v34  }
0x28c: {  	s14 =	sor.u32 s30, s31;
	v36 =	vshll.u32 v28, $0x10;
	v27 =	vadd.s32 v27, v28;
	v30 =	vxor.u32 v29, v30  }
0x28d: {  	v52 =	vld [tilespmem:s14+$0x180];
	v28 =	vor.u32 v46, v36;
	v47 =	vshrl.u32 v30, $0x6;
	v35 =	vshll.u32 v30, $0x1A  }
0x28e: {  	v28 =	vxor.u32 v27, v28;
	v29 =	vadd.s32 v29, v30;
	v30 =	vor.u32 v47, v35  }
0x28f: {  	v27 =	vadd.s32 v27, v28;
	v50 =	vshrl.u32 v28, $0x8;
	v30 =	vxor.u32 v29, v30  }
0x290: {  	v28 =	vshll.u32 v28, $0x18;
	v48 =	vshrl.u32 v30, $0x1A;
	v49 =	vshll.u32 v30, $0x6  }
0x291: {  	v28 =	vor.u32 v50, v28;
	v29 =	vadd.s32 v29, v30;
	v30 =	vor.u32 v48, v49  }
0x292: {  	vm3 =	vgt.s32 v52, $0x0;
	v28 =	vxor.u32 v27, v28;
	v30 =	vxor.u32 v29, v30  }
0x293: {  	v28 =	vadd.s32 $0x3D7B32F, v28;
	v29 =	vadd.s32 $0xB5D62B03, v29;
	v30 =	vadd.s32 $0x3D7B332, v30  }
0x294: {  	v23 =	vperm.xlane v22, v8;
	v27 =	vadd.s32 v28, v27;
	v29 =	vxor.u32 v29, v30  }
0x295: {  	v54 =	vshrl.u32 v28, $0x13;
	v28 =	vshll.u32 v28, $0xD;
	v29 =	vshrl.u32 v29, $0x9  }
0x296: {  	v27 =	vadd.s32 $0xB5D62B03, v27;
	v28 =	vor.u32 v54, v28;
	v29 =	vor.u32 $0x3F800000, v29  }
0x297: {  	v26 =	vperm.xlane v24, v8;
	v28 =	vxor.u32 v27, v28;
	v29 =	vadd.f32 $-1.000000000e+00, v29  }
0x298: {  	v25 =	vperm.xlane v21, v8;
	v38 =	vshrl.u32 v28, $0x11;
	v39 =	vshll.u32 v28, $0xF  }
0x299: {  	s13 =	simm.s32 $0x20;
	v28 =	vadd.s32 v27, v28;
	v27 =	vor.u32 v38, v39;
	v37 =	vadd.f32 $-1.000000000e+09, v29  }
0x29a: {  	v31 =	vimm.f32 $-Inf;
	v30 =	vor.u32 s13, v4;
	v56 =	vxor.u32 v28, v27  }
0x29b: {  	v53 =	vadd.s32 $0xB1A83721, v30;
	v30 =	vadd.s32 $0xADD083F4, v30;
	v29 =	vsel vm3, v29, v37  }
0x29c: {  	v57 =	vshrl.u32 v56, $0x6;
	v58 =	vshll.u32 v56, $0x1A;
	vm3 =	vgt.f32 v29, v31  }
0x29d: {  	v55 =	vshrl.u32 v30, $0x13;
	v30 =	vshll.u32 v30, $0xD;
	v27 =	vsel vm3, v29, v31  }
0x29e: {  	v29 =	vor.u32 v55, v30;
	v30 =	vadd.s32 v28, v56;
	v28 =	vor.u32 v57, v58  }
0x29f: {  	v29 =	vxor.u32 v53, v29;
	v31 =	vxor.u32 v30, v28;
	v28 =	vsel vm3, v51, v45  }
0x2a0: {  	v59 =	vshrl.u32 v29, $0x11;
	v60 =	vshrl.u32 v31, $0x1A;
	v61 =	vshll.u32 v31, $0x6  }
0x2a1: {  	v62 =	vshll.u32 v29, $0xF;
	v30 =	vadd.s32 v30, v31;
	v31 =	vor.u32 v60, v61  }
0x2a2: {  	v35 =	vadd.s32 v53, v29;
	v29 =	vor.u32 v59, v62;
	v31 =	vxor.u32 v30, v31  }
0x2a3: {  	v33 =	vxor.u32 v35, v29;
	v29 =	vsel vm3, v52, v45;
	v31 =	vadd.s32 $0xADD083F7, v31  }
0x2a4: {  	v30 =	vadd.s32 v31, v30;
	v63 =	vshrl.u32 v31, $0xF;
	v31 =	vshll.u32 v31, $0x11  }
0x2a5: {  	s14 =	simm.s32 $0x30;
	v32 =	vadd.s32 v35, v33;
	v30 =	vadd.s32 $0x3D7B32D, v30;
	v31 =	vor.u32 v63, v31  }
.LBB2_8:
0x2a6: {  	p0 =	sne.s32 s14, $0x7F0;
	v34 =	vshrl.u32 v33, $0x6;
	v33 =	vshll.u32 v33, $0x1A;
	v31 =	vxor.u32 v30, v31  }
0x2a7: {  	v33 =	vor.u32 v34, v33;
	v34 =	vshrl.u32 v31, $0x3;
	v35 =	vshll.u32 v31, $0x1D  }
0x2a8: {  	v30 =	vadd.s32 v30, v31;
	v33 =	vxor.u32 v32, v33;
	v31 =	vor.u32 v34, v35  }
0x2a9: {  	v32 =	vadd.s32 v32, v33;
	v34 =	vshrl.u32 v33, $0x1A;
	v31 =	vxor.u32 v30, v31  }
0x2aa: {  	v33 =	vshll.u32 v33, $0x6;
	v35 =	vshrl.u32 v31, $0x10;
	v36 =	vshll.u32 v31, $0x10  }
0x2ab: {  	v33 =	vor.u32 v34, v33;
	v30 =	vadd.s32 v30, v31;
	v31 =	vor.u32 v35, v36  }
0x2ac: {  	v33 =	vxor.u32 v32, v33;
	v31 =	vxor.u32 v30, v31  }
0x2ad: {  	v33 =	vadd.s32 $0xB5D62B04, v33;
	v34 =	vshrl.u32 v31, $0x8;
	v35 =	vshll.u32 v31, $0x18  }
0x2ae: {  	v32 =	vadd.s32 v33, v32;
	v30 =	vadd.s32 v30, v31;
	v31 =	vor.u32 v34, v35  }
0x2af: {  	v34 =	vshrl.u32 v33, $0xF;
	v33 =	vshll.u32 v33, $0x11;
	v31 =	vxor.u32 v30, v31  }
0x2b0: {  	v32 =	vadd.s32 $0xADD083F4, v32;
	v33 =	vor.u32 v34, v33;
	v31 =	vadd.s32 $0xB5D62B07, v31  }
0x2b1: {  	v30 =	vadd.s32 v31, v30;
	v34 =	vshrl.u32 v31, $0x13;
	v31 =	vshll.u32 v31, $0xD  }
0x2b2: {  	v33 =	vxor.u32 v32, v33;
	v30 =	vadd.s32 $0xADD083F4, v30;
	v31 =	vor.u32 v34, v31  }
0x2b3: {  	v32 =	vadd.s32 v32, v33;
	v34 =	vshrl.u32 v33, $0x3;
	v31 =	vxor.u32 v30, v31  }
0x2b4: {  	v33 =	vshll.u32 v33, $0x1D;
	v35 =	vshrl.u32 v31, $0x11;
	v36 =	vshll.u32 v31, $0xF  }
0x2b5: {  	v33 =	vor.u32 v34, v33;
	v30 =	vadd.s32 v30, v31;
	v31 =	vor.u32 v35, v36  }
0x2b6: {  	v33 =	vxor.u32 v32, v33;
	v31 =	vxor.u32 v30, v31  }
0x2b7: {  	v34 =	vshrl.u32 v33, $0x10;
	v35 =	vshrl.u32 v31, $0x6;
	v36 =	vshll.u32 v31, $0x1A  }
0x2b8: {  	v37 =	vshll.u32 v33, $0x10;
	v30 =	vadd.s32 v30, v31;
	v31 =	vor.u32 v35, v36  }
0x2b9: {  	v32 =	vadd.s32 v32, v33;
	v33 =	vor.u32 v34, v37;
	v31 =	vxor.u32 v30, v31  }
0x2ba: {  	v33 =	vxor.u32 v32, v33;
	v34 =	vshrl.u32 v31, $0x1A;
	v35 =	vshll.u32 v31, $0x6  }
0x2bb: {  	v32 =	vadd.s32 v32, v33;
	v30 =	vadd.s32 v30, v31;
	v31 =	vor.u32 v34, v35  }
0x2bc: {  	s11 =	sadd.s32 $0x40, s11;
	v34 =	vshrl.u32 v33, $0x8;
	v33 =	vshll.u32 v33, $0x18;
	v31 =	vxor.u32 v30, v31  }
0x2bd: {  	s15 =	sand.u32 $0x70, s12;
	s16 =	sand.u32 $0x1E00, s11;
	v33 =	vor.u32 v34, v33;
	v30 =	vadd.s32 $0xB5D62B03, v30;
	v31 =	vadd.s32 $0x3D7B332, v31  }
0x2be: {  	s15 =	sor.u32 s15, s16;
	v34 =	vor.u32 s12, v0;
	s12 =	smov.u32 s13;
	s13 =	smov.u32 s14;
	v33 =	vxor.u32 v32, v33;
	v30 =	vxor.u32 v30, v31  }
0x2bf: {  	v31 =	vor.u32 s14, v4;
	v33 =	vadd.s32 $0x3D7B32F, v33;
	v35 =	vld [tilespmem:s15+$0x180];
	v30 =	vshrl.u32 v30, $0x9  }
0x2c0: {  	v36 =	vadd.s32 $0xB1A83721, v31;
	v32 =	vadd.s32 v33, v32;
	v30 =	vor.u32 $0x3F800000, v30  }
0x2c1: {  	v37 =	vshrl.u32 v33, $0x13;
	v33 =	vshll.u32 v33, $0xD;
	v30 =	vadd.f32 $-1.000000000e+00, v30  }
0x2c2: {  	v31 =	vadd.s32 $0xADD083F4, v31;
	v32 =	vadd.s32 $0xB5D62B03, v32;
	v33 =	vor.u32 v37, v33  }
0x2c3: {  	v37 =	vshrl.u32 v31, $0x13;
	v33 =	vxor.u32 v32, v33;
	v38 =	vadd.f32 $-1.000000000e+09, v30  }
0x2c4: {  	v39 =	vshrl.u32 v33, $0x11;
	v40 =	vshll.u32 v33, $0xF;
	vm3 =	vgt.s32 v35, $0x0  }
0x2c5: {  	v32 =	vadd.s32 v32, v33;
	v33 =	vor.u32 v39, v40;
	v30 =	vsel vm3, v30, v38  }
0x2c6: {  	v31 =	vshll.u32 v31, $0xD;
	v33 =	vxor.u32 v32, v33;
	vm3 =	vgt.f32 v30, v27  }
0x2c7: {  	v38 =	vshrl.u32 v33, $0x6;
	v39 =	vshll.u32 v33, $0x1A;
	v27 =	vsel vm3, v30, v27  }
0x2c8: {  	v30 =	vor.u32 v37, v31;
	v31 =	vadd.s32 v32, v33;
	v32 =	vor.u32 v38, v39  }
0x2c9: {  	v28 =	vsel vm3, v34, v28;
	v30 =	vxor.u32 v36, v30;
	v32 =	vxor.u32 v31, v32  }
0x2ca: {  	v33 =	vshrl.u32 v30, $0x11;
	v34 =	vshrl.u32 v32, $0x1A;
	v37 =	vshll.u32 v32, $0x6  }
.Ltmp3:
0x2cb: {  	v38 =	vshll.u32 v30, $0xF;
	v31 =	vadd.s32 v31, v32;
	v32 =	vor.u32 v34, v37;
	(pc) =	sbr.rel @p0 .LBB2_8-.Ltmp3, $4  }
0x2cc: {  	v30 =	vadd.s32 v36, v30;
	v33 =	vor.u32 v33, v38;
	v32 =	vxor.u32 v31, v32  }
0x2cd: {  	v29 =	vsel vm3, v35, v29;
	v33 =	vxor.u32 v30, v33;
	v32 =	vadd.s32 $0xADD083F7, v32  }
0x2ce: {  	v31 =	vadd.s32 v32, v31;
	v34 =	vshrl.u32 v32, $0xF;
	v35 =	vshll.u32 v32, $0x11  }
0x2cf: {  	s14 =	sadd.s32 $0x10, s14;
	v32 =	vadd.s32 v30, v33;
	v30 =	vadd.s32 $0x3D7B32D, v31;
	v31 =	vor.u32 v34, v35  }
0x2d0: {  	v34 =	vshrl.u32 v33, $0x6;
	v43 =	vshll.u32 v33, $0x1A  }
0x2d1: {  	v33 =	vor.u32 v34, v43  }
0x2d2: {  	v33 =	vxor.u32 v32, v33  }
0x2d3: {  	v44 =	vshrl.u32 v33, $0x1A;
	v35 =	vshll.u32 v33, $0x6  }
0x2d4: {  	v32 =	vadd.s32 v32, v33;
	v45 =	vor.u32 v44, v35  }
0x2d5: {  	v33 =	vxor.u32 v32, v45  }
0x2d6: {  	v33 =	vadd.s32 $0xB5D62B04, v33  }
0x2d7: {  	v32 =	vadd.s32 v33, v32;
	v46 =	vshrl.u32 v33, $0xF;
	v33 =	vshll.u32 v33, $0x11  }
0x2d8: {  	v32 =	vadd.s32 $0xADD083F4, v32;
	v33 =	vor.u32 v46, v33  }
0x2d9: {  	v33 =	vxor.u32 v32, v33  }
0x2da: {  	v47 =	vshrl.u32 v33, $0x3;
	v48 =	vshll.u32 v33, $0x1D  }
0x2db: {  	v32 =	vadd.s32 v32, v33;
	v49 =	vor.u32 v47, v48  }
0x2dc: {  	v33 =	vxor.u32 v32, v49  }
0x2dd: {  	v50 =	vshrl.u32 v33, $0x10;
	v51 =	vshll.u32 v33, $0x10  }
0x2de: {  	v32 =	vadd.s32 v32, v33;
	v52 =	vor.u32 v50, v51  }
0x2df: {  	v33 =	vxor.u32 v32, v52  }
0x2e0: {  	v53 =	vshrl.u32 v33, $0x8;
	v54 =	vshll.u32 v33, $0x18  }
0x2e1: {  	v32 =	vadd.s32 v32, v33;
	v55 =	vor.u32 v53, v54  }
0x2e2: {  	v33 =	vxor.u32 v32, v55  }
0x2e3: {  	v33 =	vadd.s32 $0x3D7B32F, v33  }
0x2e4: {  	v32 =	vadd.s32 v33, v32;
	v56 =	vshrl.u32 v33, $0x13;
	v33 =	vshll.u32 v33, $0xD  }
0x2e5: {  	v32 =	vadd.s32 $0xB5D62B03, v32;
	v33 =	vor.u32 v56, v33  }
0x2e6: {  	v31 =	vxor.u32 v30, v31;
	v33 =	vxor.u32 v32, v33  }
0x2e7: {  	v57 =	vshrl.u32 v31, $0x3;
	v58 =	vshrl.u32 v33, $0x11;
	v36 =	vshll.u32 v33, $0xF  }
0x2e8: {  	v37 =	vshll.u32 v31, $0x1D;
	v32 =	vadd.s32 v32, v33;
	v59 =	vor.u32 v58, v36  }
0x2e9: {  	v30 =	vadd.s32 v30, v31;
	v60 =	vor.u32 v57, v37;
	v33 =	vxor.u32 v32, v59  }
0x2ea: {  	v31 =	vxor.u32 v30, v60;
	v61 =	vshrl.u32 v33, $0x6;
	v62 =	vshll.u32 v33, $0x1A  }
0x2eb: {  	v63 =	vshrl.u32 v31, $0x10;
	v32 =	vadd.s32 v32, v33;
	v40 =	vor.u32 v61, v62  }
0x2ec: {  	v41 =	vshll.u32 v31, $0x10;
	v30 =	vadd.s32 v30, v31;
	v42 =	vxor.u32 v32, v40  }
0x2ed: {  	v43 =	vor.u32 v63, v41;
	v44 =	vshrl.u32 v42, $0x1A;
	v45 =	vshll.u32 v42, $0x6  }
0x2ee: {  	v33 =	vxor.u32 v30, v43;
	v31 =	vadd.s32 v32, v42;
	v46 =	vor.u32 v44, v45  }
0x2ef: {  	v47 =	vshrl.u32 v33, $0x8;
	v32 =	vxor.u32 v31, v46  }
0x2f0: {  	v48 =	vshll.u32 v33, $0x18;
	v30 =	vadd.s32 v30, v33;
	v32 =	vadd.s32 $0xADD083F7, v32  }
0x2f1: {  	v31 =	vadd.s32 v32, v31;
	v49 =	vshrl.u32 v32, $0xF;
	v32 =	vshll.u32 v32, $0x11  }
0x2f2: {  	v34 =	vor.u32 v47, v48;
	v31 =	vadd.s32 $0x3D7B32D, v31;
	v32 =	vor.u32 v49, v32  }
0x2f3: {  	v50 =	vxor.u32 v30, v34;
	v32 =	vxor.u32 v31, v32  }
0x2f4: {  	v33 =	vadd.s32 $0xB5D62B07, v50;
	v51 =	vshrl.u32 v32, $0x3;
	v52 =	vshll.u32 v32, $0x1D  }
0x2f5: {  	v30 =	vadd.s32 v33, v30;
	v31 =	vadd.s32 v31, v32;
	v53 =	vor.u32 v51, v52  }
0x2f6: {  	v54 =	vshrl.u32 v33, $0x13;
	v33 =	vshll.u32 v33, $0xD;
	v32 =	vxor.u32 v31, v53  }
0x2f7: {  	v30 =	vadd.s32 $0xADD083F4, v30;
	v55 =	vshrl.u32 v32, $0x10;
	v56 =	vshll.u32 v32, $0x10  }
0x2f8: {  	v33 =	vor.u32 v54, v33;
	v31 =	vadd.s32 v31, v32;
	v57 =	vor.u32 v55, v56  }
0x2f9: {  	v33 =	vxor.u32 v30, v33;
	v32 =	vxor.u32 v31, v57  }
0x2fa: {  	v58 =	vshrl.u32 v33, $0x11;
	v59 =	vshrl.u32 v32, $0x8;
	v60 =	vshll.u32 v32, $0x18  }
0x2fb: {  	v61 =	vshll.u32 v33, $0xF;
	v31 =	vadd.s32 v31, v32;
	v62 =	vor.u32 v59, v60  }
0x2fc: {  	v30 =	vadd.s32 v30, v33;
	v63 =	vor.u32 v58, v61;
	v32 =	vxor.u32 v31, v62  }
0x2fd: {  	v33 =	vxor.u32 v30, v63;
	v32 =	vadd.s32 $0xB5D62B07, v32  }
0x2fe: {  	v31 =	vadd.s32 v32, v31;
	v36 =	vshrl.u32 v32, $0x13;
	v32 =	vshll.u32 v32, $0xD  }
0x2ff: {  	v37 =	vshrl.u32 v33, $0x6;
	v31 =	vadd.s32 $0xADD083F4, v31;
	v32 =	vor.u32 v36, v32  }
0x300: {  	v38 =	vshll.u32 v33, $0x1A;
	v30 =	vadd.s32 v30, v33;
	v32 =	vxor.u32 v31, v32  }
0x301: {  	v39 =	vor.u32 v37, v38;
	v40 =	vshrl.u32 v32, $0x11;
	v41 =	vshll.u32 v32, $0xF  }
0x302: {  	v33 =	vxor.u32 v30, v39;
	v31 =	vadd.s32 v31, v32;
	v42 =	vor.u32 v40, v41  }
0x303: {  	v43 =	vshrl.u32 v33, $0x1A;
	v44 =	vshll.u32 v33, $0x6;
	v32 =	vxor.u32 v31, v42  }
0x304: {  	v30 =	vadd.s32 v30, v33;
	v45 =	vshrl.u32 v32, $0x6;
	v46 =	vshll.u32 v32, $0x1A  }
0x305: {  	v34 =	vor.u32 v43, v44;
	v31 =	vadd.s32 v31, v32;
	v47 =	vor.u32 v45, v46  }
0x306: {  	v48 =	vxor.u32 v30, v34;
	v32 =	vxor.u32 v31, v47  }
0x307: {  	s11 =	sadd.s32 $0x40, s11;
	v30 =	vadd.s32 $0xB5D62B03, v30;
	v49 =	vshrl.u32 v32, $0x1A;
	v50 =	vshll.u32 v32, $0x6  }
0x308: {  	s14 =	sand.u32 $0x70, s12;
	s15 =	sand.u32 $0x1E00, s11;
	s11 =	sadd.s32 $0x40, s11;
	v33 =	vadd.s32 $0x3D7B332, v48;
	v31 =	vadd.s32 v31, v32;
	v51 =	vor.u32 v49, v50  }
0x309: {  	s31 =	sand.u32 $0x70, s13;
	s14 =	sor.u32 s14, s15;
	s11 =	sand.u32 $0x1E00, s11;
	v30 =	vxor.u32 v30, v33;
	v32 =	vxor.u32 v31, v51  }
0x30a: {  	v52 =	vld [tilespmem:s14+$0x180];
	v30 =	vshrl.u32 v30, $0x9;
	v31 =	vadd.s32 $0xB5D62B03, v31;
	v32 =	vadd.s32 $0x3D7B332, v32  }
0x30b: {  	s11 =	sor.u32 s31, s11;
	v30 =	vor.u32 $0x3F800000, v30;
	v31 =	vxor.u32 v31, v32  }
0x30c: {  	v53 =	vld [tilespmem:s11+$0x180];
	v30 =	vadd.f32 $-1.000000000e+00, v30;
	v31 =	vshrl.u32 v31, $0x9  }
0x30d: {  	v31 =	vor.u32 $0x3F800000, v31  }
0x30e: {  	v54 =	vadd.f32 $-1.000000000e+09, v30;
	v31 =	vadd.f32 $-1.000000000e+00, v31  }
0x30f: {  	vm3 =	vgt.s32 v52, $0x0  }
0x310: {  	v30 =	vsel vm3, v30, v54;
	v55 =	vadd.f32 $-1.000000000e+09, v31  }
0x311: {  	vm4 =	vgt.s32 v53, $0x0;
	vm3 =	vgt.f32 v30, v27  }
0x312: {  	v56 =	vor.u32 s12, v0;
	v27 =	vsel vm3, v30, v27;
	v57 =	vsel vm4, v31, v55  }
0x313: {  	v58 =	vor.u32 s13, v0;
	v28 =	vsel vm3, v56, v28;
	vm4 =	vgt.f32 v57, v27  }
0x314: {  	v27 =	vsel vm4, v57, v27;
	v28 =	vsel vm4, v58, v28  }
0x315: {  	v30 =	vperm.xlane v27, v5;
	v31 =	vperm.xlane v28, v5;
	_ =	sdelay $0x1  }
0x316: {  	v29 =	vsel vm3, v52, v29;
	vm3 =	veq.f32 v30, v27;
	vm5 =	vlt.s32 v31, v28  }
0x317: {  	vm7 =	vgt.f32 v30, v27;
	vm3 =	vmand vm3, vm5  }
0x318: {  	vm6 =	vgt.f32 v12, v11;
	vm15 =	veq.f32 v12, v11;
	vm3 =	vmor vm7, vm3  }
0x319: {  	vm8 =	vlt.s32 v13, v10;
	v11 =	vmax.f32 v27, v30;
	v10 =	vsel vm3, v31, v28  }
0x31a: {  	vm14 =	vlt.s32 v20, v16;
	v59 =	vperm.xlane v11, v6;
	v60 =	vperm.xlane v10, v6  }
0x31b: {  	vm11 =	vmmov $0x1;
	v61 =	vsel vm4, v53, v29;
	vm5 =	vmand vm15, vm8  }
0x31c: {  	vm5 =	vmor vm6, vm5;
	vm12 =	veq.f32 v59, v11;
	vm13 =	vlt.s32 v60, v10  }
0x31d: {  	v9 =	vsel vm5, v14, v9;
	vm15 =	vgt.f32 v59, v11;
	vm5 =	vmand vm12, vm13  }
0x31e: {  	v62 =	vperm.xlane v61, v5;
	v11 =	vmax.f32 v11, v59;
	vm5 =	vmor vm15, vm5  }
0x31f: {  	vm4 =	veq.f32 v18, v17;
	v12 =	vperm.xlane v11, v7;
	v10 =	vsel vm5, v60, v10  }
0x320: {  	vm4 =	vmand vm4, vm14;
	v14 =	vsel vm3, v62, v61;
	v13 =	vperm.xlane v10, v7  }
0x321: {  	vm14 =	vlt.s32 v26, v24;
	v63 =	vperm.xlane v14, v6;
	vm3 =	veq.f32 v12, v11  }
0x322: {  	vm10 =	vgt.f32 v12, v11;
	v11 =	vmax.f32 v11, v12;
	vm15 =	vlt.s32 v13, v10  }
0x323: {  	vm12 =	vgt.f32 v18, v17;
	vm13 =	veq.f32 v23, v22;
	vm3 =	vmand vm3, vm15  }
0x324: {  	v12 =	vperm.xlane v11, v8;
	vm4 =	vmor vm12, vm4;
	vm3 =	vmor vm10, vm3  }
0x325: {  	vm6 =	vmand vm13, vm14;
	v14 =	vsel vm5, v63, v14;
	v10 =	vsel vm3, v13, v10  }
0x326: {  	vm12 =	vgt.f32 v23, v22;
	v16 =	vperm.xlane v14, v7;
	v13 =	vperm.xlane v10, v8  }
0x327: {  	v9 =	vnsel vm11, $0x0, v9;
	v15 =	vsel vm4, v19, v15;
	vm13 =	vmor vm12, vm6  }
0x328: {  	v14 =	vsel vm3, v16, v14;
	vm3 =	veq.f32 v12, v11;
	vm14 =	vlt.s32 v13, v10  }
0x329: {  	vm15 =	vgt.f32 v12, v11;
	v10 =	vperm.xlane v14, v8;
	vm3 =	vmand vm3, vm14  }
0x32a: {  	v9 =	vsel vm0, v9, v15;
	v11 =	vsel vm13, v25, v21;
	vm3 =	vmor vm15, vm3  }
0x32b: {  	s10 =	sadd.s32 $0x1, s10;
	v9 =	vsel vm1, v9, v11;
	v10 =	vsel vm3, v10, v14  }
0x32c: {  	p0 =	sne.s32 s10, s5;
	v9 =	vsel vm2, v9, v10  }
.Ltmp4:
0x32d: {  	[tilespmem:$0x2000] =	vst v9;
	(pc) =	sbr.rel @p0 .LBB2_1-.Ltmp4, $4  }
0x32e: {  	[hbm4b:s4+s2] =	stream.linear.scatter [tilespmem:s9], [sflag:$0x1], $0x80, $0x38;
	[tilespmem:$0x2080] =	vst v63  }
0x32f: {  	_ =	swait.ge [sflag:s8], $0x80  }
0x330: {  	[sflag:s8] =	ssyncset.done $0x0  }
0x331: {  	[sflag:s8] =	ssyncadd.s32 $0xFFFFFF80  }
0x332: {  	_ =	sfence.sel $0x180000  }
0x333: {  	[bflag:$0x0] =	sbarrier.arrive $0xFFFF  }
0x334: {  	p0 =	sne.s32 s0, $0x0;
	_ =	strace $0x90000047  }
0x335: {  	s0 =	sadd.s32 @!p0 $0x100000, s1;
	[bflag:$0x2] =	sbarrier.arrive $0xFFFF  }
0x336: {  	[sflag:s0] =	ssyncadd.tile.s32 @!p0 $0x1;
	_ =	shalt  }
.Lfunc_end2:
_tile_overlayer_lowered:
.L_overlay_start_2:
0x337: {  	(tag) =	ssettag $0x2  }
0x338: {  	s0 =	rddreg [dreg:$0x0];
	s2 =	stileid.u32  }
0x339: {  	s1 =	rddreg [dreg:$0x1];
	p0 =	sne.s32 s2, $0x0  }
0x33a: {  	s3 =	rddreg [dreg:$0x2];
	[bflag:$0x3] =	sbarrier.arrive $0xFFFF;
	s2 =	simm.s32 @!p0 $0x1C01  }
0x33b: {  	[timem:s3], [sflag:s2] =	dma.local @!p0 [hbm:s0], s1  }
0x33c: {  	s0 =	simm.s32 @!p0 $0x1  }
0x33d: {  	_ =	swait.ge @!p0 [sflag:s0], s1  }
0x33e: {  	s1 =	ssub.s32 @!p0 $0x0, s1;
	[sflag:s0] =	ssyncset.done @!p0 $0x0  }
0x33f: {  	[sflag:s0] =	ssyncadd.s32 @!p0 s1  }
0x340: {  	[bflag:$0x3] =	sbarrier.arrive $0xFFFF  }
0x341: {  	_ =	shalt  }

</sc_bundles>
